<compile_context>
chip_gen: v7x
topology: tpu7x:2x2x1
jax: 0.10.2.dev20260603
libtpu: 0.0.44.dev20260713+nightly
codegen_flags: <defaults>
</compile_context>

<pallas_src>
import dataclasses
import functools

import jax
import jax.numpy as jnp
from jax import lax
from jax.experimental import pallas as pl
from jax.experimental.pallas import tpu as pltpu
from jax.experimental.pallas import tpu_sc as plsc

N_NODES = 10000
N_EDGES = 320000
DIM = 128
NREL = 3
NGRAPH = 128
CLASSES = 64

NC = 2
NS = 16
PER_W = N_EDGES // (NC * NS)
CH = 80
NCHUNK = PER_W // CH
ROWS_PER_S = (N_NODES // NS) // 8 * 8
ROWS_REM = N_NODES - NS * ROWS_PER_S

_mesh = plsc.VectorSubcoreMesh(core_axis_name="c", subcore_axis_name="s")

_sc_params = pltpu.CompilerParams()
if "needs_layout_passes" in pltpu.CompilerParams.__dataclass_fields__:
    _sc_params = dataclasses.replace(_sc_params, needs_layout_passes=False)



@functools.partial(
    pl.kernel,
    out_type=jax.ShapeDtypeStruct((NC, N_NODES, DIM), jnp.float32),
    mesh=_mesh,
    scratch_types=[
        pltpu.VMEM_SHARED((N_NODES, DIM), jnp.float32),
        pltpu.VMEM((CH,), jnp.int32),
        pltpu.VMEM((CH,), jnp.int32),
        pltpu.VMEM((CH, DIM), jnp.float32),
    ],
    compiler_params=_sc_params,
)
def _sc_counts(didx_hbm, et_hbm, zeros_hbm, out_hbm, acc_sh, di_v, et_v,
               rows_v):
    c = lax.axis_index("c")
    s = lax.axis_index("s")
    base = (c * NS + s) * PER_W
    lanes = lax.iota(jnp.int32, 16)
    ones16 = jnp.ones((16,), jnp.float32)
    zeros16 = jnp.zeros((16,), jnp.float32)

    pltpu.sync_copy(zeros_hbm.at[pl.ds(0, CH)], rows_v)

    @pl.when(s == 0)
    def _():
        pltpu.sync_copy(zeros_hbm, acc_sh)

    plsc.subcore_barrier()

    @pl.loop(0, NCHUNK)
    def _(k):
        off = base + k * CH
        pltpu.sync_copy(didx_hbm.at[pl.ds(off, CH)], di_v)
        pltpu.sync_copy(et_hbm.at[pl.ds(off, CH)], et_v)

        for g in range(CH // 16):
            e16 = g * 16 + lanes
            t16 = et_v[pl.ds(g * 16, 16)]
            plsc.store_scatter(rows_v, [e16, t16 * 16], ones16)

        pltpu.sync_copy(rows_v, acc_sh.at[di_v], add=True)

        for g in range(CH // 16):
            e16 = g * 16 + lanes
            t16 = et_v[pl.ds(g * 16, 16)]
            plsc.store_scatter(rows_v, [e16, t16 * 16], zeros16)

    plsc.subcore_barrier()
    r0 = s * ROWS_PER_S
    pltpu.sync_copy(acc_sh.at[pl.ds(r0, ROWS_PER_S)],
                    out_hbm.at[c, pl.ds(r0, ROWS_PER_S)])

    @pl.when(s == 0)
    def _():
        rr = NS * ROWS_PER_S
        pltpu.sync_copy(acc_sh.at[pl.ds(rr, ROWS_REM)],
                        out_hbm.at[c, pl.ds(rr, ROWS_REM)])



@functools.partial(
    pl.kernel,
    out_type=jax.ShapeDtypeStruct((NC, N_NODES, DIM), jnp.float32),
    mesh=_mesh,
    scratch_types=[
        pltpu.VMEM_SHARED((N_NODES, DIM), jnp.float32),
        pltpu.VMEM((CH,), jnp.int32),
        pltpu.VMEM((CH,), jnp.int32),
        pltpu.VMEM((CH,), jnp.int32),
        pltpu.VMEM((CH,), jnp.int32),
        pltpu.VMEM((CH,), jnp.int32),
        pltpu.VMEM((CH,), jnp.int32),
        pltpu.VMEM((CH,), jnp.float32),
        pltpu.VMEM((CH,), jnp.float32),
        pltpu.VMEM((CH, DIM), jnp.float32),
        pltpu.VMEM((CH, DIM), jnp.float32),
        pltpu.SemaphoreType.DMA,
        pltpu.SemaphoreType.DMA,
        pltpu.SemaphoreType.DMA,
        pltpu.SemaphoreType.DMA,
    ],
    compiler_params=_sc_params,
)
def _sc_agg(hs_hbm, gidx_hbm, cidx_hbm, didx_hbm, stbl_hbm, zeros_hbm,
            out_hbm, acc_sh, gi0_v, ci0_v, di0_v, gi1_v, ci1_v, di1_v,
            sv0_v, sv1_v, rows0_v, rows1_v, semr0, semr1, sems0, sems1):
    c = lax.axis_index("c")
    s = lax.axis_index("s")
    base = (c * NS + s) * PER_W
    lanes = lax.iota(jnp.int32, 16)

    @pl.when(s == 0)
    def _():
        pltpu.sync_copy(zeros_hbm, acc_sh)

    plsc.subcore_barrier()

    def fetch(k, gi_v, ci_v, di_v, sv_v, rows_v, semr, sems):
        off = base + k * CH
        pltpu.sync_copy(gidx_hbm.at[pl.ds(off, CH)], gi_v)
        pltpu.async_copy(hs_hbm.at[gi_v], rows_v, semr)
        pltpu.sync_copy(cidx_hbm.at[pl.ds(off, CH)], ci_v)
        pltpu.async_copy(stbl_hbm.at[ci_v], sv_v, sems)
        pltpu.sync_copy(didx_hbm.at[pl.ds(off, CH)], di_v)

    def process(gi_v, ci_v, di_v, sv_v, rows_v, semr, sems):
        pltpu.make_async_copy(hs_hbm.at[gi_v], rows_v, semr).wait()
        pltpu.make_async_copy(stbl_hbm.at[ci_v], sv_v, sems).wait()
        @pl.loop(0, CH)
        def _(e):
            re = jnp.full((16,), e, jnp.int32)
            sc16 = plsc.load_gather(sv_v, [re])
            for j in range(DIM // 16):
                cj = j * 16 + lanes
                v = plsc.load_gather(rows_v, [re, cj])
                plsc.store_scatter(rows_v, [re, cj], v * sc16)

        pltpu.sync_copy(rows_v, acc_sh.at[di_v], add=True)

    fetch(0, gi0_v, ci0_v, di0_v, sv0_v, rows0_v, semr0, sems0)

    @pl.loop(0, (NCHUNK - 1) // 2)
    def _(j):
        fetch(2 * j + 1, gi1_v, ci1_v, di1_v, sv1_v, rows1_v, semr1, sems1)
        process(gi0_v, ci0_v, di0_v, sv0_v, rows0_v, semr0, sems0)
        fetch(2 * j + 2, gi0_v, ci0_v, di0_v, sv0_v, rows0_v, semr0, sems0)
        process(gi1_v, ci1_v, di1_v, sv1_v, rows1_v, semr1, sems1)

    process(gi0_v, ci0_v, di0_v, sv0_v, rows0_v, semr0, sems0)

    plsc.subcore_barrier()
    r0 = s * ROWS_PER_S
    pltpu.sync_copy(acc_sh.at[pl.ds(r0, ROWS_PER_S)],
                    out_hbm.at[c, pl.ds(r0, ROWS_PER_S)])

    @pl.when(s == 0)
    def _():
        rr = NS * ROWS_PER_S
        pltpu.sync_copy(acc_sh.at[pl.ds(rr, ROWS_REM)],
                        out_hbm.at[c, pl.ds(rr, ROWS_REM)])



def _mm_rel_body(x_ref, w_ref, o_ref):
    o_ref[...] = jnp.dot(x_ref[...], w_ref[0], preferred_element_type=jnp.float32)


_mm_rel = pl.pallas_call(
    _mm_rel_body,
    grid=(NREL,),
    in_specs=[pl.BlockSpec((N_NODES, DIM), lambda r: (0, 0)),
              pl.BlockSpec((1, DIM, DIM), lambda r: (r, 0, 0))],
    out_specs=pl.BlockSpec((N_NODES, DIM), lambda r: (r, 0)),
    out_shape=jax.ShapeDtypeStruct((NREL * N_NODES, DIM), jnp.float32),
)


def _recip_body(c_ref, o_ref):
    o_ref[...] = 1.0 / jnp.maximum(c_ref[0] + c_ref[1], 1.0)


_recip = pl.pallas_call(
    _recip_body,
    in_specs=[pl.BlockSpec((NC, N_NODES, DIM), lambda: (0, 0, 0))],
    out_specs=pl.BlockSpec((N_NODES, DIM), lambda: (0, 0)),
    out_shape=jax.ShapeDtypeStruct((N_NODES, DIM), jnp.float32),
)


def _mid_body(x_ref, wr_ref, b_ref, a0_ref, a1_ref, wrel_ref, h_ref, hs_ref):
    r = pl.program_id(0)

    @pl.when(r == 0)
    def _():
        h_ref[...] = jnp.maximum(
            jnp.dot(x_ref[...], wr_ref[...], preferred_element_type=jnp.float32)
            + b_ref[...] + a0_ref[...] + a1_ref[...], 0.0)

    hs_ref[...] = jnp.dot(h_ref[...], wrel_ref[0],
                          preferred_element_type=jnp.float32)


_mid = pl.pallas_call(
    _mid_body,
    grid=(NREL,),
    in_specs=[
        pl.BlockSpec((N_NODES, DIM), lambda r: (0, 0)),
        pl.BlockSpec((DIM, DIM), lambda r: (0, 0)),
        pl.BlockSpec((1, DIM), lambda r: (0, 0)),
        pl.BlockSpec((N_NODES, DIM), lambda r: (0, 0)),
        pl.BlockSpec((N_NODES, DIM), lambda r: (0, 0)),
        pl.BlockSpec((1, DIM, DIM), lambda r: (r, 0, 0)),
    ],
    out_specs=[pl.BlockSpec((N_NODES, DIM), lambda r: (0, 0)),
               pl.BlockSpec((N_NODES, DIM), lambda r: (r, 0))],
    out_shape=[jax.ShapeDtypeStruct((N_NODES, DIM), jnp.float32),
               jax.ShapeDtypeStruct((NREL * N_NODES, DIM), jnp.float32)],
)


def _final_body(h1_ref, wr_ref, b_ref, a0_ref, a1_ref, g_ref, lw_ref, lb_ref,
                o_ref):
    h2 = jnp.maximum(
        jnp.dot(h1_ref[...], wr_ref[...], preferred_element_type=jnp.float32)
        + b_ref[...] + a0_ref[...] + a1_ref[...], 0.0)
    gids = lax.broadcasted_iota(jnp.int32, (1, NGRAPH), 1)
    p = (g_ref[...] == gids).astype(jnp.float32)
    sums = lax.dot_general(p, h2, (((0,), (0,)), ((), ())),
                           preferred_element_type=jnp.float32)
    cnts = jnp.sum(p, axis=0)
    pooled = sums / jnp.maximum(cnts, 1.0)[:, None]
    o_ref[...] = (jnp.dot(pooled, lw_ref[...], preferred_element_type=jnp.float32)
                  + lb_ref[...])


_final = pl.pallas_call(
    _final_body,
    in_specs=[
        pl.BlockSpec((N_NODES, DIM), lambda: (0, 0)),
        pl.BlockSpec((DIM, DIM), lambda: (0, 0)),
        pl.BlockSpec((1, DIM), lambda: (0, 0)),
        pl.BlockSpec((N_NODES, DIM), lambda: (0, 0)),
        pl.BlockSpec((N_NODES, DIM), lambda: (0, 0)),
        pl.BlockSpec((N_NODES, 1), lambda: (0, 0)),
        pl.BlockSpec((DIM, CLASSES), lambda: (0, 0)),
        pl.BlockSpec((1, CLASSES), lambda: (0, 0)),
    ],
    out_specs=pl.BlockSpec((NGRAPH, CLASSES), lambda: (0, 0)),
    out_shape=jax.ShapeDtypeStruct((NGRAPH, CLASSES), jnp.float32),
)


def kernel(x, edge_index, edge_type, batch, w1_rel, w1_root, b1,
           w2_rel, w2_root, b2, lin_w, lin_b):
    src = edge_index[0].astype(jnp.int32)
    dst = edge_index[1].astype(jnp.int32)
    et = edge_type.astype(jnp.int32)
    gidx = et * N_NODES + src
    cidx = et * N_NODES + dst
    zeros_agg = jnp.zeros((N_NODES, DIM), jnp.float32)

    cnt_parts = _sc_counts(dst, et, zeros_agg)
    s2d = _recip(cnt_parts)
    stbl = jnp.concatenate([s2d[:, 16 * r] for r in range(NREL)])
    hs1 = _mm_rel(x, w1_rel)
    agg1 = _sc_agg(hs1, gidx, cidx, dst, stbl, zeros_agg)
    h1, hs2 = _mid(x, w1_root, b1.reshape(1, DIM), agg1[0], agg1[1], w2_rel)
    agg2 = _sc_agg(hs2, gidx, cidx, dst, stbl, zeros_agg)
    return _final(h1, w2_root, b2.reshape(1, DIM), agg2[0], agg2[1],
                  batch.astype(jnp.int32).reshape(N_NODES, 1),
                  lin_w, lin_b.reshape(1, CLASSES))

# --- scband reference (transcript-rebuilt; emitter-appended) ---
"""Pipeline reference for scband-rspr-88648124990728 (READ-ONLY COPY).

The authoritative reference and input builder live on the scoring server;
editing this copy changes nothing except your own understanding.
"""

import jax, jax.numpy as jnp
import numpy as np

N = 10000
E = 320000
IN_DIM = 128
HID = 128
CLASSES = 64
NUM_REL = 3
NUM_GRAPHS = 128


def setup_inputs(seed: int = 0) -> dict:
    key = jax.random.key(seed)
    ks = jax.random.split(key, 12)
    x = jax.random.normal(ks[0], (N, IN_DIM), dtype=jnp.float32)
    edge_index = jax.random.randint(ks[1], (2, E), 0, N, dtype=jnp.int64)
    edge_type = jax.random.randint(ks[2], (E,), 0, NUM_REL, dtype=jnp.int64)
    batch = jnp.sort(jax.random.randint(ks[3], (N,), 0, NUM_GRAPHS, dtype=jnp.int64))
    s_in = 1.0 / np.sqrt(IN_DIM)
    s_hid = 1.0 / np.sqrt(HID)
    w1_rel = jax.random.normal(ks[4], (NUM_REL, IN_DIM, HID), dtype=jnp.float32) * s_in
    w1_root = jax.random.normal(ks[5], (IN_DIM, HID), dtype=jnp.float32) * s_in
    b1 = jnp.zeros((HID,), dtype=jnp.float32)
    w2_rel = jax.random.normal(ks[6], (NUM_REL, HID, HID), dtype=jnp.float32) * s_hid
    w2_root = jax.random.normal(ks[7], (HID, HID), dtype=jnp.float32) * s_hid
    b2 = jnp.zeros((HID,), dtype=jnp.float32)
    lin_w = jax.random.normal(ks[8], (HID, CLASSES), dtype=jnp.float32) * s_hid
    lin_b = jnp.zeros((CLASSES,), dtype=jnp.float32)
    return {"x": x, "edge_index": edge_index, "edge_type": edge_type, "batch": batch,
            "w1_rel": w1_rel, "w1_root": w1_root, "b1": b1,
            "w2_rel": w2_rel, "w2_root": w2_root, "b2": b2,
            "lin_w": lin_w, "lin_b": lin_b}


def _rgcn_conv(x, edge_index, edge_type, w_rel, w_root, b):
    # RGCNConv with mean aggregation per relation:
    # x_i' = W_root x_i + b + sum_r mean_{j in N_r(i)} W_r x_j
    n = x.shape[0]
    src = edge_index[0]
    dst = edge_index[1]
    out = x @ w_root + b
    for r in range(NUM_REL):
        mask = (edge_type == r).astype(x.dtype)
        h = x @ w_rel[r]
        msgs = jnp.take(h, src, axis=0) * mask[:, None]
        agg = jax.ops.segment_sum(msgs, dst, num_segments=n)
        cnt = jax.ops.segment_sum(mask, dst, num_segments=n)
        out = out + agg / jnp.clip(cnt, 1.0, None)[:, None]
    return out


def reference(x, edge_index, edge_type, batch, w1_rel, w1_root, b1, w2_rel, w2_root, b2, lin_w, lin_b):
    h = jax.nn.relu(_rgcn_conv(x, edge_index, edge_type, w1_rel, w1_root, b1))
    h = jax.nn.relu(_rgcn_conv(h, edge_index, edge_type, w2_rel, w2_root, b2))
    # global_mean_pool over batch ids
    sums = jax.ops.segment_sum(h, batch, num_segments=NUM_GRAPHS)
    cnts = jax.ops.segment_sum(jnp.ones((h.shape[0],), dtype=h.dtype), batch, num_segments=NUM_GRAPHS)
    pooled = sums / jnp.clip(cnts, 1.0, None)[:, None]
    return pooled @ lin_w + lin_b

if __name__ == "__main__":
    import jax
    _d = setup_inputs()
    print(jax.jit(kernel)(*tuple(_d.values())))

</pallas_src>

<mosaic_0001>
#map = affine_map<(d0, d1) -> (0)>
#map1 = affine_map<(d0, d1) -> (0, 0)>
#map2 = affine_map<(d0, d1) -> (0, 0, 0)>
module attributes {stable_mosaic.version = 14 : i64} {
  func.func @_sc_counts(%arg0: i32, %arg1: i32, %arg2: memref<320000xi32, #tpu.memory_space<hbm>>, %arg3: memref<320000xi32, #tpu.memory_space<hbm>>, %arg4: memref<10000x128xf32, #tpu.memory_space<hbm>>, %arg5: memref<2x10000x128xf32, #tpu.memory_space<hbm>>, %arg6: memref<10000x128xf32, #tpu.memory_space<vmem_shared>>, %arg7: memref<80xi32, #tpu.memory_space<vmem>>, %arg8: memref<80xi32, #tpu.memory_space<vmem>>, %arg9: memref<80x128xf32, #tpu.memory_space<vmem>>) attributes {dimension_semantics = [#tpu.dimension_semantics<core_parallel>, #tpu.dimension_semantics<subcore_parallel>], iteration_bounds = array<i64: 2, 16>, scalar_prefetch = 0 : i64, scratch_operands = 4 : i64, tpu.core_type = #tpu.core_type<sc_vector_subcore>, window_params = [{transform_indices = #map}, {transform_indices = #map}, {transform_indices = #map1}, {transform_indices = #map2}]} {
    %mul3A = arith.constant 16 : i32
    %mul3A_0 = arith.muli %arg0, %mul3A : i32
    %add3A = arith.addi %mul3A_0, %arg1 : i32
    %mul3A_1 = arith.constant 10000 : i32
    %mul3A_2 = arith.muli %add3A, %mul3A_1 : i32
    %iota3A = tpu.iota {dimensions = array<i32: 0>} : vector<16xi32>
    %broadcast_in_dim3A = arith.constant 1.000000e+00 : f32
    %broadcast_in_dim3A_3 = vector.broadcast %broadcast_in_dim3A : f32 to vector<16xf32>
    %broadcast_in_dim3A_4 = arith.constant 0.000000e+00 : f32
    %broadcast_in_dim3A_5 = vector.broadcast %broadcast_in_dim3A_4 : f32 to vector<16xf32>
    "tpu.region"() ({
      %run_scoped3A = tpu.sem_alloc : memref<!tpu.dma_semaphore, #tpu.memory_space<semaphore_mem>>
      %dma_start3A = arith.constant 0 : i32
      %dma_start3A_20 = arith.constant 0 : i32
      %dma_start3A_21 = tpu.memref_slice %arg4[%dma_start3A, %dma_start3A_20] : memref<10000x128xf32, #tpu.memory_space<hbm>> -> memref<80x128xf32, #tpu.memory_space<hbm>>
      %dma_start3A_22 = arith.constant 0 : i32
      %dma_start3A_23 = arith.constant 0 : i32
      %dma_start3A_24 = tpu.memref_slice %arg4[%dma_start3A_22, %dma_start3A_23] : memref<10000x128xf32, #tpu.memory_space<hbm>> -> memref<80x128xf32, #tpu.memory_space<hbm>>
      tpu.enqueue_dma source(%dma_start3A_24 : memref<80x128xf32, #tpu.memory_space<hbm>>) target(%arg9 : memref<80x128xf32, #tpu.memory_space<vmem>>) target_semaphore(%run_scoped3A : memref<!tpu.dma_semaphore, #tpu.memory_space<semaphore_mem>>)
      %dma_wait3A = arith.constant 0 : i32
      %dma_wait3A_25 = arith.constant 0 : i32
      %dma_wait3A_26 = tpu.memref_slice %arg4[%dma_wait3A, %dma_wait3A_25] : memref<10000x128xf32, #tpu.memory_space<hbm>> -> memref<80x128xf32, #tpu.memory_space<hbm>>
      %dma_wait3A_27 = arith.constant 0 : i32
      %dma_wait3A_28 = arith.constant 0 : i32
      %dma_wait3A_29 = tpu.memref_slice %arg4[%dma_wait3A_27, %dma_wait3A_28] : memref<10000x128xf32, #tpu.memory_space<hbm>> -> memref<80x128xf32, #tpu.memory_space<hbm>>
      tpu.wait_dma2 semaphore(%run_scoped3A : memref<!tpu.dma_semaphore, #tpu.memory_space<semaphore_mem>>) src(%dma_wait3A_29 : memref<80x128xf32, #tpu.memory_space<hbm>>) dst(%arg9 : memref<80x128xf32, #tpu.memory_space<vmem>>)
      tpu.yield
    }) : () -> ()
    %eq3A = arith.constant 0 : i32
    %eq3A_6 = arith.cmpi eq, %arg1, %eq3A : i32
    %convert_element_type3A = arith.extui %eq3A_6 : i1 to i32
    %cond3A = arith.constant 0 : i32
    %cond3A_7 = arith.cmpi ne, %convert_element_type3A, %cond3A : i32
    scf.if %cond3A_7 {
      "tpu.region"() ({
        %run_scoped3A = tpu.sem_alloc : memref<!tpu.dma_semaphore, #tpu.memory_space<semaphore_mem>>
        tpu.enqueue_dma source(%arg4 : memref<10000x128xf32, #tpu.memory_space<hbm>>) target(%arg6 : memref<10000x128xf32, #tpu.memory_space<vmem_shared>>) target_semaphore(%run_scoped3A : memref<!tpu.dma_semaphore, #tpu.memory_space<semaphore_mem>>)
        tpu.wait_dma2 semaphore(%run_scoped3A : memref<!tpu.dma_semaphore, #tpu.memory_space<semaphore_mem>>) src(%arg4 : memref<10000x128xf32, #tpu.memory_space<hbm>>) dst(%arg6 : memref<10000x128xf32, #tpu.memory_space<vmem_shared>>)
        tpu.yield
      }) : () -> ()
    } else {
    }
    %barrier3A = arith.constant 0 : index
    tpu.barrier barrier_id(%barrier3A)
    %scan3A = arith.constant 0 : i32
    %scan3A_8 = arith.constant 125 : i32
    %scan3A_9 = arith.addi %scan3A, %scan3A_8 : i32
    %scan3A_10 = arith.constant 1 : i32
    scf.for %scan3A_20 = %scan3A to %scan3A_9 step %scan3A_10  : i32 {
      %mul3A_21 = arith.constant 1 : i32
      %mul3A_22 = arith.muli %scan3A_20, %mul3A_21 : i32
      %add3A_23 = arith.constant 0 : i32
      %add3A_24 = arith.addi %add3A_23, %mul3A_22 : i32
      %mul3A_25 = arith.constant 80 : i32
      %mul3A_26 = arith.muli %add3A_24, %mul3A_25 : i32
      %add3A_27 = arith.addi %mul3A_2, %mul3A_26 : i32
      "tpu.region"() ({
        %run_scoped3A = tpu.sem_alloc : memref<!tpu.dma_semaphore, #tpu.memory_space<semaphore_mem>>
        %dma_start3A = tpu.memref_slice %arg2[%add3A_27] : memref<320000xi32, #tpu.memory_space<hbm>> -> memref<80xi32, #tpu.memory_space<hbm>>
        %dma_start3A_107 = tpu.memref_slice %arg2[%add3A_27] : memref<320000xi32, #tpu.memory_space<hbm>> -> memref<80xi32, #tpu.memory_space<hbm>>
        tpu.enqueue_dma source(%dma_start3A_107 : memref<80xi32, #tpu.memory_space<hbm>>) target(%arg7 : memref<80xi32, #tpu.memory_space<vmem>>) target_semaphore(%run_scoped3A : memref<!tpu.dma_semaphore, #tpu.memory_space<semaphore_mem>>)
        %dma_wait3A = tpu.memref_slice %arg2[%add3A_27] : memref<320000xi32, #tpu.memory_space<hbm>> -> memref<80xi32, #tpu.memory_space<hbm>>
        %dma_wait3A_108 = tpu.memref_slice %arg2[%add3A_27] : memref<320000xi32, #tpu.memory_space<hbm>> -> memref<80xi32, #tpu.memory_space<hbm>>
        tpu.wait_dma2 semaphore(%run_scoped3A : memref<!tpu.dma_semaphore, #tpu.memory_space<semaphore_mem>>) src(%dma_wait3A_108 : memref<80xi32, #tpu.memory_space<hbm>>) dst(%arg7 : memref<80xi32, #tpu.memory_space<vmem>>)
        tpu.yield
      }) : () -> ()
      "tpu.region"() ({
        %run_scoped3A = tpu.sem_alloc : memref<!tpu.dma_semaphore, #tpu.memory_space<semaphore_mem>>
        %dma_start3A = tpu.memref_slice %arg3[%add3A_27] : memref<320000xi32, #tpu.memory_space<hbm>> -> memref<80xi32, #tpu.memory_space<hbm>>
        %dma_start3A_107 = tpu.memref_slice %arg3[%add3A_27] : memref<320000xi32, #tpu.memory_space<hbm>> -> memref<80xi32, #tpu.memory_space<hbm>>
        tpu.enqueue_dma source(%dma_start3A_107 : memref<80xi32, #tpu.memory_space<hbm>>) target(%arg8 : memref<80xi32, #tpu.memory_space<vmem>>) target_semaphore(%run_scoped3A : memref<!tpu.dma_semaphore, #tpu.memory_space<semaphore_mem>>)
        %dma_wait3A = tpu.memref_slice %arg3[%add3A_27] : memref<320000xi32, #tpu.memory_space<hbm>> -> memref<80xi32, #tpu.memory_space<hbm>>
        %dma_wait3A_108 = tpu.memref_slice %arg3[%add3A_27] : memref<320000xi32, #tpu.memory_space<hbm>> -> memref<80xi32, #tpu.memory_space<hbm>>
        tpu.wait_dma2 semaphore(%run_scoped3A : memref<!tpu.dma_semaphore, #tpu.memory_space<semaphore_mem>>) src(%dma_wait3A_108 : memref<80xi32, #tpu.memory_space<hbm>>) dst(%arg8 : memref<80xi32, #tpu.memory_space<vmem>>)
        tpu.yield
      }) : () -> ()
      %add3A_28 = arith.constant 0 : i32
      %add3A_29 = vector.broadcast %add3A_28 : i32 to vector<16xi32>
      %add3A_30 = arith.addi %add3A_29, %iota3A : vector<16xi32>
      %get3A = arith.constant 0 : index
      %get3A_31 = tpu.vector_load %arg8[%get3A] {strides = array<i32>} : memref<80xi32, #tpu.memory_space<vmem>>, vector<16xi32>,
      %mul3A_32 = arith.constant 16 : i32
      %mul3A_33 = vector.broadcast %mul3A_32 : i32 to vector<16xi32>
      %mul3A_34 = arith.muli %get3A_31, %mul3A_33 : vector<16xi32>
      tpu.vector_store_idx %arg9[%add3A_30, %mul3A_34], %broadcast_in_dim3A_3 : memref<80x128xf32, #tpu.memory_space<vmem>>[vector<16xi32>, vector<16xi32>], vector<16xf32>,
      %add3A_35 = arith.constant 16 : i32
      %add3A_36 = vector.broadcast %add3A_35 : i32 to vector<16xi32>
      %add3A_37 = arith.addi %add3A_36, %iota3A : vector<16xi32>
      %get3A_38 = arith.constant 16 : index
      %get3A_39 = tpu.vector_load %arg8[%get3A_38] {strides = array<i32>} : memref<80xi32, #tpu.memory_space<vmem>>, vector<16xi32>,
      %mul3A_40 = arith.constant 16 : i32
      %mul3A_41 = vector.broadcast %mul3A_40 : i32 to vector<16xi32>
      %mul3A_42 = arith.muli %get3A_39, %mul3A_41 : vector<16xi32>
      tpu.vector_store_idx %arg9[%add3A_37, %mul3A_42], %broadcast_in_dim3A_3 : memref<80x128xf32, #tpu.memory_space<vmem>>[vector<16xi32>, vector<16xi32>], vector<16xf32>,
      %add3A_43 = arith.constant 32 : i32
      %add3A_44 = vector.broadcast %add3A_43 : i32 to vector<16xi32>
      %add3A_45 = arith.addi %add3A_44, %iota3A : vector<16xi32>
      %get3A_46 = arith.constant 32 : index
      %get3A_47 = tpu.vector_load %arg8[%get3A_46] {strides = array<i32>} : memref<80xi32, #tpu.memory_space<vmem>>, vector<16xi32>,
      %mul3A_48 = arith.constant 16 : i32
      %mul3A_49 = vector.broadcast %mul3A_48 : i32 to vector<16xi32>
      %mul3A_50 = arith.muli %get3A_47, %mul3A_49 : vector<16xi32>
      tpu.vector_store_idx %arg9[%add3A_45, %mul3A_50], %broadcast_in_dim3A_3 : memref<80x128xf32, #tpu.memory_space<vmem>>[vector<16xi32>, vector<16xi32>], vector<16xf32>,
      %add3A_51 = arith.constant 48 : i32
      %add3A_52 = vector.broadcast %add3A_51 : i32 to vector<16xi32>
      %add3A_53 = arith.addi %add3A_52, %iota3A : vector<16xi32>
      %get3A_54 = arith.constant 48 : index
      %get3A_55 = tpu.vector_load %arg8[%get3A_54] {strides = array<i32>} : memref<80xi32, #tpu.memory_space<vmem>>, vector<16xi32>,
      %mul3A_56 = arith.constant 16 : i32
      %mul3A_57 = vector.broadcast %mul3A_56 : i32 to vector<16xi32>
      %mul3A_58 = arith.muli %get3A_55, %mul3A_57 : vector<16xi32>
      tpu.vector_store_idx %arg9[%add3A_53, %mul3A_58], %broadcast_in_dim3A_3 : memref<80x128xf32, #tpu.memory_space<vmem>>[vector<16xi32>, vector<16xi32>], vector<16xf32>,
      %add3A_59 = arith.constant 64 : i32
      %add3A_60 = vector.broadcast %add3A_59 : i32 to vector<16xi32>
      %add3A_61 = arith.addi %add3A_60, %iota3A : vector<16xi32>
      %get3A_62 = arith.constant 64 : index
      %get3A_63 = tpu.vector_load %arg8[%get3A_62] {strides = array<i32>} : memref<80xi32, #tpu.memory_space<vmem>>, vector<16xi32>,
      %mul3A_64 = arith.constant 16 : i32
      %mul3A_65 = vector.broadcast %mul3A_64 : i32 to vector<16xi32>
      %mul3A_66 = arith.muli %get3A_63, %mul3A_65 : vector<16xi32>
      tpu.vector_store_idx %arg9[%add3A_61, %mul3A_66], %broadcast_in_dim3A_3 : memref<80x128xf32, #tpu.memory_space<vmem>>[vector<16xi32>, vector<16xi32>], vector<16xf32>,
      "tpu.region"() ({
        %run_scoped3A = tpu.sem_alloc : memref<!tpu.dma_semaphore, #tpu.memory_space<semaphore_mem>>
        %dma_start3A = arith.constant 0 : i32
        %dma_start3A_107 = arith.constant 0 : i32
        %dma_start3A_108 = tpu.memref_slice %arg6[%dma_start3A, %dma_start3A_107] : memref<10000x128xf32, #tpu.memory_space<vmem_shared>> -> memref<10000x128xf32, #tpu.memory_space<vmem_shared>>
        tpu.enqueue_indirect_dma source(%arg9 : memref<80x128xf32, #tpu.memory_space<vmem>>) target(%dma_start3A_108 : memref<10000x128xf32, #tpu.memory_space<vmem_shared>>) offsets(%arg7 : memref<80xi32, #tpu.memory_space<vmem>>) semaphore(%run_scoped3A : memref<!tpu.dma_semaphore, #tpu.memory_space<semaphore_mem>>) {add = true}
        %dma_wait3A = arith.constant 0 : i32
        %dma_wait3A_109 = arith.constant 0 : i32
        %dma_wait3A_110 = tpu.memref_slice %arg6[%dma_wait3A, %dma_wait3A_109] : memref<10000x128xf32, #tpu.memory_space<vmem_shared>> -> memref<10000x128xf32, #tpu.memory_space<vmem_shared>>
        tpu.wait_indirect_dma semaphore(%run_scoped3A : memref<!tpu.dma_semaphore, #tpu.memory_space<semaphore_mem>>) src(%arg9 : memref<80x128xf32, #tpu.memory_space<vmem>>) dst(%dma_wait3A_110 : memref<10000x128xf32, #tpu.memory_space<vmem_shared>>)
        tpu.yield
      }) : () -> ()
      %add3A_67 = arith.constant 0 : i32
      %add3A_68 = vector.broadcast %add3A_67 : i32 to vector<16xi32>
      %add3A_69 = arith.addi %add3A_68, %iota3A : vector<16xi32>
      %get3A_70 = arith.constant 0 : index
      %get3A_71 = tpu.vector_load %arg8[%get3A_70] {strides = array<i32>} : memref<80xi32, #tpu.memory_space<vmem>>, vector<16xi32>,
      %mul3A_72 = arith.constant 16 : i32
      %mul3A_73 = vector.broadcast %mul3A_72 : i32 to vector<16xi32>
      %mul3A_74 = arith.muli %get3A_71, %mul3A_73 : vector<16xi32>
      tpu.vector_store_idx %arg9[%add3A_69, %mul3A_74], %broadcast_in_dim3A_5 : memref<80x128xf32, #tpu.memory_space<vmem>>[vector<16xi32>, vector<16xi32>], vector<16xf32>,
      %add3A_75 = arith.constant 16 : i32
      %add3A_76 = vector.broadcast %add3A_75 : i32 to vector<16xi32>
      %add3A_77 = arith.addi %add3A_76, %iota3A : vector<16xi32>
      %get3A_78 = arith.constant 16 : index
      %get3A_79 = tpu.vector_load %arg8[%get3A_78] {strides = array<i32>} : memref<80xi32, #tpu.memory_space<vmem>>, vector<16xi32>,
      %mul3A_80 = arith.constant 16 : i32
      %mul3A_81 = vector.broadcast %mul3A_80 : i32 to vector<16xi32>
      %mul3A_82 = arith.muli %get3A_79, %mul3A_81 : vector<16xi32>
      tpu.vector_store_idx %arg9[%add3A_77, %mul3A_82], %broadcast_in_dim3A_5 : memref<80x128xf32, #tpu.memory_space<vmem>>[vector<16xi32>, vector<16xi32>], vector<16xf32>,
      %add3A_83 = arith.constant 32 : i32
      %add3A_84 = vector.broadcast %add3A_83 : i32 to vector<16xi32>
      %add3A_85 = arith.addi %add3A_84, %iota3A : vector<16xi32>
      %get3A_86 = arith.constant 32 : index
      %get3A_87 = tpu.vector_load %arg8[%get3A_86] {strides = array<i32>} : memref<80xi32, #tpu.memory_space<vmem>>, vector<16xi32>,
      %mul3A_88 = arith.constant 16 : i32
      %mul3A_89 = vector.broadcast %mul3A_88 : i32 to vector<16xi32>
      %mul3A_90 = arith.muli %get3A_87, %mul3A_89 : vector<16xi32>
      tpu.vector_store_idx %arg9[%add3A_85, %mul3A_90], %broadcast_in_dim3A_5 : memref<80x128xf32, #tpu.memory_space<vmem>>[vector<16xi32>, vector<16xi32>], vector<16xf32>,
      %add3A_91 = arith.constant 48 : i32
      %add3A_92 = vector.broadcast %add3A_91 : i32 to vector<16xi32>
      %add3A_93 = arith.addi %add3A_92, %iota3A : vector<16xi32>
      %get3A_94 = arith.constant 48 : index
      %get3A_95 = tpu.vector_load %arg8[%get3A_94] {strides = array<i32>} : memref<80xi32, #tpu.memory_space<vmem>>, vector<16xi32>,
      %mul3A_96 = arith.constant 16 : i32
      %mul3A_97 = vector.broadcast %mul3A_96 : i32 to vector<16xi32>
      %mul3A_98 = arith.muli %get3A_95, %mul3A_97 : vector<16xi32>
      tpu.vector_store_idx %arg9[%add3A_93, %mul3A_98], %broadcast_in_dim3A_5 : memref<80x128xf32, #tpu.memory_space<vmem>>[vector<16xi32>, vector<16xi32>], vector<16xf32>,
      %add3A_99 = arith.constant 64 : i32
      %add3A_100 = vector.broadcast %add3A_99 : i32 to vector<16xi32>
      %add3A_101 = arith.addi %add3A_100, %iota3A : vector<16xi32>
      %get3A_102 = arith.constant 64 : index
      %get3A_103 = tpu.vector_load %arg8[%get3A_102] {strides = array<i32>} : memref<80xi32, #tpu.memory_space<vmem>>, vector<16xi32>,
      %mul3A_104 = arith.constant 16 : i32
      %mul3A_105 = vector.broadcast %mul3A_104 : i32 to vector<16xi32>
      %mul3A_106 = arith.muli %get3A_103, %mul3A_105 : vector<16xi32>
      tpu.vector_store_idx %arg9[%add3A_101, %mul3A_106], %broadcast_in_dim3A_5 : memref<80x128xf32, #tpu.memory_space<vmem>>[vector<16xi32>, vector<16xi32>], vector<16xf32>,
    }
    %scan3A_11 = arith.constant 125 : i32
    %barrier3A_12 = arith.constant 0 : index
    tpu.barrier barrier_id(%barrier3A_12)
    %mul3A_13 = arith.constant 624 : i32
    %mul3A_14 = arith.muli %arg1, %mul3A_13 : i32
    "tpu.region"() ({
      %run_scoped3A = tpu.sem_alloc : memref<!tpu.dma_semaphore, #tpu.memory_space<semaphore_mem>>
      %dma_start3A = arith.constant 0 : i32
      %dma_start3A_20 = tpu.memref_slice %arg5[%arg0, %mul3A_14, %dma_start3A] : memref<2x10000x128xf32, #tpu.memory_space<hbm>> -> memref<1x624x128xf32, #tpu.memory_space<hbm>>
      %dma_start3A_21 = tpu.memref_squeeze %dma_start3A_20 : memref<1x624x128xf32, #tpu.memory_space<hbm>> -> memref<624x128xf32, #tpu.memory_space<hbm>>
      %dma_start3A_22 = arith.constant 0 : i32
      %dma_start3A_23 = tpu.memref_slice %arg6[%mul3A_14, %dma_start3A_22] : memref<10000x128xf32, #tpu.memory_space<vmem_shared>> -> memref<624x128xf32, #tpu.memory_space<vmem_shared>>
      tpu.enqueue_dma source(%dma_start3A_23 : memref<624x128xf32, #tpu.memory_space<vmem_shared>>) target(%dma_start3A_21 : memref<624x128xf32, #tpu.memory_space<hbm>>) target_semaphore(%run_scoped3A : memref<!tpu.dma_semaphore, #tpu.memory_space<semaphore_mem>>)
      %dma_wait3A = arith.constant 0 : i32
      %dma_wait3A_24 = tpu.memref_slice %arg5[%arg0, %mul3A_14, %dma_wait3A] : memref<2x10000x128xf32, #tpu.memory_space<hbm>> -> memref<1x624x128xf32, #tpu.memory_space<hbm>>
      %dma_wait3A_25 = tpu.memref_squeeze %dma_wait3A_24 : memref<1x624x128xf32, #tpu.memory_space<hbm>> -> memref<624x128xf32, #tpu.memory_space<hbm>>
      %dma_wait3A_26 = arith.constant 0 : i32
      %dma_wait3A_27 = tpu.memref_slice %arg6[%mul3A_14, %dma_wait3A_26] : memref<10000x128xf32, #tpu.memory_space<vmem_shared>> -> memref<624x128xf32, #tpu.memory_space<vmem_shared>>
      tpu.wait_dma2 semaphore(%run_scoped3A : memref<!tpu.dma_semaphore, #tpu.memory_space<semaphore_mem>>) src(%dma_wait3A_27 : memref<624x128xf32, #tpu.memory_space<vmem_shared>>) dst(%dma_wait3A_25 : memref<624x128xf32, #tpu.memory_space<hbm>>)
      tpu.yield
    }) : () -> ()
    %eq3A_15 = arith.constant 0 : i32
    %eq3A_16 = arith.cmpi eq, %arg1, %eq3A_15 : i32
    %convert_element_type3A_17 = arith.extui %eq3A_16 : i1 to i32
    %cond3A_18 = arith.constant 0 : i32
    %cond3A_19 = arith.cmpi ne, %convert_element_type3A_17, %cond3A_18 : i32
    scf.if %cond3A_19 {
      "tpu.region"() ({
        %run_scoped3A = tpu.sem_alloc : memref<!tpu.dma_semaphore, #tpu.memory_space<semaphore_mem>>
        %dma_start3A = arith.constant 9984 : i32
        %dma_start3A_20 = arith.constant 0 : i32
        %dma_start3A_21 = tpu.memref_slice %arg5[%arg0, %dma_start3A, %dma_start3A_20] : memref<2x10000x128xf32, #tpu.memory_space<hbm>> -> memref<1x16x128xf32, #tpu.memory_space<hbm>>
        %dma_start3A_22 = tpu.memref_squeeze %dma_start3A_21 : memref<1x16x128xf32, #tpu.memory_space<hbm>> -> memref<16x128xf32, #tpu.memory_space<hbm>>
        %dma_start3A_23 = arith.constant 9984 : i32
        %dma_start3A_24 = arith.constant 0 : i32
        %dma_start3A_25 = tpu.memref_slice %arg6[%dma_start3A_23, %dma_start3A_24] : memref<10000x128xf32, #tpu.memory_space<vmem_shared>> -> memref<16x128xf32, #tpu.memory_space<vmem_shared>>
        tpu.enqueue_dma source(%dma_start3A_25 : memref<16x128xf32, #tpu.memory_space<vmem_shared>>) target(%dma_start3A_22 : memref<16x128xf32, #tpu.memory_space<hbm>>) target_semaphore(%run_scoped3A : memref<!tpu.dma_semaphore, #tpu.memory_space<semaphore_mem>>)
        %dma_wait3A = arith.constant 9984 : i32
        %dma_wait3A_26 = arith.constant 0 : i32
        %dma_wait3A_27 = tpu.memref_slice %arg5[%arg0, %dma_wait3A, %dma_wait3A_26] : memref<2x10000x128xf32, #tpu.memory_space<hbm>> -> memref<1x16x128xf32, #tpu.memory_space<hbm>>
        %dma_wait3A_28 = tpu.memref_squeeze %dma_wait3A_27 : memref<1x16x128xf32, #tpu.memory_space<hbm>> -> memref<16x128xf32, #tpu.memory_space<hbm>>
        %dma_wait3A_29 = arith.constant 9984 : i32
        %dma_wait3A_30 = arith.constant 0 : i32
        %dma_wait3A_31 = tpu.memref_slice %arg6[%dma_wait3A_29, %dma_wait3A_30] : memref<10000x128xf32, #tpu.memory_space<vmem_shared>> -> memref<16x128xf32, #tpu.memory_space<vmem_shared>>
        tpu.wait_dma2 semaphore(%run_scoped3A : memref<!tpu.dma_semaphore, #tpu.memory_space<semaphore_mem>>) src(%dma_wait3A_31 : memref<16x128xf32, #tpu.memory_space<vmem_shared>>) dst(%dma_wait3A_28 : memref<16x128xf32, #tpu.memory_space<hbm>>)
        tpu.yield
      }) : () -> ()
    } else {
    }
    return
  }
}

#map = affine_map<(d0, d1) -> (0, 0)>
#map1 = affine_map<(d0, d1) -> (0)>
#map2 = affine_map<(d0, d1) -> (0, 0, 0)>
module attributes {stable_mosaic.version = 14 : i64} {
  func.func @_sc_agg(%arg0: i32, %arg1: i32, %arg2: memref<30000x128xf32, #tpu.memory_space<hbm>>, %arg3: memref<320000xi32, #tpu.memory_space<hbm>>, %arg4: memref<320000xi32, #tpu.memory_space<hbm>>, %arg5: memref<320000xi32, #tpu.memory_space<hbm>>, %arg6: memref<30000xf32, #tpu.memory_space<hbm>>, %arg7: memref<10000x128xf32, #tpu.memory_space<hbm>>, %arg8: memref<2x10000x128xf32, #tpu.memory_space<hbm>>, %arg9: memref<10000x128xf32, #tpu.memory_space<vmem_shared>>, %arg10: memref<80xi32, #tpu.memory_space<vmem>>, %arg11: memref<80xi32, #tpu.memory_space<vmem>>, %arg12: memref<80xi32, #tpu.memory_space<vmem>>, %arg13: memref<80xi32, #tpu.memory_space<vmem>>, %arg14: memref<80xi32, #tpu.memory_space<vmem>>, %arg15: memref<80xi32, #tpu.memory_space<vmem>>, %arg16: memref<80xf32, #tpu.memory_space<vmem>>, %arg17: memref<80xf32, #tpu.memory_space<vmem>>, %arg18: memref<80x128xf32, #tpu.memory_space<vmem>>, %arg19: memref<80x128xf32, #tpu.memory_space<vmem>>, %arg20: memref<!tpu.dma_semaphore, #tpu.memory_space<semaphore_mem>>, %arg21: memref<!tpu.dma_semaphore, #tpu.memory_space<semaphore_mem>>, %arg22: memref<!tpu.dma_semaphore, #tpu.memory_space<semaphore_mem>>, %arg23: memref<!tpu.dma_semaphore, #tpu.memory_space<semaphore_mem>>) attributes {dimension_semantics = [#tpu.dimension_semantics<core_parallel>, #tpu.dimension_semantics<subcore_parallel>], iteration_bounds = array<i64: 2, 16>, scalar_prefetch = 0 : i64, scratch_operands = 15 : i64, tpu.core_type = #tpu.core_type<sc_vector_subcore>, window_params = [{transform_indices = #map}, {transform_indices = #map1}, {transform_indices = #map1}, {transform_indices = #map1}, {transform_indices = #map1}, {transform_indices = #map}, {transform_indices = #map2}]} {
    %mul3A = arith.constant 16 : i32
    %mul3A_0 = arith.muli %arg0, %mul3A : i32
    %add3A = arith.addi %mul3A_0, %arg1 : i32
    %mul3A_1 = arith.constant 10000 : i32
    %mul3A_2 = arith.muli %add3A, %mul3A_1 : i32
    %iota3A = tpu.iota {dimensions = array<i32: 0>} : vector<16xi32>
    %eq3A = arith.constant 0 : i32
    %eq3A_3 = arith.cmpi eq, %arg1, %eq3A : i32
    %convert_element_type3A = arith.extui %eq3A_3 : i1 to i32
    %cond3A = arith.constant 0 : i32
    %cond3A_4 = arith.cmpi ne, %convert_element_type3A, %cond3A : i32
    scf.if %cond3A_4 {
      "tpu.region"() ({
        %run_scoped3A = tpu.sem_alloc : memref<!tpu.dma_semaphore, #tpu.memory_space<semaphore_mem>>
        tpu.enqueue_dma source(%arg7 : memref<10000x128xf32, #tpu.memory_space<hbm>>) target(%arg9 : memref<10000x128xf32, #tpu.memory_space<vmem_shared>>) target_semaphore(%run_scoped3A : memref<!tpu.dma_semaphore, #tpu.memory_space<semaphore_mem>>)
        tpu.wait_dma2 semaphore(%run_scoped3A : memref<!tpu.dma_semaphore, #tpu.memory_space<semaphore_mem>>) src(%arg7 : memref<10000x128xf32, #tpu.memory_space<hbm>>) dst(%arg9 : memref<10000x128xf32, #tpu.memory_space<vmem_shared>>)
        tpu.yield
      }) : () -> ()
    } else {
    }
    %barrier3A = arith.constant 0 : index
    tpu.barrier barrier_id(%barrier3A)
    %add3A_5 = arith.constant 0 : i32
    %add3A_6 = arith.addi %mul3A_2, %add3A_5 : i32
    "tpu.region"() ({
      %run_scoped3A = tpu.sem_alloc : memref<!tpu.dma_semaphore, #tpu.memory_space<semaphore_mem>>
      %dma_start3A_32 = tpu.memref_slice %arg3[%add3A_6] : memref<320000xi32, #tpu.memory_space<hbm>> -> memref<80xi32, #tpu.memory_space<hbm>>
      %dma_start3A_33 = tpu.memref_slice %arg3[%add3A_6] : memref<320000xi32, #tpu.memory_space<hbm>> -> memref<80xi32, #tpu.memory_space<hbm>>
      tpu.enqueue_dma source(%dma_start3A_33 : memref<80xi32, #tpu.memory_space<hbm>>) target(%arg10 : memref<80xi32, #tpu.memory_space<vmem>>) target_semaphore(%run_scoped3A : memref<!tpu.dma_semaphore, #tpu.memory_space<semaphore_mem>>)
      %dma_wait3A_34 = tpu.memref_slice %arg3[%add3A_6] : memref<320000xi32, #tpu.memory_space<hbm>> -> memref<80xi32, #tpu.memory_space<hbm>>
      %dma_wait3A_35 = tpu.memref_slice %arg3[%add3A_6] : memref<320000xi32, #tpu.memory_space<hbm>> -> memref<80xi32, #tpu.memory_space<hbm>>
      tpu.wait_dma2 semaphore(%run_scoped3A : memref<!tpu.dma_semaphore, #tpu.memory_space<semaphore_mem>>) src(%dma_wait3A_35 : memref<80xi32, #tpu.memory_space<hbm>>) dst(%arg10 : memref<80xi32, #tpu.memory_space<vmem>>)
      tpu.yield
    }) : () -> ()
    %dma_start3A = arith.constant 0 : i32
    %dma_start3A_7 = arith.constant 0 : i32
    %dma_start3A_8 = tpu.memref_slice %arg2[%dma_start3A, %dma_start3A_7] : memref<30000x128xf32, #tpu.memory_space<hbm>> -> memref<30000x128xf32, #tpu.memory_space<hbm>>
    tpu.enqueue_indirect_dma source(%dma_start3A_8 : memref<30000x128xf32, #tpu.memory_space<hbm>>) target(%arg18 : memref<80x128xf32, #tpu.memory_space<vmem>>) offsets(%arg10 : memref<80xi32, #tpu.memory_space<vmem>>) semaphore(%arg20 : memref<!tpu.dma_semaphore, #tpu.memory_space<semaphore_mem>>)
    "tpu.region"() ({
      %run_scoped3A = tpu.sem_alloc : memref<!tpu.dma_semaphore, #tpu.memory_space<semaphore_mem>>
      %dma_start3A_32 = tpu.memref_slice %arg4[%add3A_6] : memref<320000xi32, #tpu.memory_space<hbm>> -> memref<80xi32, #tpu.memory_space<hbm>>
      %dma_start3A_33 = tpu.memref_slice %arg4[%add3A_6] : memref<320000xi32, #tpu.memory_space<hbm>> -> memref<80xi32, #tpu.memory_space<hbm>>
      tpu.enqueue_dma source(%dma_start3A_33 : memref<80xi32, #tpu.memory_space<hbm>>) target(%arg11 : memref<80xi32, #tpu.memory_space<vmem>>) target_semaphore(%run_scoped3A : memref<!tpu.dma_semaphore, #tpu.memory_space<semaphore_mem>>)
      %dma_wait3A_34 = tpu.memref_slice %arg4[%add3A_6] : memref<320000xi32, #tpu.memory_space<hbm>> -> memref<80xi32, #tpu.memory_space<hbm>>
      %dma_wait3A_35 = tpu.memref_slice %arg4[%add3A_6] : memref<320000xi32, #tpu.memory_space<hbm>> -> memref<80xi32, #tpu.memory_space<hbm>>
      tpu.wait_dma2 semaphore(%run_scoped3A : memref<!tpu.dma_semaphore, #tpu.memory_space<semaphore_mem>>) src(%dma_wait3A_35 : memref<80xi32, #tpu.memory_space<hbm>>) dst(%arg11 : memref<80xi32, #tpu.memory_space<vmem>>)
      tpu.yield
    }) : () -> ()
    %dma_start3A_9 = arith.constant 0 : i32
    %dma_start3A_10 = tpu.memref_slice %arg6[%dma_start3A_9] : memref<30000xf32, #tpu.memory_space<hbm>> -> memref<30000xf32, #tpu.memory_space<hbm>>
    tpu.enqueue_indirect_dma source(%dma_start3A_10 : memref<30000xf32, #tpu.memory_space<hbm>>) target(%arg16 : memref<80xf32, #tpu.memory_space<vmem>>) offsets(%arg11 : memref<80xi32, #tpu.memory_space<vmem>>) semaphore(%arg22 : memref<!tpu.dma_semaphore, #tpu.memory_space<semaphore_mem>>)
    "tpu.region"() ({
      %run_scoped3A = tpu.sem_alloc : memref<!tpu.dma_semaphore, #tpu.memory_space<semaphore_mem>>
      %dma_start3A_32 = tpu.memref_slice %arg5[%add3A_6] : memref<320000xi32, #tpu.memory_space<hbm>> -> memref<80xi32, #tpu.memory_space<hbm>>
      %dma_start3A_33 = tpu.memref_slice %arg5[%add3A_6] : memref<320000xi32, #tpu.memory_space<hbm>> -> memref<80xi32, #tpu.memory_space<hbm>>
      tpu.enqueue_dma source(%dma_start3A_33 : memref<80xi32, #tpu.memory_space<hbm>>) target(%arg12 : memref<80xi32, #tpu.memory_space<vmem>>) target_semaphore(%run_scoped3A : memref<!tpu.dma_semaphore, #tpu.memory_space<semaphore_mem>>)
      %dma_wait3A_34 = tpu.memref_slice %arg5[%add3A_6] : memref<320000xi32, #tpu.memory_space<hbm>> -> memref<80xi32, #tpu.memory_space<hbm>>
      %dma_wait3A_35 = tpu.memref_slice %arg5[%add3A_6] : memref<320000xi32, #tpu.memory_space<hbm>> -> memref<80xi32, #tpu.memory_space<hbm>>
      tpu.wait_dma2 semaphore(%run_scoped3A : memref<!tpu.dma_semaphore, #tpu.memory_space<semaphore_mem>>) src(%dma_wait3A_35 : memref<80xi32, #tpu.memory_space<hbm>>) dst(%arg12 : memref<80xi32, #tpu.memory_space<vmem>>)
      tpu.yield
    }) : () -> ()
    %scan3A = arith.constant 0 : i32
    %scan3A_11 = arith.constant 62 : i32
    %scan3A_12 = arith.addi %scan3A, %scan3A_11 : i32
    %scan3A_13 = arith.constant 1 : i32
    scf.for %scan3A_32 = %scan3A to %scan3A_12 step %scan3A_13  : i32 {
      %mul3A_33 = arith.constant 1 : i32
      %mul3A_34 = arith.muli %scan3A_32, %mul3A_33 : i32
      %add3A_35 = arith.constant 0 : i32
      %add3A_36 = arith.addi %add3A_35, %mul3A_34 : i32
      %mul3A_37 = arith.constant 2 : i32
      %mul3A_38 = arith.muli %mul3A_37, %add3A_36 : i32
      %add3A_39 = arith.constant 1 : i32
      %add3A_40 = arith.addi %mul3A_38, %add3A_39 : i32
      %mul3A_41 = arith.constant 80 : i32
      %mul3A_42 = arith.muli %add3A_40, %mul3A_41 : i32
      %add3A_43 = arith.addi %mul3A_2, %mul3A_42 : i32
      "tpu.region"() ({
        %run_scoped3A = tpu.sem_alloc : memref<!tpu.dma_semaphore, #tpu.memory_space<semaphore_mem>>
        %dma_start3A_81 = tpu.memref_slice %arg3[%add3A_43] : memref<320000xi32, #tpu.memory_space<hbm>> -> memref<80xi32, #tpu.memory_space<hbm>>
        %dma_start3A_82 = tpu.memref_slice %arg3[%add3A_43] : memref<320000xi32, #tpu.memory_space<hbm>> -> memref<80xi32, #tpu.memory_space<hbm>>
        tpu.enqueue_dma source(%dma_start3A_82 : memref<80xi32, #tpu.memory_space<hbm>>) target(%arg13 : memref<80xi32, #tpu.memory_space<vmem>>) target_semaphore(%run_scoped3A : memref<!tpu.dma_semaphore, #tpu.memory_space<semaphore_mem>>)
        %dma_wait3A_83 = tpu.memref_slice %arg3[%add3A_43] : memref<320000xi32, #tpu.memory_space<hbm>> -> memref<80xi32, #tpu.memory_space<hbm>>
        %dma_wait3A_84 = tpu.memref_slice %arg3[%add3A_43] : memref<320000xi32, #tpu.memory_space<hbm>> -> memref<80xi32, #tpu.memory_space<hbm>>
        tpu.wait_dma2 semaphore(%run_scoped3A : memref<!tpu.dma_semaphore, #tpu.memory_space<semaphore_mem>>) src(%dma_wait3A_84 : memref<80xi32, #tpu.memory_space<hbm>>) dst(%arg13 : memref<80xi32, #tpu.memory_space<vmem>>)
        tpu.yield
      }) : () -> ()
      %dma_start3A_44 = arith.constant 0 : i32
      %dma_start3A_45 = arith.constant 0 : i32
      %dma_start3A_46 = tpu.memref_slice %arg2[%dma_start3A_44, %dma_start3A_45] : memref<30000x128xf32, #tpu.memory_space<hbm>> -> memref<30000x128xf32, #tpu.memory_space<hbm>>
      tpu.enqueue_indirect_dma source(%dma_start3A_46 : memref<30000x128xf32, #tpu.memory_space<hbm>>) target(%arg19 : memref<80x128xf32, #tpu.memory_space<vmem>>) offsets(%arg13 : memref<80xi32, #tpu.memory_space<vmem>>) semaphore(%arg21 : memref<!tpu.dma_semaphore, #tpu.memory_space<semaphore_mem>>)
      "tpu.region"() ({
        %run_scoped3A = tpu.sem_alloc : memref<!tpu.dma_semaphore, #tpu.memory_space<semaphore_mem>>
        %dma_start3A_81 = tpu.memref_slice %arg4[%add3A_43] : memref<320000xi32, #tpu.memory_space<hbm>> -> memref<80xi32, #tpu.memory_space<hbm>>
        %dma_start3A_82 = tpu.memref_slice %arg4[%add3A_43] : memref<320000xi32, #tpu.memory_space<hbm>> -> memref<80xi32, #tpu.memory_space<hbm>>
        tpu.enqueue_dma source(%dma_start3A_82 : memref<80xi32, #tpu.memory_space<hbm>>) target(%arg14 : memref<80xi32, #tpu.memory_space<vmem>>) target_semaphore(%run_scoped3A : memref<!tpu.dma_semaphore, #tpu.memory_space<semaphore_mem>>)
        %dma_wait3A_83 = tpu.memref_slice %arg4[%add3A_43] : memref<320000xi32, #tpu.memory_space<hbm>> -> memref<80xi32, #tpu.memory_space<hbm>>
        %dma_wait3A_84 = tpu.memref_slice %arg4[%add3A_43] : memref<320000xi32, #tpu.memory_space<hbm>> -> memref<80xi32, #tpu.memory_space<hbm>>
        tpu.wait_dma2 semaphore(%run_scoped3A : memref<!tpu.dma_semaphore, #tpu.memory_space<semaphore_mem>>) src(%dma_wait3A_84 : memref<80xi32, #tpu.memory_space<hbm>>) dst(%arg14 : memref<80xi32, #tpu.memory_space<vmem>>)
        tpu.yield
      }) : () -> ()
      %dma_start3A_47 = arith.constant 0 : i32
      %dma_start3A_48 = tpu.memref_slice %arg6[%dma_start3A_47] : memref<30000xf32, #tpu.memory_space<hbm>> -> memref<30000xf32, #tpu.memory_space<hbm>>
      tpu.enqueue_indirect_dma source(%dma_start3A_48 : memref<30000xf32, #tpu.memory_space<hbm>>) target(%arg17 : memref<80xf32, #tpu.memory_space<vmem>>) offsets(%arg14 : memref<80xi32, #tpu.memory_space<vmem>>) semaphore(%arg23 : memref<!tpu.dma_semaphore, #tpu.memory_space<semaphore_mem>>)
      "tpu.region"() ({
        %run_scoped3A = tpu.sem_alloc : memref<!tpu.dma_semaphore, #tpu.memory_space<semaphore_mem>>
        %dma_start3A_81 = tpu.memref_slice %arg5[%add3A_43] : memref<320000xi32, #tpu.memory_space<hbm>> -> memref<80xi32, #tpu.memory_space<hbm>>
        %dma_start3A_82 = tpu.memref_slice %arg5[%add3A_43] : memref<320000xi32, #tpu.memory_space<hbm>> -> memref<80xi32, #tpu.memory_space<hbm>>
        tpu.enqueue_dma source(%dma_start3A_82 : memref<80xi32, #tpu.memory_space<hbm>>) target(%arg15 : memref<80xi32, #tpu.memory_space<vmem>>) target_semaphore(%run_scoped3A : memref<!tpu.dma_semaphore, #tpu.memory_space<semaphore_mem>>)
        %dma_wait3A_83 = tpu.memref_slice %arg5[%add3A_43] : memref<320000xi32, #tpu.memory_space<hbm>> -> memref<80xi32, #tpu.memory_space<hbm>>
        %dma_wait3A_84 = tpu.memref_slice %arg5[%add3A_43] : memref<320000xi32, #tpu.memory_space<hbm>> -> memref<80xi32, #tpu.memory_space<hbm>>
        tpu.wait_dma2 semaphore(%run_scoped3A : memref<!tpu.dma_semaphore, #tpu.memory_space<semaphore_mem>>) src(%dma_wait3A_84 : memref<80xi32, #tpu.memory_space<hbm>>) dst(%arg15 : memref<80xi32, #tpu.memory_space<vmem>>)
        tpu.yield
      }) : () -> ()
      %dma_wait3A_49 = arith.constant 0 : i32
      %dma_wait3A_50 = arith.constant 0 : i32
      %dma_wait3A_51 = tpu.memref_slice %arg2[%dma_wait3A_49, %dma_wait3A_50] : memref<30000x128xf32, #tpu.memory_space<hbm>> -> memref<30000x128xf32, #tpu.memory_space<hbm>>
      tpu.wait_indirect_dma semaphore(%arg20 : memref<!tpu.dma_semaphore, #tpu.memory_space<semaphore_mem>>) src(%dma_wait3A_51 : memref<30000x128xf32, #tpu.memory_space<hbm>>) dst(%arg18 : memref<80x128xf32, #tpu.memory_space<vmem>>)
      %dma_wait3A_52 = arith.constant 0 : i32
      %dma_wait3A_53 = tpu.memref_slice %arg6[%dma_wait3A_52] : memref<30000xf32, #tpu.memory_space<hbm>> -> memref<30000xf32, #tpu.memory_space<hbm>>
      tpu.wait_indirect_dma semaphore(%arg22 : memref<!tpu.dma_semaphore, #tpu.memory_space<semaphore_mem>>) src(%dma_wait3A_53 : memref<30000xf32, #tpu.memory_space<hbm>>) dst(%arg16 : memref<80xf32, #tpu.memory_space<vmem>>)
      %scan3A_54 = arith.constant 0 : i32
      %scan3A_55 = arith.constant 80 : i32
      %scan3A_56 = arith.addi %scan3A_54, %scan3A_55 : i32
      %scan3A_57 = arith.constant 1 : i32
      scf.for %scan3A_81 = %scan3A_54 to %scan3A_56 step %scan3A_57  : i32 {
        %mul3A_82 = arith.constant 1 : i32
        %mul3A_83 = arith.muli %scan3A_81, %mul3A_82 : i32
        %add3A_84 = arith.constant 0 : i32
        %add3A_85 = arith.addi %add3A_84, %mul3A_83 : i32
        %broadcast_in_dim3A = vector.broadcast %add3A_85 : i32 to vector<16xi32>
        %gather3A = tpu.vector_load_idx %arg16[%broadcast_in_dim3A] : memref<80xf32, #tpu.memory_space<vmem>>[vector<16xi32>], vector<16xf32>,
        %add3A_86 = arith.constant 0 : i32
        %add3A_87 = vector.broadcast %add3A_86 : i32 to vector<16xi32>
        %add3A_88 = arith.addi %add3A_87, %iota3A : vector<16xi32>
        %gather3A_89 = tpu.vector_load_idx %arg18[%broadcast_in_dim3A, %add3A_88] : memref<80x128xf32, #tpu.memory_space<vmem>>[vector<16xi32>, vector<16xi32>], vector<16xf32>,
        %mul3A_90 = arith.mulf %gather3A_89, %gather3A : vector<16xf32>
        tpu.vector_store_idx %arg18[%broadcast_in_dim3A, %add3A_88], %mul3A_90 : memref<80x128xf32, #tpu.memory_space<vmem>>[vector<16xi32>, vector<16xi32>], vector<16xf32>,
        %add3A_91 = arith.constant 16 : i32
        %add3A_92 = vector.broadcast %add3A_91 : i32 to vector<16xi32>
        %add3A_93 = arith.addi %add3A_92, %iota3A : vector<16xi32>
        %gather3A_94 = tpu.vector_load_idx %arg18[%broadcast_in_dim3A, %add3A_93] : memref<80x128xf32, #tpu.memory_space<vmem>>[vector<16xi32>, vector<16xi32>], vector<16xf32>,
        %mul3A_95 = arith.mulf %gather3A_94, %gather3A : vector<16xf32>
        tpu.vector_store_idx %arg18[%broadcast_in_dim3A, %add3A_93], %mul3A_95 : memref<80x128xf32, #tpu.memory_space<vmem>>[vector<16xi32>, vector<16xi32>], vector<16xf32>,
        %add3A_96 = arith.constant 32 : i32
        %add3A_97 = vector.broadcast %add3A_96 : i32 to vector<16xi32>
        %add3A_98 = arith.addi %add3A_97, %iota3A : vector<16xi32>
        %gather3A_99 = tpu.vector_load_idx %arg18[%broadcast_in_dim3A, %add3A_98] : memref<80x128xf32, #tpu.memory_space<vmem>>[vector<16xi32>, vector<16xi32>], vector<16xf32>,
        %mul3A_100 = arith.mulf %gather3A_99, %gather3A : vector<16xf32>
        tpu.vector_store_idx %arg18[%broadcast_in_dim3A, %add3A_98], %mul3A_100 : memref<80x128xf32, #tpu.memory_space<vmem>>[vector<16xi32>, vector<16xi32>], vector<16xf32>,
        %add3A_101 = arith.constant 48 : i32
        %add3A_102 = vector.broadcast %add3A_101 : i32 to vector<16xi32>
        %add3A_103 = arith.addi %add3A_102, %iota3A : vector<16xi32>
        %gather3A_104 = tpu.vector_load_idx %arg18[%broadcast_in_dim3A, %add3A_103] : memref<80x128xf32, #tpu.memory_space<vmem>>[vector<16xi32>, vector<16xi32>], vector<16xf32>,
        %mul3A_105 = arith.mulf %gather3A_104, %gather3A : vector<16xf32>
        tpu.vector_store_idx %arg18[%broadcast_in_dim3A, %add3A_103], %mul3A_105 : memref<80x128xf32, #tpu.memory_space<vmem>>[vector<16xi32>, vector<16xi32>], vector<16xf32>,
        %add3A_106 = arith.constant 64 : i32
        %add3A_107 = vector.broadcast %add3A_106 : i32 to vector<16xi32>
        %add3A_108 = arith.addi %add3A_107, %iota3A : vector<16xi32>
        %gather3A_109 = tpu.vector_load_idx %arg18[%broadcast_in_dim3A, %add3A_108] : memref<80x128xf32, #tpu.memory_space<vmem>>[vector<16xi32>, vector<16xi32>], vector<16xf32>,
        %mul3A_110 = arith.mulf %gather3A_109, %gather3A : vector<16xf32>
        tpu.vector_store_idx %arg18[%broadcast_in_dim3A, %add3A_108], %mul3A_110 : memref<80x128xf32, #tpu.memory_space<vmem>>[vector<16xi32>, vector<16xi32>], vector<16xf32>,
        %add3A_111 = arith.constant 80 : i32
        %add3A_112 = vector.broadcast %add3A_111 : i32 to vector<16xi32>
        %add3A_113 = arith.addi %add3A_112, %iota3A : vector<16xi32>
        %gather3A_114 = tpu.vector_load_idx %arg18[%broadcast_in_dim3A, %add3A_113] : memref<80x128xf32, #tpu.memory_space<vmem>>[vector<16xi32>, vector<16xi32>], vector<16xf32>,
        %mul3A_115 = arith.mulf %gather3A_114, %gather3A : vector<16xf32>
        tpu.vector_store_idx %arg18[%broadcast_in_dim3A, %add3A_113], %mul3A_115 : memref<80x128xf32, #tpu.memory_space<vmem>>[vector<16xi32>, vector<16xi32>], vector<16xf32>,
        %add3A_116 = arith.constant 96 : i32
        %add3A_117 = vector.broadcast %add3A_116 : i32 to vector<16xi32>
        %add3A_118 = arith.addi %add3A_117, %iota3A : vector<16xi32>
        %gather3A_119 = tpu.vector_load_idx %arg18[%broadcast_in_dim3A, %add3A_118] : memref<80x128xf32, #tpu.memory_space<vmem>>[vector<16xi32>, vector<16xi32>], vector<16xf32>,
        %mul3A_120 = arith.mulf %gather3A_119, %gather3A : vector<16xf32>
        tpu.vector_store_idx %arg18[%broadcast_in_dim3A, %add3A_118], %mul3A_120 : memref<80x128xf32, #tpu.memory_space<vmem>>[vector<16xi32>, vector<16xi32>], vector<16xf32>,
        %add3A_121 = arith.constant 112 : i32
        %add3A_122 = vector.broadcast %add3A_121 : i32 to vector<16xi32>
        %add3A_123 = arith.addi %add3A_122, %iota3A : vector<16xi32>
        %gather3A_124 = tpu.vector_load_idx %arg18[%broadcast_in_dim3A, %add3A_123] : memref<80x128xf32, #tpu.memory_space<vmem>>[vector<16xi32>, vector<16xi32>], vector<16xf32>,
        %mul3A_125 = arith.mulf %gather3A_124, %gather3A : vector<16xf32>
        tpu.vector_store_idx %arg18[%broadcast_in_dim3A, %add3A_123], %mul3A_125 : memref<80x128xf32, #tpu.memory_space<vmem>>[vector<16xi32>, vector<16xi32>], vector<16xf32>,
      }
      %scan3A_58 = arith.constant 80 : i32
      "tpu.region"() ({
        %run_scoped3A = tpu.sem_alloc : memref<!tpu.dma_semaphore, #tpu.memory_space<semaphore_mem>>
        %dma_start3A_81 = arith.constant 0 : i32
        %dma_start3A_82 = arith.constant 0 : i32
        %dma_start3A_83 = tpu.memref_slice %arg9[%dma_start3A_81, %dma_start3A_82] : memref<10000x128xf32, #tpu.memory_space<vmem_shared>> -> memref<10000x128xf32, #tpu.memory_space<vmem_shared>>
        tpu.enqueue_indirect_dma source(%arg18 : memref<80x128xf32, #tpu.memory_space<vmem>>) target(%dma_start3A_83 : memref<10000x128xf32, #tpu.memory_space<vmem_shared>>) offsets(%arg12 : memref<80xi32, #tpu.memory_space<vmem>>) semaphore(%run_scoped3A : memref<!tpu.dma_semaphore, #tpu.memory_space<semaphore_mem>>) {add = true}
        %dma_wait3A_84 = arith.constant 0 : i32
        %dma_wait3A_85 = arith.constant 0 : i32
        %dma_wait3A_86 = tpu.memref_slice %arg9[%dma_wait3A_84, %dma_wait3A_85] : memref<10000x128xf32, #tpu.memory_space<vmem_shared>> -> memref<10000x128xf32, #tpu.memory_space<vmem_shared>>
        tpu.wait_indirect_dma semaphore(%run_scoped3A : memref<!tpu.dma_semaphore, #tpu.memory_space<semaphore_mem>>) src(%arg18 : memref<80x128xf32, #tpu.memory_space<vmem>>) dst(%dma_wait3A_86 : memref<10000x128xf32, #tpu.memory_space<vmem_shared>>)
        tpu.yield
      }) : () -> ()
      %mul3A_59 = arith.constant 2 : i32
      %mul3A_60 = arith.muli %mul3A_59, %add3A_36 : i32
      %add3A_61 = arith.constant 2 : i32
      %add3A_62 = arith.addi %mul3A_60, %add3A_61 : i32
      %mul3A_63 = arith.constant 80 : i32
      %mul3A_64 = arith.muli %add3A_62, %mul3A_63 : i32
      %add3A_65 = arith.addi %mul3A_2, %mul3A_64 : i32
      "tpu.region"() ({
        %run_scoped3A = tpu.sem_alloc : memref<!tpu.dma_semaphore, #tpu.memory_space<semaphore_mem>>
        %dma_start3A_81 = tpu.memref_slice %arg3[%add3A_65] : memref<320000xi32, #tpu.memory_space<hbm>> -> memref<80xi32, #tpu.memory_space<hbm>>
        %dma_start3A_82 = tpu.memref_slice %arg3[%add3A_65] : memref<320000xi32, #tpu.memory_space<hbm>> -> memref<80xi32, #tpu.memory_space<hbm>>
        tpu.enqueue_dma source(%dma_start3A_82 : memref<80xi32, #tpu.memory_space<hbm>>) target(%arg10 : memref<80xi32, #tpu.memory_space<vmem>>) target_semaphore(%run_scoped3A : memref<!tpu.dma_semaphore, #tpu.memory_space<semaphore_mem>>)
        %dma_wait3A_83 = tpu.memref_slice %arg3[%add3A_65] : memref<320000xi32, #tpu.memory_space<hbm>> -> memref<80xi32, #tpu.memory_space<hbm>>
        %dma_wait3A_84 = tpu.memref_slice %arg3[%add3A_65] : memref<320000xi32, #tpu.memory_space<hbm>> -> memref<80xi32, #tpu.memory_space<hbm>>
        tpu.wait_dma2 semaphore(%run_scoped3A : memref<!tpu.dma_semaphore, #tpu.memory_space<semaphore_mem>>) src(%dma_wait3A_84 : memref<80xi32, #tpu.memory_space<hbm>>) dst(%arg10 : memref<80xi32, #tpu.memory_space<vmem>>)
        tpu.yield
      }) : () -> ()
      %dma_start3A_66 = arith.constant 0 : i32
      %dma_start3A_67 = arith.constant 0 : i32
      %dma_start3A_68 = tpu.memref_slice %arg2[%dma_start3A_66, %dma_start3A_67] : memref<30000x128xf32, #tpu.memory_space<hbm>> -> memref<30000x128xf32, #tpu.memory_space<hbm>>
      tpu.enqueue_indirect_dma source(%dma_start3A_68 : memref<30000x128xf32, #tpu.memory_space<hbm>>) target(%arg18 : memref<80x128xf32, #tpu.memory_space<vmem>>) offsets(%arg10 : memref<80xi32, #tpu.memory_space<vmem>>) semaphore(%arg20 : memref<!tpu.dma_semaphore, #tpu.memory_space<semaphore_mem>>)
      "tpu.region"() ({
        %run_scoped3A = tpu.sem_alloc : memref<!tpu.dma_semaphore, #tpu.memory_space<semaphore_mem>>
        %dma_start3A_81 = tpu.memref_slice %arg4[%add3A_65] : memref<320000xi32, #tpu.memory_space<hbm>> -> memref<80xi32, #tpu.memory_space<hbm>>
        %dma_start3A_82 = tpu.memref_slice %arg4[%add3A_65] : memref<320000xi32, #tpu.memory_space<hbm>> -> memref<80xi32, #tpu.memory_space<hbm>>
        tpu.enqueue_dma source(%dma_start3A_82 : memref<80xi32, #tpu.memory_space<hbm>>) target(%arg11 : memref<80xi32, #tpu.memory_space<vmem>>) target_semaphore(%run_scoped3A : memref<!tpu.dma_semaphore, #tpu.memory_space<semaphore_mem>>)
        %dma_wait3A_83 = tpu.memref_slice %arg4[%add3A_65] : memref<320000xi32, #tpu.memory_space<hbm>> -> memref<80xi32, #tpu.memory_space<hbm>>
        %dma_wait3A_84 = tpu.memref_slice %arg4[%add3A_65] : memref<320000xi32, #tpu.memory_space<hbm>> -> memref<80xi32, #tpu.memory_space<hbm>>
        tpu.wait_dma2 semaphore(%run_scoped3A : memref<!tpu.dma_semaphore, #tpu.memory_space<semaphore_mem>>) src(%dma_wait3A_84 : memref<80xi32, #tpu.memory_space<hbm>>) dst(%arg11 : memref<80xi32, #tpu.memory_space<vmem>>)
        tpu.yield
      }) : () -> ()
      %dma_start3A_69 = arith.constant 0 : i32
      %dma_start3A_70 = tpu.memref_slice %arg6[%dma_start3A_69] : memref<30000xf32, #tpu.memory_space<hbm>> -> memref<30000xf32, #tpu.memory_space<hbm>>
      tpu.enqueue_indirect_dma source(%dma_start3A_70 : memref<30000xf32, #tpu.memory_space<hbm>>) target(%arg16 : memref<80xf32, #tpu.memory_space<vmem>>) offsets(%arg11 : memref<80xi32, #tpu.memory_space<vmem>>) semaphore(%arg22 : memref<!tpu.dma_semaphore, #tpu.memory_space<semaphore_mem>>)
      "tpu.region"() ({
        %run_scoped3A = tpu.sem_alloc : memref<!tpu.dma_semaphore, #tpu.memory_space<semaphore_mem>>
        %dma_start3A_81 = tpu.memref_slice %arg5[%add3A_65] : memref<320000xi32, #tpu.memory_space<hbm>> -> memref<80xi32, #tpu.memory_space<hbm>>
        %dma_start3A_82 = tpu.memref_slice %arg5[%add3A_65] : memref<320000xi32, #tpu.memory_space<hbm>> -> memref<80xi32, #tpu.memory_space<hbm>>
        tpu.enqueue_dma source(%dma_start3A_82 : memref<80xi32, #tpu.memory_space<hbm>>) target(%arg12 : memref<80xi32, #tpu.memory_space<vmem>>) target_semaphore(%run_scoped3A : memref<!tpu.dma_semaphore, #tpu.memory_space<semaphore_mem>>)
        %dma_wait3A_83 = tpu.memref_slice %arg5[%add3A_65] : memref<320000xi32, #tpu.memory_space<hbm>> -> memref<80xi32, #tpu.memory_space<hbm>>
        %dma_wait3A_84 = tpu.memref_slice %arg5[%add3A_65] : memref<320000xi32, #tpu.memory_space<hbm>> -> memref<80xi32, #tpu.memory_space<hbm>>
        tpu.wait_dma2 semaphore(%run_scoped3A : memref<!tpu.dma_semaphore, #tpu.memory_space<semaphore_mem>>) src(%dma_wait3A_84 : memref<80xi32, #tpu.memory_space<hbm>>) dst(%arg12 : memref<80xi32, #tpu.memory_space<vmem>>)
        tpu.yield
      }) : () -> ()
      %dma_wait3A_71 = arith.constant 0 : i32
      %dma_wait3A_72 = arith.constant 0 : i32
      %dma_wait3A_73 = tpu.memref_slice %arg2[%dma_wait3A_71, %dma_wait3A_72] : memref<30000x128xf32, #tpu.memory_space<hbm>> -> memref<30000x128xf32, #tpu.memory_space<hbm>>
      tpu.wait_indirect_dma semaphore(%arg21 : memref<!tpu.dma_semaphore, #tpu.memory_space<semaphore_mem>>) src(%dma_wait3A_73 : memref<30000x128xf32, #tpu.memory_space<hbm>>) dst(%arg19 : memref<80x128xf32, #tpu.memory_space<vmem>>)
      %dma_wait3A_74 = arith.constant 0 : i32
      %dma_wait3A_75 = tpu.memref_slice %arg6[%dma_wait3A_74] : memref<30000xf32, #tpu.memory_space<hbm>> -> memref<30000xf32, #tpu.memory_space<hbm>>
      tpu.wait_indirect_dma semaphore(%arg23 : memref<!tpu.dma_semaphore, #tpu.memory_space<semaphore_mem>>) src(%dma_wait3A_75 : memref<30000xf32, #tpu.memory_space<hbm>>) dst(%arg17 : memref<80xf32, #tpu.memory_space<vmem>>)
      %scan3A_76 = arith.constant 0 : i32
      %scan3A_77 = arith.constant 80 : i32
      %scan3A_78 = arith.addi %scan3A_76, %scan3A_77 : i32
      %scan3A_79 = arith.constant 1 : i32
      scf.for %scan3A_81 = %scan3A_76 to %scan3A_78 step %scan3A_79  : i32 {
        %mul3A_82 = arith.constant 1 : i32
        %mul3A_83 = arith.muli %scan3A_81, %mul3A_82 : i32
        %add3A_84 = arith.constant 0 : i32
        %add3A_85 = arith.addi %add3A_84, %mul3A_83 : i32
        %broadcast_in_dim3A = vector.broadcast %add3A_85 : i32 to vector<16xi32>
        %gather3A = tpu.vector_load_idx %arg17[%broadcast_in_dim3A] : memref<80xf32, #tpu.memory_space<vmem>>[vector<16xi32>], vector<16xf32>,
        %add3A_86 = arith.constant 0 : i32
        %add3A_87 = vector.broadcast %add3A_86 : i32 to vector<16xi32>
        %add3A_88 = arith.addi %add3A_87, %iota3A : vector<16xi32>
        %gather3A_89 = tpu.vector_load_idx %arg19[%broadcast_in_dim3A, %add3A_88] : memref<80x128xf32, #tpu.memory_space<vmem>>[vector<16xi32>, vector<16xi32>], vector<16xf32>,
        %mul3A_90 = arith.mulf %gather3A_89, %gather3A : vector<16xf32>
        tpu.vector_store_idx %arg19[%broadcast_in_dim3A, %add3A_88], %mul3A_90 : memref<80x128xf32, #tpu.memory_space<vmem>>[vector<16xi32>, vector<16xi32>], vector<16xf32>,
        %add3A_91 = arith.constant 16 : i32
        %add3A_92 = vector.broadcast %add3A_91 : i32 to vector<16xi32>
        %add3A_93 = arith.addi %add3A_92, %iota3A : vector<16xi32>
        %gather3A_94 = tpu.vector_load_idx %arg19[%broadcast_in_dim3A, %add3A_93] : memref<80x128xf32, #tpu.memory_space<vmem>>[vector<16xi32>, vector<16xi32>], vector<16xf32>,
        %mul3A_95 = arith.mulf %gather3A_94, %gather3A : vector<16xf32>
        tpu.vector_store_idx %arg19[%broadcast_in_dim3A, %add3A_93], %mul3A_95 : memref<80x128xf32, #tpu.memory_space<vmem>>[vector<16xi32>, vector<16xi32>], vector<16xf32>,
        %add3A_96 = arith.constant 32 : i32
        %add3A_97 = vector.broadcast %add3A_96 : i32 to vector<16xi32>
        %add3A_98 = arith.addi %add3A_97, %iota3A : vector<16xi32>
        %gather3A_99 = tpu.vector_load_idx %arg19[%broadcast_in_dim3A, %add3A_98] : memref<80x128xf32, #tpu.memory_space<vmem>>[vector<16xi32>, vector<16xi32>], vector<16xf32>,
        %mul3A_100 = arith.mulf %gather3A_99, %gather3A : vector<16xf32>
        tpu.vector_store_idx %arg19[%broadcast_in_dim3A, %add3A_98], %mul3A_100 : memref<80x128xf32, #tpu.memory_space<vmem>>[vector<16xi32>, vector<16xi32>], vector<16xf32>,
        %add3A_101 = arith.constant 48 : i32
        %add3A_102 = vector.broadcast %add3A_101 : i32 to vector<16xi32>
        %add3A_103 = arith.addi %add3A_102, %iota3A : vector<16xi32>
        %gather3A_104 = tpu.vector_load_idx %arg19[%broadcast_in_dim3A, %add3A_103] : memref<80x128xf32, #tpu.memory_space<vmem>>[vector<16xi32>, vector<16xi32>], vector<16xf32>,
        %mul3A_105 = arith.mulf %gather3A_104, %gather3A : vector<16xf32>
        tpu.vector_store_idx %arg19[%broadcast_in_dim3A, %add3A_103], %mul3A_105 : memref<80x128xf32, #tpu.memory_space<vmem>>[vector<16xi32>, vector<16xi32>], vector<16xf32>,
        %add3A_106 = arith.constant 64 : i32
        %add3A_107 = vector.broadcast %add3A_106 : i32 to vector<16xi32>
        %add3A_108 = arith.addi %add3A_107, %iota3A : vector<16xi32>
        %gather3A_109 = tpu.vector_load_idx %arg19[%broadcast_in_dim3A, %add3A_108] : memref<80x128xf32, #tpu.memory_space<vmem>>[vector<16xi32>, vector<16xi32>], vector<16xf32>,
        %mul3A_110 = arith.mulf %gather3A_109, %gather3A : vector<16xf32>
        tpu.vector_store_idx %arg19[%broadcast_in_dim3A, %add3A_108], %mul3A_110 : memref<80x128xf32, #tpu.memory_space<vmem>>[vector<16xi32>, vector<16xi32>], vector<16xf32>,
        %add3A_111 = arith.constant 80 : i32
        %add3A_112 = vector.broadcast %add3A_111 : i32 to vector<16xi32>
        %add3A_113 = arith.addi %add3A_112, %iota3A : vector<16xi32>
        %gather3A_114 = tpu.vector_load_idx %arg19[%broadcast_in_dim3A, %add3A_113] : memref<80x128xf32, #tpu.memory_space<vmem>>[vector<16xi32>, vector<16xi32>], vector<16xf32>,
        %mul3A_115 = arith.mulf %gather3A_114, %gather3A : vector<16xf32>
        tpu.vector_store_idx %arg19[%broadcast_in_dim3A, %add3A_113], %mul3A_115 : memref<80x128xf32, #tpu.memory_space<vmem>>[vector<16xi32>, vector<16xi32>], vector<16xf32>,
        %add3A_116 = arith.constant 96 : i32
        %add3A_117 = vector.broadcast %add3A_116 : i32 to vector<16xi32>
        %add3A_118 = arith.addi %add3A_117, %iota3A : vector<16xi32>
        %gather3A_119 = tpu.vector_load_idx %arg19[%broadcast_in_dim3A, %add3A_118] : memref<80x128xf32, #tpu.memory_space<vmem>>[vector<16xi32>, vector<16xi32>], vector<16xf32>,
        %mul3A_120 = arith.mulf %gather3A_119, %gather3A : vector<16xf32>
        tpu.vector_store_idx %arg19[%broadcast_in_dim3A, %add3A_118], %mul3A_120 : memref<80x128xf32, #tpu.memory_space<vmem>>[vector<16xi32>, vector<16xi32>], vector<16xf32>,
        %add3A_121 = arith.constant 112 : i32
        %add3A_122 = vector.broadcast %add3A_121 : i32 to vector<16xi32>
        %add3A_123 = arith.addi %add3A_122, %iota3A : vector<16xi32>
        %gather3A_124 = tpu.vector_load_idx %arg19[%broadcast_in_dim3A, %add3A_123] : memref<80x128xf32, #tpu.memory_space<vmem>>[vector<16xi32>, vector<16xi32>], vector<16xf32>,
        %mul3A_125 = arith.mulf %gather3A_124, %gather3A : vector<16xf32>
        tpu.vector_store_idx %arg19[%broadcast_in_dim3A, %add3A_123], %mul3A_125 : memref<80x128xf32, #tpu.memory_space<vmem>>[vector<16xi32>, vector<16xi32>], vector<16xf32>,
      }
      %scan3A_80 = arith.constant 80 : i32
      "tpu.region"() ({
        %run_scoped3A = tpu.sem_alloc : memref<!tpu.dma_semaphore, #tpu.memory_space<semaphore_mem>>
        %dma_start3A_81 = arith.constant 0 : i32
        %dma_start3A_82 = arith.constant 0 : i32
        %dma_start3A_83 = tpu.memref_slice %arg9[%dma_start3A_81, %dma_start3A_82] : memref<10000x128xf32, #tpu.memory_space<vmem_shared>> -> memref<10000x128xf32, #tpu.memory_space<vmem_shared>>
        tpu.enqueue_indirect_dma source(%arg19 : memref<80x128xf32, #tpu.memory_space<vmem>>) target(%dma_start3A_83 : memref<10000x128xf32, #tpu.memory_space<vmem_shared>>) offsets(%arg15 : memref<80xi32, #tpu.memory_space<vmem>>) semaphore(%run_scoped3A : memref<!tpu.dma_semaphore, #tpu.memory_space<semaphore_mem>>) {add = true}
        %dma_wait3A_84 = arith.constant 0 : i32
        %dma_wait3A_85 = arith.constant 0 : i32
        %dma_wait3A_86 = tpu.memref_slice %arg9[%dma_wait3A_84, %dma_wait3A_85] : memref<10000x128xf32, #tpu.memory_space<vmem_shared>> -> memref<10000x128xf32, #tpu.memory_space<vmem_shared>>
        tpu.wait_indirect_dma semaphore(%run_scoped3A : memref<!tpu.dma_semaphore, #tpu.memory_space<semaphore_mem>>) src(%arg19 : memref<80x128xf32, #tpu.memory_space<vmem>>) dst(%dma_wait3A_86 : memref<10000x128xf32, #tpu.memory_space<vmem_shared>>)
        tpu.yield
      }) : () -> ()
    }
    %scan3A_14 = arith.constant 62 : i32
    %dma_wait3A = arith.constant 0 : i32
    %dma_wait3A_15 = arith.constant 0 : i32
    %dma_wait3A_16 = tpu.memref_slice %arg2[%dma_wait3A, %dma_wait3A_15] : memref<30000x128xf32, #tpu.memory_space<hbm>> -> memref<30000x128xf32, #tpu.memory_space<hbm>>
    tpu.wait_indirect_dma semaphore(%arg20 : memref<!tpu.dma_semaphore, #tpu.memory_space<semaphore_mem>>) src(%dma_wait3A_16 : memref<30000x128xf32, #tpu.memory_space<hbm>>) dst(%arg18 : memref<80x128xf32, #tpu.memory_space<vmem>>)
    %dma_wait3A_17 = arith.constant 0 : i32
    %dma_wait3A_18 = tpu.memref_slice %arg6[%dma_wait3A_17] : memref<30000xf32, #tpu.memory_space<hbm>> -> memref<30000xf32, #tpu.memory_space<hbm>>
    tpu.wait_indirect_dma semaphore(%arg22 : memref<!tpu.dma_semaphore, #tpu.memory_space<semaphore_mem>>) src(%dma_wait3A_18 : memref<30000xf32, #tpu.memory_space<hbm>>) dst(%arg16 : memref<80xf32, #tpu.memory_space<vmem>>)
    %scan3A_19 = arith.constant 0 : i32
    %scan3A_20 = arith.constant 80 : i32
    %scan3A_21 = arith.addi %scan3A_19, %scan3A_20 : i32
    %scan3A_22 = arith.constant 1 : i32
    scf.for %scan3A_32 = %scan3A_19 to %scan3A_21 step %scan3A_22  : i32 {
      %mul3A_33 = arith.constant 1 : i32
      %mul3A_34 = arith.muli %scan3A_32, %mul3A_33 : i32
      %add3A_35 = arith.constant 0 : i32
      %add3A_36 = arith.addi %add3A_35, %mul3A_34 : i32
      %broadcast_in_dim3A = vector.broadcast %add3A_36 : i32 to vector<16xi32>
      %gather3A = tpu.vector_load_idx %arg16[%broadcast_in_dim3A] : memref<80xf32, #tpu.memory_space<vmem>>[vector<16xi32>], vector<16xf32>,
      %add3A_37 = arith.constant 0 : i32
      %add3A_38 = vector.broadcast %add3A_37 : i32 to vector<16xi32>
      %add3A_39 = arith.addi %add3A_38, %iota3A : vector<16xi32>
      %gather3A_40 = tpu.vector_load_idx %arg18[%broadcast_in_dim3A, %add3A_39] : memref<80x128xf32, #tpu.memory_space<vmem>>[vector<16xi32>, vector<16xi32>], vector<16xf32>,
      %mul3A_41 = arith.mulf %gather3A_40, %gather3A : vector<16xf32>
      tpu.vector_store_idx %arg18[%broadcast_in_dim3A, %add3A_39], %mul3A_41 : memref<80x128xf32, #tpu.memory_space<vmem>>[vector<16xi32>, vector<16xi32>], vector<16xf32>,
      %add3A_42 = arith.constant 16 : i32
      %add3A_43 = vector.broadcast %add3A_42 : i32 to vector<16xi32>
      %add3A_44 = arith.addi %add3A_43, %iota3A : vector<16xi32>
      %gather3A_45 = tpu.vector_load_idx %arg18[%broadcast_in_dim3A, %add3A_44] : memref<80x128xf32, #tpu.memory_space<vmem>>[vector<16xi32>, vector<16xi32>], vector<16xf32>,
      %mul3A_46 = arith.mulf %gather3A_45, %gather3A : vector<16xf32>
      tpu.vector_store_idx %arg18[%broadcast_in_dim3A, %add3A_44], %mul3A_46 : memref<80x128xf32, #tpu.memory_space<vmem>>[vector<16xi32>, vector<16xi32>], vector<16xf32>,
      %add3A_47 = arith.constant 32 : i32
      %add3A_48 = vector.broadcast %add3A_47 : i32 to vector<16xi32>
      %add3A_49 = arith.addi %add3A_48, %iota3A : vector<16xi32>
      %gather3A_50 = tpu.vector_load_idx %arg18[%broadcast_in_dim3A, %add3A_49] : memref<80x128xf32, #tpu.memory_space<vmem>>[vector<16xi32>, vector<16xi32>], vector<16xf32>,
      %mul3A_51 = arith.mulf %gather3A_50, %gather3A : vector<16xf32>
      tpu.vector_store_idx %arg18[%broadcast_in_dim3A, %add3A_49], %mul3A_51 : memref<80x128xf32, #tpu.memory_space<vmem>>[vector<16xi32>, vector<16xi32>], vector<16xf32>,
      %add3A_52 = arith.constant 48 : i32
      %add3A_53 = vector.broadcast %add3A_52 : i32 to vector<16xi32>
      %add3A_54 = arith.addi %add3A_53, %iota3A : vector<16xi32>
      %gather3A_55 = tpu.vector_load_idx %arg18[%broadcast_in_dim3A, %add3A_54] : memref<80x128xf32, #tpu.memory_space<vmem>>[vector<16xi32>, vector<16xi32>], vector<16xf32>,
      %mul3A_56 = arith.mulf %gather3A_55, %gather3A : vector<16xf32>
      tpu.vector_store_idx %arg18[%broadcast_in_dim3A, %add3A_54], %mul3A_56 : memref<80x128xf32, #tpu.memory_space<vmem>>[vector<16xi32>, vector<16xi32>], vector<16xf32>,
      %add3A_57 = arith.constant 64 : i32
      %add3A_58 = vector.broadcast %add3A_57 : i32 to vector<16xi32>
      %add3A_59 = arith.addi %add3A_58, %iota3A : vector<16xi32>
      %gather3A_60 = tpu.vector_load_idx %arg18[%broadcast_in_dim3A, %add3A_59] : memref<80x128xf32, #tpu.memory_space<vmem>>[vector<16xi32>, vector<16xi32>], vector<16xf32>,
      %mul3A_61 = arith.mulf %gather3A_60, %gather3A : vector<16xf32>
      tpu.vector_store_idx %arg18[%broadcast_in_dim3A, %add3A_59], %mul3A_61 : memref<80x128xf32, #tpu.memory_space<vmem>>[vector<16xi32>, vector<16xi32>], vector<16xf32>,
      %add3A_62 = arith.constant 80 : i32
      %add3A_63 = vector.broadcast %add3A_62 : i32 to vector<16xi32>
      %add3A_64 = arith.addi %add3A_63, %iota3A : vector<16xi32>
      %gather3A_65 = tpu.vector_load_idx %arg18[%broadcast_in_dim3A, %add3A_64] : memref<80x128xf32, #tpu.memory_space<vmem>>[vector<16xi32>, vector<16xi32>], vector<16xf32>,
      %mul3A_66 = arith.mulf %gather3A_65, %gather3A : vector<16xf32>
      tpu.vector_store_idx %arg18[%broadcast_in_dim3A, %add3A_64], %mul3A_66 : memref<80x128xf32, #tpu.memory_space<vmem>>[vector<16xi32>, vector<16xi32>], vector<16xf32>,
      %add3A_67 = arith.constant 96 : i32
      %add3A_68 = vector.broadcast %add3A_67 : i32 to vector<16xi32>
      %add3A_69 = arith.addi %add3A_68, %iota3A : vector<16xi32>
      %gather3A_70 = tpu.vector_load_idx %arg18[%broadcast_in_dim3A, %add3A_69] : memref<80x128xf32, #tpu.memory_space<vmem>>[vector<16xi32>, vector<16xi32>], vector<16xf32>,
      %mul3A_71 = arith.mulf %gather3A_70, %gather3A : vector<16xf32>
      tpu.vector_store_idx %arg18[%broadcast_in_dim3A, %add3A_69], %mul3A_71 : memref<80x128xf32, #tpu.memory_space<vmem>>[vector<16xi32>, vector<16xi32>], vector<16xf32>,
      %add3A_72 = arith.constant 112 : i32
      %add3A_73 = vector.broadcast %add3A_72 : i32 to vector<16xi32>
      %add3A_74 = arith.addi %add3A_73, %iota3A : vector<16xi32>
      %gather3A_75 = tpu.vector_load_idx %arg18[%broadcast_in_dim3A, %add3A_74] : memref<80x128xf32, #tpu.memory_space<vmem>>[vector<16xi32>, vector<16xi32>], vector<16xf32>,
      %mul3A_76 = arith.mulf %gather3A_75, %gather3A : vector<16xf32>
      tpu.vector_store_idx %arg18[%broadcast_in_dim3A, %add3A_74], %mul3A_76 : memref<80x128xf32, #tpu.memory_space<vmem>>[vector<16xi32>, vector<16xi32>], vector<16xf32>,
    }
    %scan3A_23 = arith.constant 80 : i32
    "tpu.region"() ({
      %run_scoped3A = tpu.sem_alloc : memref<!tpu.dma_semaphore, #tpu.memory_space<semaphore_mem>>
      %dma_start3A_32 = arith.constant 0 : i32
      %dma_start3A_33 = arith.constant 0 : i32
      %dma_start3A_34 = tpu.memref_slice %arg9[%dma_start3A_32, %dma_start3A_33] : memref<10000x128xf32, #tpu.memory_space<vmem_shared>> -> memref<10000x128xf32, #tpu.memory_space<vmem_shared>>
      tpu.enqueue_indirect_dma source(%arg18 : memref<80x128xf32, #tpu.memory_space<vmem>>) target(%dma_start3A_34 : memref<10000x128xf32, #tpu.memory_space<vmem_shared>>) offsets(%arg12 : memref<80xi32, #tpu.memory_space<vmem>>) semaphore(%run_scoped3A : memref<!tpu.dma_semaphore, #tpu.memory_space<semaphore_mem>>) {add = true}
      %dma_wait3A_35 = arith.constant 0 : i32
      %dma_wait3A_36 = arith.constant 0 : i32
      %dma_wait3A_37 = tpu.memref_slice %arg9[%dma_wait3A_35, %dma_wait3A_36] : memref<10000x128xf32, #tpu.memory_space<vmem_shared>> -> memref<10000x128xf32, #tpu.memory_space<vmem_shared>>
      tpu.wait_indirect_dma semaphore(%run_scoped3A : memref<!tpu.dma_semaphore, #tpu.memory_space<semaphore_mem>>) src(%arg18 : memref<80x128xf32, #tpu.memory_space<vmem>>) dst(%dma_wait3A_37 : memref<10000x128xf32, #tpu.memory_space<vmem_shared>>)
      tpu.yield
    }) : () -> ()
    %barrier3A_24 = arith.constant 0 : index
    tpu.barrier barrier_id(%barrier3A_24)
    %mul3A_25 = arith.constant 624 : i32
    %mul3A_26 = arith.muli %arg1, %mul3A_25 : i32
    "tpu.region"() ({
      %run_scoped3A = tpu.sem_alloc : memref<!tpu.dma_semaphore, #tpu.memory_space<semaphore_mem>>
      %dma_start3A_32 = arith.constant 0 : i32
      %dma_start3A_33 = tpu.memref_slice %arg8[%arg0, %mul3A_26, %dma_start3A_32] : memref<2x10000x128xf32, #tpu.memory_space<hbm>> -> memref<1x624x128xf32, #tpu.memory_space<hbm>>
      %dma_start3A_34 = tpu.memref_squeeze %dma_start3A_33 : memref<1x624x128xf32, #tpu.memory_space<hbm>> -> memref<624x128xf32, #tpu.memory_space<hbm>>
      %dma_start3A_35 = arith.constant 0 : i32
      %dma_start3A_36 = tpu.memref_slice %arg9[%mul3A_26, %dma_start3A_35] : memref<10000x128xf32, #tpu.memory_space<vmem_shared>> -> memref<624x128xf32, #tpu.memory_space<vmem_shared>>
      tpu.enqueue_dma source(%dma_start3A_36 : memref<624x128xf32, #tpu.memory_space<vmem_shared>>) target(%dma_start3A_34 : memref<624x128xf32, #tpu.memory_space<hbm>>) target_semaphore(%run_scoped3A : memref<!tpu.dma_semaphore, #tpu.memory_space<semaphore_mem>>)
      %dma_wait3A_37 = arith.constant 0 : i32
      %dma_wait3A_38 = tpu.memref_slice %arg8[%arg0, %mul3A_26, %dma_wait3A_37] : memref<2x10000x128xf32, #tpu.memory_space<hbm>> -> memref<1x624x128xf32, #tpu.memory_space<hbm>>
      %dma_wait3A_39 = tpu.memref_squeeze %dma_wait3A_38 : memref<1x624x128xf32, #tpu.memory_space<hbm>> -> memref<624x128xf32, #tpu.memory_space<hbm>>
      %dma_wait3A_40 = arith.constant 0 : i32
      %dma_wait3A_41 = tpu.memref_slice %arg9[%mul3A_26, %dma_wait3A_40] : memref<10000x128xf32, #tpu.memory_space<vmem_shared>> -> memref<624x128xf32, #tpu.memory_space<vmem_shared>>
      tpu.wait_dma2 semaphore(%run_scoped3A : memref<!tpu.dma_semaphore, #tpu.memory_space<semaphore_mem>>) src(%dma_wait3A_41 : memref<624x128xf32, #tpu.memory_space<vmem_shared>>) dst(%dma_wait3A_39 : memref<624x128xf32, #tpu.memory_space<hbm>>)
      tpu.yield
    }) : () -> ()
    %eq3A_27 = arith.constant 0 : i32
    %eq3A_28 = arith.cmpi eq, %arg1, %eq3A_27 : i32
    %convert_element_type3A_29 = arith.extui %eq3A_28 : i1 to i32
    %cond3A_30 = arith.constant 0 : i32
    %cond3A_31 = arith.cmpi ne, %convert_element_type3A_29, %cond3A_30 : i32
    scf.if %cond3A_31 {
      "tpu.region"() ({
        %run_scoped3A = tpu.sem_alloc : memref<!tpu.dma_semaphore, #tpu.memory_space<semaphore_mem>>
        %dma_start3A_32 = arith.constant 9984 : i32
        %dma_start3A_33 = arith.constant 0 : i32
        %dma_start3A_34 = tpu.memref_slice %arg8[%arg0, %dma_start3A_32, %dma_start3A_33] : memref<2x10000x128xf32, #tpu.memory_space<hbm>> -> memref<1x16x128xf32, #tpu.memory_space<hbm>>
        %dma_start3A_35 = tpu.memref_squeeze %dma_start3A_34 : memref<1x16x128xf32, #tpu.memory_space<hbm>> -> memref<16x128xf32, #tpu.memory_space<hbm>>
        %dma_start3A_36 = arith.constant 9984 : i32
        %dma_start3A_37 = arith.constant 0 : i32
        %dma_start3A_38 = tpu.memref_slice %arg9[%dma_start3A_36, %dma_start3A_37] : memref<10000x128xf32, #tpu.memory_space<vmem_shared>> -> memref<16x128xf32, #tpu.memory_space<vmem_shared>>
        tpu.enqueue_dma source(%dma_start3A_38 : memref<16x128xf32, #tpu.memory_space<vmem_shared>>) target(%dma_start3A_35 : memref<16x128xf32, #tpu.memory_space<hbm>>) target_semaphore(%run_scoped3A : memref<!tpu.dma_semaphore, #tpu.memory_space<semaphore_mem>>)
        %dma_wait3A_39 = arith.constant 9984 : i32
        %dma_wait3A_40 = arith.constant 0 : i32
        %dma_wait3A_41 = tpu.memref_slice %arg8[%arg0, %dma_wait3A_39, %dma_wait3A_40] : memref<2x10000x128xf32, #tpu.memory_space<hbm>> -> memref<1x16x128xf32, #tpu.memory_space<hbm>>
        %dma_wait3A_42 = tpu.memref_squeeze %dma_wait3A_41 : memref<1x16x128xf32, #tpu.memory_space<hbm>> -> memref<16x128xf32, #tpu.memory_space<hbm>>
        %dma_wait3A_43 = arith.constant 9984 : i32
        %dma_wait3A_44 = arith.constant 0 : i32
        %dma_wait3A_45 = tpu.memref_slice %arg9[%dma_wait3A_43, %dma_wait3A_44] : memref<10000x128xf32, #tpu.memory_space<vmem_shared>> -> memref<16x128xf32, #tpu.memory_space<vmem_shared>>
        tpu.wait_dma2 semaphore(%run_scoped3A : memref<!tpu.dma_semaphore, #tpu.memory_space<semaphore_mem>>) src(%dma_wait3A_45 : memref<16x128xf32, #tpu.memory_space<vmem_shared>>) dst(%dma_wait3A_42 : memref<16x128xf32, #tpu.memory_space<hbm>>)
        tpu.yield
      }) : () -> ()
    } else {
    }
    return
  }
}

#map = affine_map<(d0, d1) -> (0, 0)>
#map1 = affine_map<(d0, d1) -> (0)>
#map2 = affine_map<(d0, d1) -> (0, 0, 0)>
module attributes {stable_mosaic.version = 14 : i64} {
  func.func @_sc_agg(%arg0: i32, %arg1: i32, %arg2: memref<30000x128xf32, #tpu.memory_space<hbm>>, %arg3: memref<320000xi32, #tpu.memory_space<hbm>>, %arg4: memref<320000xi32, #tpu.memory_space<hbm>>, %arg5: memref<320000xi32, #tpu.memory_space<hbm>>, %arg6: memref<30000xf32, #tpu.memory_space<hbm>>, %arg7: memref<10000x128xf32, #tpu.memory_space<hbm>>, %arg8: memref<2x10000x128xf32, #tpu.memory_space<hbm>>, %arg9: memref<10000x128xf32, #tpu.memory_space<vmem_shared>>, %arg10: memref<80xi32, #tpu.memory_space<vmem>>, %arg11: memref<80xi32, #tpu.memory_space<vmem>>, %arg12: memref<80xi32, #tpu.memory_space<vmem>>, %arg13: memref<80xi32, #tpu.memory_space<vmem>>, %arg14: memref<80xi32, #tpu.memory_space<vmem>>, %arg15: memref<80xi32, #tpu.memory_space<vmem>>, %arg16: memref<80xf32, #tpu.memory_space<vmem>>, %arg17: memref<80xf32, #tpu.memory_space<vmem>>, %arg18: memref<80x128xf32, #tpu.memory_space<vmem>>, %arg19: memref<80x128xf32, #tpu.memory_space<vmem>>, %arg20: memref<!tpu.dma_semaphore, #tpu.memory_space<semaphore_mem>>, %arg21: memref<!tpu.dma_semaphore, #tpu.memory_space<semaphore_mem>>, %arg22: memref<!tpu.dma_semaphore, #tpu.memory_space<semaphore_mem>>, %arg23: memref<!tpu.dma_semaphore, #tpu.memory_space<semaphore_mem>>) attributes {dimension_semantics = [#tpu.dimension_semantics<core_parallel>, #tpu.dimension_semantics<subcore_parallel>], iteration_bounds = array<i64: 2, 16>, scalar_prefetch = 0 : i64, scratch_operands = 15 : i64, tpu.core_type = #tpu.core_type<sc_vector_subcore>, window_params = [{transform_indices = #map}, {transform_indices = #map1}, {transform_indices = #map1}, {transform_indices = #map1}, {transform_indices = #map1}, {transform_indices = #map}, {transform_indices = #map2}]} {
    %mul3A = arith.constant 16 : i32
    %mul3A_0 = arith.muli %arg0, %mul3A : i32
    %add3A = arith.addi %mul3A_0, %arg1 : i32
    %mul3A_1 = arith.constant 10000 : i32
    %mul3A_2 = arith.muli %add3A, %mul3A_1 : i32
    %iota3A = tpu.iota {dimensions = array<i32: 0>} : vector<16xi32>
    %eq3A = arith.constant 0 : i32
    %eq3A_3 = arith.cmpi eq, %arg1, %eq3A : i32
    %convert_element_type3A = arith.extui %eq3A_3 : i1 to i32
    %cond3A = arith.constant 0 : i32
    %cond3A_4 = arith.cmpi ne, %convert_element_type3A, %cond3A : i32
    scf.if %cond3A_4 {
      "tpu.region"() ({
        %run_scoped3A = tpu.sem_alloc : memref<!tpu.dma_semaphore, #tpu.memory_space<semaphore_mem>>
        tpu.enqueue_dma source(%arg7 : memref<10000x128xf32, #tpu.memory_space<hbm>>) target(%arg9 : memref<10000x128xf32, #tpu.memory_space<vmem_shared>>) target_semaphore(%run_scoped3A : memref<!tpu.dma_semaphore, #tpu.memory_space<semaphore_mem>>)
        tpu.wait_dma2 semaphore(%run_scoped3A : memref<!tpu.dma_semaphore, #tpu.memory_space<semaphore_mem>>) src(%arg7 : memref<10000x128xf32, #tpu.memory_space<hbm>>) dst(%arg9 : memref<10000x128xf32, #tpu.memory_space<vmem_shared>>)
        tpu.yield
      }) : () -> ()
    } else {
    }
    %barrier3A = arith.constant 0 : index
    tpu.barrier barrier_id(%barrier3A)
    %add3A_5 = arith.constant 0 : i32
    %add3A_6 = arith.addi %mul3A_2, %add3A_5 : i32
    "tpu.region"() ({
      %run_scoped3A = tpu.sem_alloc : memref<!tpu.dma_semaphore, #tpu.memory_space<semaphore_mem>>
      %dma_start3A_32 = tpu.memref_slice %arg3[%add3A_6] : memref<320000xi32, #tpu.memory_space<hbm>> -> memref<80xi32, #tpu.memory_space<hbm>>
      %dma_start3A_33 = tpu.memref_slice %arg3[%add3A_6] : memref<320000xi32, #tpu.memory_space<hbm>> -> memref<80xi32, #tpu.memory_space<hbm>>
      tpu.enqueue_dma source(%dma_start3A_33 : memref<80xi32, #tpu.memory_space<hbm>>) target(%arg10 : memref<80xi32, #tpu.memory_space<vmem>>) target_semaphore(%run_scoped3A : memref<!tpu.dma_semaphore, #tpu.memory_space<semaphore_mem>>)
      %dma_wait3A_34 = tpu.memref_slice %arg3[%add3A_6] : memref<320000xi32, #tpu.memory_space<hbm>> -> memref<80xi32, #tpu.memory_space<hbm>>
      %dma_wait3A_35 = tpu.memref_slice %arg3[%add3A_6] : memref<320000xi32, #tpu.memory_space<hbm>> -> memref<80xi32, #tpu.memory_space<hbm>>
      tpu.wait_dma2 semaphore(%run_scoped3A : memref<!tpu.dma_semaphore, #tpu.memory_space<semaphore_mem>>) src(%dma_wait3A_35 : memref<80xi32, #tpu.memory_space<hbm>>) dst(%arg10 : memref<80xi32, #tpu.memory_space<vmem>>)
      tpu.yield
    }) : () -> ()
    %dma_start3A = arith.constant 0 : i32
    %dma_start3A_7 = arith.constant 0 : i32
    %dma_start3A_8 = tpu.memref_slice %arg2[%dma_start3A, %dma_start3A_7] : memref<30000x128xf32, #tpu.memory_space<hbm>> -> memref<30000x128xf32, #tpu.memory_space<hbm>>
    tpu.enqueue_indirect_dma source(%dma_start3A_8 : memref<30000x128xf32, #tpu.memory_space<hbm>>) target(%arg18 : memref<80x128xf32, #tpu.memory_space<vmem>>) offsets(%arg10 : memref<80xi32, #tpu.memory_space<vmem>>) semaphore(%arg20 : memref<!tpu.dma_semaphore, #tpu.memory_space<semaphore_mem>>)
    "tpu.region"() ({
      %run_scoped3A = tpu.sem_alloc : memref<!tpu.dma_semaphore, #tpu.memory_space<semaphore_mem>>
      %dma_start3A_32 = tpu.memref_slice %arg4[%add3A_6] : memref<320000xi32, #tpu.memory_space<hbm>> -> memref<80xi32, #tpu.memory_space<hbm>>
      %dma_start3A_33 = tpu.memref_slice %arg4[%add3A_6] : memref<320000xi32, #tpu.memory_space<hbm>> -> memref<80xi32, #tpu.memory_space<hbm>>
      tpu.enqueue_dma source(%dma_start3A_33 : memref<80xi32, #tpu.memory_space<hbm>>) target(%arg11 : memref<80xi32, #tpu.memory_space<vmem>>) target_semaphore(%run_scoped3A : memref<!tpu.dma_semaphore, #tpu.memory_space<semaphore_mem>>)
      %dma_wait3A_34 = tpu.memref_slice %arg4[%add3A_6] : memref<320000xi32, #tpu.memory_space<hbm>> -> memref<80xi32, #tpu.memory_space<hbm>>
      %dma_wait3A_35 = tpu.memref_slice %arg4[%add3A_6] : memref<320000xi32, #tpu.memory_space<hbm>> -> memref<80xi32, #tpu.memory_space<hbm>>
      tpu.wait_dma2 semaphore(%run_scoped3A : memref<!tpu.dma_semaphore, #tpu.memory_space<semaphore_mem>>) src(%dma_wait3A_35 : memref<80xi32, #tpu.memory_space<hbm>>) dst(%arg11 : memref<80xi32, #tpu.memory_space<vmem>>)
      tpu.yield
    }) : () -> ()
    %dma_start3A_9 = arith.constant 0 : i32
    %dma_start3A_10 = tpu.memref_slice %arg6[%dma_start3A_9] : memref<30000xf32, #tpu.memory_space<hbm>> -> memref<30000xf32, #tpu.memory_space<hbm>>
    tpu.enqueue_indirect_dma source(%dma_start3A_10 : memref<30000xf32, #tpu.memory_space<hbm>>) target(%arg16 : memref<80xf32, #tpu.memory_space<vmem>>) offsets(%arg11 : memref<80xi32, #tpu.memory_space<vmem>>) semaphore(%arg22 : memref<!tpu.dma_semaphore, #tpu.memory_space<semaphore_mem>>)
    "tpu.region"() ({
      %run_scoped3A = tpu.sem_alloc : memref<!tpu.dma_semaphore, #tpu.memory_space<semaphore_mem>>
      %dma_start3A_32 = tpu.memref_slice %arg5[%add3A_6] : memref<320000xi32, #tpu.memory_space<hbm>> -> memref<80xi32, #tpu.memory_space<hbm>>
      %dma_start3A_33 = tpu.memref_slice %arg5[%add3A_6] : memref<320000xi32, #tpu.memory_space<hbm>> -> memref<80xi32, #tpu.memory_space<hbm>>
      tpu.enqueue_dma source(%dma_start3A_33 : memref<80xi32, #tpu.memory_space<hbm>>) target(%arg12 : memref<80xi32, #tpu.memory_space<vmem>>) target_semaphore(%run_scoped3A : memref<!tpu.dma_semaphore, #tpu.memory_space<semaphore_mem>>)
      %dma_wait3A_34 = tpu.memref_slice %arg5[%add3A_6] : memref<320000xi32, #tpu.memory_space<hbm>> -> memref<80xi32, #tpu.memory_space<hbm>>
      %dma_wait3A_35 = tpu.memref_slice %arg5[%add3A_6] : memref<320000xi32, #tpu.memory_space<hbm>> -> memref<80xi32, #tpu.memory_space<hbm>>
      tpu.wait_dma2 semaphore(%run_scoped3A : memref<!tpu.dma_semaphore, #tpu.memory_space<semaphore_mem>>) src(%dma_wait3A_35 : memref<80xi32, #tpu.memory_space<hbm>>) dst(%arg12 : memref<80xi32, #tpu.memory_space<vmem>>)
      tpu.yield
    }) : () -> ()
    %scan3A = arith.constant 0 : i32
    %scan3A_11 = arith.constant 62 : i32
    %scan3A_12 = arith.addi %scan3A, %scan3A_11 : i32
    %scan3A_13 = arith.constant 1 : i32
    scf.for %scan3A_32 = %scan3A to %scan3A_12 step %scan3A_13  : i32 {
      %mul3A_33 = arith.constant 1 : i32
      %mul3A_34 = arith.muli %scan3A_32, %mul3A_33 : i32
      %add3A_35 = arith.constant 0 : i32
      %add3A_36 = arith.addi %add3A_35, %mul3A_34 : i32
      %mul3A_37 = arith.constant 2 : i32
      %mul3A_38 = arith.muli %mul3A_37, %add3A_36 : i32
      %add3A_39 = arith.constant 1 : i32
      %add3A_40 = arith.addi %mul3A_38, %add3A_39 : i32
      %mul3A_41 = arith.constant 80 : i32
      %mul3A_42 = arith.muli %add3A_40, %mul3A_41 : i32
      %add3A_43 = arith.addi %mul3A_2, %mul3A_42 : i32
      "tpu.region"() ({
        %run_scoped3A = tpu.sem_alloc : memref<!tpu.dma_semaphore, #tpu.memory_space<semaphore_mem>>
        %dma_start3A_81 = tpu.memref_slice %arg3[%add3A_43] : memref<320000xi32, #tpu.memory_space<hbm>> -> memref<80xi32, #tpu.memory_space<hbm>>
        %dma_start3A_82 = tpu.memref_slice %arg3[%add3A_43] : memref<320000xi32, #tpu.memory_space<hbm>> -> memref<80xi32, #tpu.memory_space<hbm>>
        tpu.enqueue_dma source(%dma_start3A_82 : memref<80xi32, #tpu.memory_space<hbm>>) target(%arg13 : memref<80xi32, #tpu.memory_space<vmem>>) target_semaphore(%run_scoped3A : memref<!tpu.dma_semaphore, #tpu.memory_space<semaphore_mem>>)
        %dma_wait3A_83 = tpu.memref_slice %arg3[%add3A_43] : memref<320000xi32, #tpu.memory_space<hbm>> -> memref<80xi32, #tpu.memory_space<hbm>>
        %dma_wait3A_84 = tpu.memref_slice %arg3[%add3A_43] : memref<320000xi32, #tpu.memory_space<hbm>> -> memref<80xi32, #tpu.memory_space<hbm>>
        tpu.wait_dma2 semaphore(%run_scoped3A : memref<!tpu.dma_semaphore, #tpu.memory_space<semaphore_mem>>) src(%dma_wait3A_84 : memref<80xi32, #tpu.memory_space<hbm>>) dst(%arg13 : memref<80xi32, #tpu.memory_space<vmem>>)
        tpu.yield
      }) : () -> ()
      %dma_start3A_44 = arith.constant 0 : i32
      %dma_start3A_45 = arith.constant 0 : i32
      %dma_start3A_46 = tpu.memref_slice %arg2[%dma_start3A_44, %dma_start3A_45] : memref<30000x128xf32, #tpu.memory_space<hbm>> -> memref<30000x128xf32, #tpu.memory_space<hbm>>
      tpu.enqueue_indirect_dma source(%dma_start3A_46 : memref<30000x128xf32, #tpu.memory_space<hbm>>) target(%arg19 : memref<80x128xf32, #tpu.memory_space<vmem>>) offsets(%arg13 : memref<80xi32, #tpu.memory_space<vmem>>) semaphore(%arg21 : memref<!tpu.dma_semaphore, #tpu.memory_space<semaphore_mem>>)
      "tpu.region"() ({
        %run_scoped3A = tpu.sem_alloc : memref<!tpu.dma_semaphore, #tpu.memory_space<semaphore_mem>>
        %dma_start3A_81 = tpu.memref_slice %arg4[%add3A_43] : memref<320000xi32, #tpu.memory_space<hbm>> -> memref<80xi32, #tpu.memory_space<hbm>>
        %dma_start3A_82 = tpu.memref_slice %arg4[%add3A_43] : memref<320000xi32, #tpu.memory_space<hbm>> -> memref<80xi32, #tpu.memory_space<hbm>>
        tpu.enqueue_dma source(%dma_start3A_82 : memref<80xi32, #tpu.memory_space<hbm>>) target(%arg14 : memref<80xi32, #tpu.memory_space<vmem>>) target_semaphore(%run_scoped3A : memref<!tpu.dma_semaphore, #tpu.memory_space<semaphore_mem>>)
        %dma_wait3A_83 = tpu.memref_slice %arg4[%add3A_43] : memref<320000xi32, #tpu.memory_space<hbm>> -> memref<80xi32, #tpu.memory_space<hbm>>
        %dma_wait3A_84 = tpu.memref_slice %arg4[%add3A_43] : memref<320000xi32, #tpu.memory_space<hbm>> -> memref<80xi32, #tpu.memory_space<hbm>>
        tpu.wait_dma2 semaphore(%run_scoped3A : memref<!tpu.dma_semaphore, #tpu.memory_space<semaphore_mem>>) src(%dma_wait3A_84 : memref<80xi32, #tpu.memory_space<hbm>>) dst(%arg14 : memref<80xi32, #tpu.memory_space<vmem>>)
        tpu.yield
      }) : () -> ()
      %dma_start3A_47 = arith.constant 0 : i32
      %dma_start3A_48 = tpu.memref_slice %arg6[%dma_start3A_47] : memref<30000xf32, #tpu.memory_space<hbm>> -> memref<30000xf32, #tpu.memory_space<hbm>>
      tpu.enqueue_indirect_dma source(%dma_start3A_48 : memref<30000xf32, #tpu.memory_space<hbm>>) target(%arg17 : memref<80xf32, #tpu.memory_space<vmem>>) offsets(%arg14 : memref<80xi32, #tpu.memory_space<vmem>>) semaphore(%arg23 : memref<!tpu.dma_semaphore, #tpu.memory_space<semaphore_mem>>)
      "tpu.region"() ({
        %run_scoped3A = tpu.sem_alloc : memref<!tpu.dma_semaphore, #tpu.memory_space<semaphore_mem>>
        %dma_start3A_81 = tpu.memref_slice %arg5[%add3A_43] : memref<320000xi32, #tpu.memory_space<hbm>> -> memref<80xi32, #tpu.memory_space<hbm>>
        %dma_start3A_82 = tpu.memref_slice %arg5[%add3A_43] : memref<320000xi32, #tpu.memory_space<hbm>> -> memref<80xi32, #tpu.memory_space<hbm>>
        tpu.enqueue_dma source(%dma_start3A_82 : memref<80xi32, #tpu.memory_space<hbm>>) target(%arg15 : memref<80xi32, #tpu.memory_space<vmem>>) target_semaphore(%run_scoped3A : memref<!tpu.dma_semaphore, #tpu.memory_space<semaphore_mem>>)
        %dma_wait3A_83 = tpu.memref_slice %arg5[%add3A_43] : memref<320000xi32, #tpu.memory_space<hbm>> -> memref<80xi32, #tpu.memory_space<hbm>>
        %dma_wait3A_84 = tpu.memref_slice %arg5[%add3A_43] : memref<320000xi32, #tpu.memory_space<hbm>> -> memref<80xi32, #tpu.memory_space<hbm>>
        tpu.wait_dma2 semaphore(%run_scoped3A : memref<!tpu.dma_semaphore, #tpu.memory_space<semaphore_mem>>) src(%dma_wait3A_84 : memref<80xi32, #tpu.memory_space<hbm>>) dst(%arg15 : memref<80xi32, #tpu.memory_space<vmem>>)
        tpu.yield
      }) : () -> ()
      %dma_wait3A_49 = arith.constant 0 : i32
      %dma_wait3A_50 = arith.constant 0 : i32
      %dma_wait3A_51 = tpu.memref_slice %arg2[%dma_wait3A_49, %dma_wait3A_50] : memref<30000x128xf32, #tpu.memory_space<hbm>> -> memref<30000x128xf32, #tpu.memory_space<hbm>>
      tpu.wait_indirect_dma semaphore(%arg20 : memref<!tpu.dma_semaphore, #tpu.memory_space<semaphore_mem>>) src(%dma_wait3A_51 : memref<30000x128xf32, #tpu.memory_space<hbm>>) dst(%arg18 : memref<80x128xf32, #tpu.memory_space<vmem>>)
      %dma_wait3A_52 = arith.constant 0 : i32
      %dma_wait3A_53 = tpu.memref_slice %arg6[%dma_wait3A_52] : memref<30000xf32, #tpu.memory_space<hbm>> -> memref<30000xf32, #tpu.memory_space<hbm>>
      tpu.wait_indirect_dma semaphore(%arg22 : memref<!tpu.dma_semaphore, #tpu.memory_space<semaphore_mem>>) src(%dma_wait3A_53 : memref<30000xf32, #tpu.memory_space<hbm>>) dst(%arg16 : memref<80xf32, #tpu.memory_space<vmem>>)
      %scan3A_54 = arith.constant 0 : i32
      %scan3A_55 = arith.constant 80 : i32
      %scan3A_56 = arith.addi %scan3A_54, %scan3A_55 : i32
      %scan3A_57 = arith.constant 1 : i32
      scf.for %scan3A_81 = %scan3A_54 to %scan3A_56 step %scan3A_57  : i32 {
        %mul3A_82 = arith.constant 1 : i32
        %mul3A_83 = arith.muli %scan3A_81, %mul3A_82 : i32
        %add3A_84 = arith.constant 0 : i32
        %add3A_85 = arith.addi %add3A_84, %mul3A_83 : i32
        %broadcast_in_dim3A = vector.broadcast %add3A_85 : i32 to vector<16xi32>
        %gather3A = tpu.vector_load_idx %arg16[%broadcast_in_dim3A] : memref<80xf32, #tpu.memory_space<vmem>>[vector<16xi32>], vector<16xf32>,
        %add3A_86 = arith.constant 0 : i32
        %add3A_87 = vector.broadcast %add3A_86 : i32 to vector<16xi32>
        %add3A_88 = arith.addi %add3A_87, %iota3A : vector<16xi32>
        %gather3A_89 = tpu.vector_load_idx %arg18[%broadcast_in_dim3A, %add3A_88] : memref<80x128xf32, #tpu.memory_space<vmem>>[vector<16xi32>, vector<16xi32>], vector<16xf32>,
        %mul3A_90 = arith.mulf %gather3A_89, %gather3A : vector<16xf32>
        tpu.vector_store_idx %arg18[%broadcast_in_dim3A, %add3A_88], %mul3A_90 : memref<80x128xf32, #tpu.memory_space<vmem>>[vector<16xi32>, vector<16xi32>], vector<16xf32>,
        %add3A_91 = arith.constant 16 : i32
        %add3A_92 = vector.broadcast %add3A_91 : i32 to vector<16xi32>
        %add3A_93 = arith.addi %add3A_92, %iota3A : vector<16xi32>
        %gather3A_94 = tpu.vector_load_idx %arg18[%broadcast_in_dim3A, %add3A_93] : memref<80x128xf32, #tpu.memory_space<vmem>>[vector<16xi32>, vector<16xi32>], vector<16xf32>,
        %mul3A_95 = arith.mulf %gather3A_94, %gather3A : vector<16xf32>
        tpu.vector_store_idx %arg18[%broadcast_in_dim3A, %add3A_93], %mul3A_95 : memref<80x128xf32, #tpu.memory_space<vmem>>[vector<16xi32>, vector<16xi32>], vector<16xf32>,
        %add3A_96 = arith.constant 32 : i32
        %add3A_97 = vector.broadcast %add3A_96 : i32 to vector<16xi32>
        %add3A_98 = arith.addi %add3A_97, %iota3A : vector<16xi32>
        %gather3A_99 = tpu.vector_load_idx %arg18[%broadcast_in_dim3A, %add3A_98] : memref<80x128xf32, #tpu.memory_space<vmem>>[vector<16xi32>, vector<16xi32>], vector<16xf32>,
        %mul3A_100 = arith.mulf %gather3A_99, %gather3A : vector<16xf32>
        tpu.vector_store_idx %arg18[%broadcast_in_dim3A, %add3A_98], %mul3A_100 : memref<80x128xf32, #tpu.memory_space<vmem>>[vector<16xi32>, vector<16xi32>], vector<16xf32>,
        %add3A_101 = arith.constant 48 : i32
        %add3A_102 = vector.broadcast %add3A_101 : i32 to vector<16xi32>
        %add3A_103 = arith.addi %add3A_102, %iota3A : vector<16xi32>
        %gather3A_104 = tpu.vector_load_idx %arg18[%broadcast_in_dim3A, %add3A_103] : memref<80x128xf32, #tpu.memory_space<vmem>>[vector<16xi32>, vector<16xi32>], vector<16xf32>,
        %mul3A_105 = arith.mulf %gather3A_104, %gather3A : vector<16xf32>
        tpu.vector_store_idx %arg18[%broadcast_in_dim3A, %add3A_103], %mul3A_105 : memref<80x128xf32, #tpu.memory_space<vmem>>[vector<16xi32>, vector<16xi32>], vector<16xf32>,
        %add3A_106 = arith.constant 64 : i32
        %add3A_107 = vector.broadcast %add3A_106 : i32 to vector<16xi32>
        %add3A_108 = arith.addi %add3A_107, %iota3A : vector<16xi32>
        %gather3A_109 = tpu.vector_load_idx %arg18[%broadcast_in_dim3A, %add3A_108] : memref<80x128xf32, #tpu.memory_space<vmem>>[vector<16xi32>, vector<16xi32>], vector<16xf32>,
        %mul3A_110 = arith.mulf %gather3A_109, %gather3A : vector<16xf32>
        tpu.vector_store_idx %arg18[%broadcast_in_dim3A, %add3A_108], %mul3A_110 : memref<80x128xf32, #tpu.memory_space<vmem>>[vector<16xi32>, vector<16xi32>], vector<16xf32>,
        %add3A_111 = arith.constant 80 : i32
        %add3A_112 = vector.broadcast %add3A_111 : i32 to vector<16xi32>
        %add3A_113 = arith.addi %add3A_112, %iota3A : vector<16xi32>
        %gather3A_114 = tpu.vector_load_idx %arg18[%broadcast_in_dim3A, %add3A_113] : memref<80x128xf32, #tpu.memory_space<vmem>>[vector<16xi32>, vector<16xi32>], vector<16xf32>,
        %mul3A_115 = arith.mulf %gather3A_114, %gather3A : vector<16xf32>
        tpu.vector_store_idx %arg18[%broadcast_in_dim3A, %add3A_113], %mul3A_115 : memref<80x128xf32, #tpu.memory_space<vmem>>[vector<16xi32>, vector<16xi32>], vector<16xf32>,
        %add3A_116 = arith.constant 96 : i32
        %add3A_117 = vector.broadcast %add3A_116 : i32 to vector<16xi32>
        %add3A_118 = arith.addi %add3A_117, %iota3A : vector<16xi32>
        %gather3A_119 = tpu.vector_load_idx %arg18[%broadcast_in_dim3A, %add3A_118] : memref<80x128xf32, #tpu.memory_space<vmem>>[vector<16xi32>, vector<16xi32>], vector<16xf32>,
        %mul3A_120 = arith.mulf %gather3A_119, %gather3A : vector<16xf32>
        tpu.vector_store_idx %arg18[%broadcast_in_dim3A, %add3A_118], %mul3A_120 : memref<80x128xf32, #tpu.memory_space<vmem>>[vector<16xi32>, vector<16xi32>], vector<16xf32>,
        %add3A_121 = arith.constant 112 : i32
        %add3A_122 = vector.broadcast %add3A_121 : i32 to vector<16xi32>
        %add3A_123 = arith.addi %add3A_122, %iota3A : vector<16xi32>
        %gather3A_124 = tpu.vector_load_idx %arg18[%broadcast_in_dim3A, %add3A_123] : memref<80x128xf32, #tpu.memory_space<vmem>>[vector<16xi32>, vector<16xi32>], vector<16xf32>,
        %mul3A_125 = arith.mulf %gather3A_124, %gather3A : vector<16xf32>
        tpu.vector_store_idx %arg18[%broadcast_in_dim3A, %add3A_123], %mul3A_125 : memref<80x128xf32, #tpu.memory_space<vmem>>[vector<16xi32>, vector<16xi32>], vector<16xf32>,
      }
      %scan3A_58 = arith.constant 80 : i32
      "tpu.region"() ({
        %run_scoped3A = tpu.sem_alloc : memref<!tpu.dma_semaphore, #tpu.memory_space<semaphore_mem>>
        %dma_start3A_81 = arith.constant 0 : i32
        %dma_start3A_82 = arith.constant 0 : i32
        %dma_start3A_83 = tpu.memref_slice %arg9[%dma_start3A_81, %dma_start3A_82] : memref<10000x128xf32, #tpu.memory_space<vmem_shared>> -> memref<10000x128xf32, #tpu.memory_space<vmem_shared>>
        tpu.enqueue_indirect_dma source(%arg18 : memref<80x128xf32, #tpu.memory_space<vmem>>) target(%dma_start3A_83 : memref<10000x128xf32, #tpu.memory_space<vmem_shared>>) offsets(%arg12 : memref<80xi32, #tpu.memory_space<vmem>>) semaphore(%run_scoped3A : memref<!tpu.dma_semaphore, #tpu.memory_space<semaphore_mem>>) {add = true}
        %dma_wait3A_84 = arith.constant 0 : i32
        %dma_wait3A_85 = arith.constant 0 : i32
        %dma_wait3A_86 = tpu.memref_slice %arg9[%dma_wait3A_84, %dma_wait3A_85] : memref<10000x128xf32, #tpu.memory_space<vmem_shared>> -> memref<10000x128xf32, #tpu.memory_space<vmem_shared>>
        tpu.wait_indirect_dma semaphore(%run_scoped3A : memref<!tpu.dma_semaphore, #tpu.memory_space<semaphore_mem>>) src(%arg18 : memref<80x128xf32, #tpu.memory_space<vmem>>) dst(%dma_wait3A_86 : memref<10000x128xf32, #tpu.memory_space<vmem_shared>>)
        tpu.yield
      }) : () -> ()
      %mul3A_59 = arith.constant 2 : i32
      %mul3A_60 = arith.muli %mul3A_59, %add3A_36 : i32
      %add3A_61 = arith.constant 2 : i32
      %add3A_62 = arith.addi %mul3A_60, %add3A_61 : i32
      %mul3A_63 = arith.constant 80 : i32
      %mul3A_64 = arith.muli %add3A_62, %mul3A_63 : i32
      %add3A_65 = arith.addi %mul3A_2, %mul3A_64 : i32
      "tpu.region"() ({
        %run_scoped3A = tpu.sem_alloc : memref<!tpu.dma_semaphore, #tpu.memory_space<semaphore_mem>>
        %dma_start3A_81 = tpu.memref_slice %arg3[%add3A_65] : memref<320000xi32, #tpu.memory_space<hbm>> -> memref<80xi32, #tpu.memory_space<hbm>>
        %dma_start3A_82 = tpu.memref_slice %arg3[%add3A_65] : memref<320000xi32, #tpu.memory_space<hbm>> -> memref<80xi32, #tpu.memory_space<hbm>>
        tpu.enqueue_dma source(%dma_start3A_82 : memref<80xi32, #tpu.memory_space<hbm>>) target(%arg10 : memref<80xi32, #tpu.memory_space<vmem>>) target_semaphore(%run_scoped3A : memref<!tpu.dma_semaphore, #tpu.memory_space<semaphore_mem>>)
        %dma_wait3A_83 = tpu.memref_slice %arg3[%add3A_65] : memref<320000xi32, #tpu.memory_space<hbm>> -> memref<80xi32, #tpu.memory_space<hbm>>
        %dma_wait3A_84 = tpu.memref_slice %arg3[%add3A_65] : memref<320000xi32, #tpu.memory_space<hbm>> -> memref<80xi32, #tpu.memory_space<hbm>>
        tpu.wait_dma2 semaphore(%run_scoped3A : memref<!tpu.dma_semaphore, #tpu.memory_space<semaphore_mem>>) src(%dma_wait3A_84 : memref<80xi32, #tpu.memory_space<hbm>>) dst(%arg10 : memref<80xi32, #tpu.memory_space<vmem>>)
        tpu.yield
      }) : () -> ()
      %dma_start3A_66 = arith.constant 0 : i32
      %dma_start3A_67 = arith.constant 0 : i32
      %dma_start3A_68 = tpu.memref_slice %arg2[%dma_start3A_66, %dma_start3A_67] : memref<30000x128xf32, #tpu.memory_space<hbm>> -> memref<30000x128xf32, #tpu.memory_space<hbm>>
      tpu.enqueue_indirect_dma source(%dma_start3A_68 : memref<30000x128xf32, #tpu.memory_space<hbm>>) target(%arg18 : memref<80x128xf32, #tpu.memory_space<vmem>>) offsets(%arg10 : memref<80xi32, #tpu.memory_space<vmem>>) semaphore(%arg20 : memref<!tpu.dma_semaphore, #tpu.memory_space<semaphore_mem>>)
      "tpu.region"() ({
        %run_scoped3A = tpu.sem_alloc : memref<!tpu.dma_semaphore, #tpu.memory_space<semaphore_mem>>
        %dma_start3A_81 = tpu.memref_slice %arg4[%add3A_65] : memref<320000xi32, #tpu.memory_space<hbm>> -> memref<80xi32, #tpu.memory_space<hbm>>
        %dma_start3A_82 = tpu.memref_slice %arg4[%add3A_65] : memref<320000xi32, #tpu.memory_space<hbm>> -> memref<80xi32, #tpu.memory_space<hbm>>
        tpu.enqueue_dma source(%dma_start3A_82 : memref<80xi32, #tpu.memory_space<hbm>>) target(%arg11 : memref<80xi32, #tpu.memory_space<vmem>>) target_semaphore(%run_scoped3A : memref<!tpu.dma_semaphore, #tpu.memory_space<semaphore_mem>>)
        %dma_wait3A_83 = tpu.memref_slice %arg4[%add3A_65] : memref<320000xi32, #tpu.memory_space<hbm>> -> memref<80xi32, #tpu.memory_space<hbm>>
        %dma_wait3A_84 = tpu.memref_slice %arg4[%add3A_65] : memref<320000xi32, #tpu.memory_space<hbm>> -> memref<80xi32, #tpu.memory_space<hbm>>
        tpu.wait_dma2 semaphore(%run_scoped3A : memref<!tpu.dma_semaphore, #tpu.memory_space<semaphore_mem>>) src(%dma_wait3A_84 : memref<80xi32, #tpu.memory_space<hbm>>) dst(%arg11 : memref<80xi32, #tpu.memory_space<vmem>>)
        tpu.yield
      }) : () -> ()
      %dma_start3A_69 = arith.constant 0 : i32
      %dma_start3A_70 = tpu.memref_slice %arg6[%dma_start3A_69] : memref<30000xf32, #tpu.memory_space<hbm>> -> memref<30000xf32, #tpu.memory_space<hbm>>
      tpu.enqueue_indirect_dma source(%dma_start3A_70 : memref<30000xf32, #tpu.memory_space<hbm>>) target(%arg16 : memref<80xf32, #tpu.memory_space<vmem>>) offsets(%arg11 : memref<80xi32, #tpu.memory_space<vmem>>) semaphore(%arg22 : memref<!tpu.dma_semaphore, #tpu.memory_space<semaphore_mem>>)
      "tpu.region"() ({
        %run_scoped3A = tpu.sem_alloc : memref<!tpu.dma_semaphore, #tpu.memory_space<semaphore_mem>>
        %dma_start3A_81 = tpu.memref_slice %arg5[%add3A_65] : memref<320000xi32, #tpu.memory_space<hbm>> -> memref<80xi32, #tpu.memory_space<hbm>>
        %dma_start3A_82 = tpu.memref_slice %arg5[%add3A_65] : memref<320000xi32, #tpu.memory_space<hbm>> -> memref<80xi32, #tpu.memory_space<hbm>>
        tpu.enqueue_dma source(%dma_start3A_82 : memref<80xi32, #tpu.memory_space<hbm>>) target(%arg12 : memref<80xi32, #tpu.memory_space<vmem>>) target_semaphore(%run_scoped3A : memref<!tpu.dma_semaphore, #tpu.memory_space<semaphore_mem>>)
        %dma_wait3A_83 = tpu.memref_slice %arg5[%add3A_65] : memref<320000xi32, #tpu.memory_space<hbm>> -> memref<80xi32, #tpu.memory_space<hbm>>
        %dma_wait3A_84 = tpu.memref_slice %arg5[%add3A_65] : memref<320000xi32, #tpu.memory_space<hbm>> -> memref<80xi32, #tpu.memory_space<hbm>>
        tpu.wait_dma2 semaphore(%run_scoped3A : memref<!tpu.dma_semaphore, #tpu.memory_space<semaphore_mem>>) src(%dma_wait3A_84 : memref<80xi32, #tpu.memory_space<hbm>>) dst(%arg12 : memref<80xi32, #tpu.memory_space<vmem>>)
        tpu.yield
      }) : () -> ()
      %dma_wait3A_71 = arith.constant 0 : i32
      %dma_wait3A_72 = arith.constant 0 : i32
      %dma_wait3A_73 = tpu.memref_slice %arg2[%dma_wait3A_71, %dma_wait3A_72] : memref<30000x128xf32, #tpu.memory_space<hbm>> -> memref<30000x128xf32, #tpu.memory_space<hbm>>
      tpu.wait_indirect_dma semaphore(%arg21 : memref<!tpu.dma_semaphore, #tpu.memory_space<semaphore_mem>>) src(%dma_wait3A_73 : memref<30000x128xf32, #tpu.memory_space<hbm>>) dst(%arg19 : memref<80x128xf32, #tpu.memory_space<vmem>>)
      %dma_wait3A_74 = arith.constant 0 : i32
      %dma_wait3A_75 = tpu.memref_slice %arg6[%dma_wait3A_74] : memref<30000xf32, #tpu.memory_space<hbm>> -> memref<30000xf32, #tpu.memory_space<hbm>>
      tpu.wait_indirect_dma semaphore(%arg23 : memref<!tpu.dma_semaphore, #tpu.memory_space<semaphore_mem>>) src(%dma_wait3A_75 : memref<30000xf32, #tpu.memory_space<hbm>>) dst(%arg17 : memref<80xf32, #tpu.memory_space<vmem>>)
      %scan3A_76 = arith.constant 0 : i32
      %scan3A_77 = arith.constant 80 : i32
      %scan3A_78 = arith.addi %scan3A_76, %scan3A_77 : i32
      %scan3A_79 = arith.constant 1 : i32
      scf.for %scan3A_81 = %scan3A_76 to %scan3A_78 step %scan3A_79  : i32 {
        %mul3A_82 = arith.constant 1 : i32
        %mul3A_83 = arith.muli %scan3A_81, %mul3A_82 : i32
        %add3A_84 = arith.constant 0 : i32
        %add3A_85 = arith.addi %add3A_84, %mul3A_83 : i32
        %broadcast_in_dim3A = vector.broadcast %add3A_85 : i32 to vector<16xi32>
        %gather3A = tpu.vector_load_idx %arg17[%broadcast_in_dim3A] : memref<80xf32, #tpu.memory_space<vmem>>[vector<16xi32>], vector<16xf32>,
        %add3A_86 = arith.constant 0 : i32
        %add3A_87 = vector.broadcast %add3A_86 : i32 to vector<16xi32>
        %add3A_88 = arith.addi %add3A_87, %iota3A : vector<16xi32>
        %gather3A_89 = tpu.vector_load_idx %arg19[%broadcast_in_dim3A, %add3A_88] : memref<80x128xf32, #tpu.memory_space<vmem>>[vector<16xi32>, vector<16xi32>], vector<16xf32>,
        %mul3A_90 = arith.mulf %gather3A_89, %gather3A : vector<16xf32>
        tpu.vector_store_idx %arg19[%broadcast_in_dim3A, %add3A_88], %mul3A_90 : memref<80x128xf32, #tpu.memory_space<vmem>>[vector<16xi32>, vector<16xi32>], vector<16xf32>,
        %add3A_91 = arith.constant 16 : i32
        %add3A_92 = vector.broadcast %add3A_91 : i32 to vector<16xi32>
        %add3A_93 = arith.addi %add3A_92, %iota3A : vector<16xi32>
        %gather3A_94 = tpu.vector_load_idx %arg19[%broadcast_in_dim3A, %add3A_93] : memref<80x128xf32, #tpu.memory_space<vmem>>[vector<16xi32>, vector<16xi32>], vector<16xf32>,
        %mul3A_95 = arith.mulf %gather3A_94, %gather3A : vector<16xf32>
        tpu.vector_store_idx %arg19[%broadcast_in_dim3A, %add3A_93], %mul3A_95 : memref<80x128xf32, #tpu.memory_space<vmem>>[vector<16xi32>, vector<16xi32>], vector<16xf32>,
        %add3A_96 = arith.constant 32 : i32
        %add3A_97 = vector.broadcast %add3A_96 : i32 to vector<16xi32>
        %add3A_98 = arith.addi %add3A_97, %iota3A : vector<16xi32>
        %gather3A_99 = tpu.vector_load_idx %arg19[%broadcast_in_dim3A, %add3A_98] : memref<80x128xf32, #tpu.memory_space<vmem>>[vector<16xi32>, vector<16xi32>], vector<16xf32>,
        %mul3A_100 = arith.mulf %gather3A_99, %gather3A : vector<16xf32>
        tpu.vector_store_idx %arg19[%broadcast_in_dim3A, %add3A_98], %mul3A_100 : memref<80x128xf32, #tpu.memory_space<vmem>>[vector<16xi32>, vector<16xi32>], vector<16xf32>,
        %add3A_101 = arith.constant 48 : i32
        %add3A_102 = vector.broadcast %add3A_101 : i32 to vector<16xi32>
        %add3A_103 = arith.addi %add3A_102, %iota3A : vector<16xi32>
        %gather3A_104 = tpu.vector_load_idx %arg19[%broadcast_in_dim3A, %add3A_103] : memref<80x128xf32, #tpu.memory_space<vmem>>[vector<16xi32>, vector<16xi32>], vector<16xf32>,
        %mul3A_105 = arith.mulf %gather3A_104, %gather3A : vector<16xf32>
        tpu.vector_store_idx %arg19[%broadcast_in_dim3A, %add3A_103], %mul3A_105 : memref<80x128xf32, #tpu.memory_space<vmem>>[vector<16xi32>, vector<16xi32>], vector<16xf32>,
        %add3A_106 = arith.constant 64 : i32
        %add3A_107 = vector.broadcast %add3A_106 : i32 to vector<16xi32>
        %add3A_108 = arith.addi %add3A_107, %iota3A : vector<16xi32>
        %gather3A_109 = tpu.vector_load_idx %arg19[%broadcast_in_dim3A, %add3A_108] : memref<80x128xf32, #tpu.memory_space<vmem>>[vector<16xi32>, vector<16xi32>], vector<16xf32>,
        %mul3A_110 = arith.mulf %gather3A_109, %gather3A : vector<16xf32>
        tpu.vector_store_idx %arg19[%broadcast_in_dim3A, %add3A_108], %mul3A_110 : memref<80x128xf32, #tpu.memory_space<vmem>>[vector<16xi32>, vector<16xi32>], vector<16xf32>,
        %add3A_111 = arith.constant 80 : i32
        %add3A_112 = vector.broadcast %add3A_111 : i32 to vector<16xi32>
        %add3A_113 = arith.addi %add3A_112, %iota3A : vector<16xi32>
        %gather3A_114 = tpu.vector_load_idx %arg19[%broadcast_in_dim3A, %add3A_113] : memref<80x128xf32, #tpu.memory_space<vmem>>[vector<16xi32>, vector<16xi32>], vector<16xf32>,
        %mul3A_115 = arith.mulf %gather3A_114, %gather3A : vector<16xf32>
        tpu.vector_store_idx %arg19[%broadcast_in_dim3A, %add3A_113], %mul3A_115 : memref<80x128xf32, #tpu.memory_space<vmem>>[vector<16xi32>, vector<16xi32>], vector<16xf32>,
        %add3A_116 = arith.constant 96 : i32
        %add3A_117 = vector.broadcast %add3A_116 : i32 to vector<16xi32>
        %add3A_118 = arith.addi %add3A_117, %iota3A : vector<16xi32>
        %gather3A_119 = tpu.vector_load_idx %arg19[%broadcast_in_dim3A, %add3A_118] : memref<80x128xf32, #tpu.memory_space<vmem>>[vector<16xi32>, vector<16xi32>], vector<16xf32>,
        %mul3A_120 = arith.mulf %gather3A_119, %gather3A : vector<16xf32>
        tpu.vector_store_idx %arg19[%broadcast_in_dim3A, %add3A_118], %mul3A_120 : memref<80x128xf32, #tpu.memory_space<vmem>>[vector<16xi32>, vector<16xi32>], vector<16xf32>,
        %add3A_121 = arith.constant 112 : i32
        %add3A_122 = vector.broadcast %add3A_121 : i32 to vector<16xi32>
        %add3A_123 = arith.addi %add3A_122, %iota3A : vector<16xi32>
        %gather3A_124 = tpu.vector_load_idx %arg19[%broadcast_in_dim3A, %add3A_123] : memref<80x128xf32, #tpu.memory_space<vmem>>[vector<16xi32>, vector<16xi32>], vector<16xf32>,
        %mul3A_125 = arith.mulf %gather3A_124, %gather3A : vector<16xf32>
        tpu.vector_store_idx %arg19[%broadcast_in_dim3A, %add3A_123], %mul3A_125 : memref<80x128xf32, #tpu.memory_space<vmem>>[vector<16xi32>, vector<16xi32>], vector<16xf32>,
      }
      %scan3A_80 = arith.constant 80 : i32
      "tpu.region"() ({
        %run_scoped3A = tpu.sem_alloc : memref<!tpu.dma_semaphore, #tpu.memory_space<semaphore_mem>>
        %dma_start3A_81 = arith.constant 0 : i32
        %dma_start3A_82 = arith.constant 0 : i32
        %dma_start3A_83 = tpu.memref_slice %arg9[%dma_start3A_81, %dma_start3A_82] : memref<10000x128xf32, #tpu.memory_space<vmem_shared>> -> memref<10000x128xf32, #tpu.memory_space<vmem_shared>>
        tpu.enqueue_indirect_dma source(%arg19 : memref<80x128xf32, #tpu.memory_space<vmem>>) target(%dma_start3A_83 : memref<10000x128xf32, #tpu.memory_space<vmem_shared>>) offsets(%arg15 : memref<80xi32, #tpu.memory_space<vmem>>) semaphore(%run_scoped3A : memref<!tpu.dma_semaphore, #tpu.memory_space<semaphore_mem>>) {add = true}
        %dma_wait3A_84 = arith.constant 0 : i32
        %dma_wait3A_85 = arith.constant 0 : i32
        %dma_wait3A_86 = tpu.memref_slice %arg9[%dma_wait3A_84, %dma_wait3A_85] : memref<10000x128xf32, #tpu.memory_space<vmem_shared>> -> memref<10000x128xf32, #tpu.memory_space<vmem_shared>>
        tpu.wait_indirect_dma semaphore(%run_scoped3A : memref<!tpu.dma_semaphore, #tpu.memory_space<semaphore_mem>>) src(%arg19 : memref<80x128xf32, #tpu.memory_space<vmem>>) dst(%dma_wait3A_86 : memref<10000x128xf32, #tpu.memory_space<vmem_shared>>)
        tpu.yield
      }) : () -> ()
    }
    %scan3A_14 = arith.constant 62 : i32
    %dma_wait3A = arith.constant 0 : i32
    %dma_wait3A_15 = arith.constant 0 : i32
    %dma_wait3A_16 = tpu.memref_slice %arg2[%dma_wait3A, %dma_wait3A_15] : memref<30000x128xf32, #tpu.memory_space<hbm>> -> memref<30000x128xf32, #tpu.memory_space<hbm>>
    tpu.wait_indirect_dma semaphore(%arg20 : memref<!tpu.dma_semaphore, #tpu.memory_space<semaphore_mem>>) src(%dma_wait3A_16 : memref<30000x128xf32, #tpu.memory_space<hbm>>) dst(%arg18 : memref<80x128xf32, #tpu.memory_space<vmem>>)
    %dma_wait3A_17 = arith.constant 0 : i32
    %dma_wait3A_18 = tpu.memref_slice %arg6[%dma_wait3A_17] : memref<30000xf32, #tpu.memory_space<hbm>> -> memref<30000xf32, #tpu.memory_space<hbm>>
    tpu.wait_indirect_dma semaphore(%arg22 : memref<!tpu.dma_semaphore, #tpu.memory_space<semaphore_mem>>) src(%dma_wait3A_18 : memref<30000xf32, #tpu.memory_space<hbm>>) dst(%arg16 : memref<80xf32, #tpu.memory_space<vmem>>)
    %scan3A_19 = arith.constant 0 : i32
    %scan3A_20 = arith.constant 80 : i32
    %scan3A_21 = arith.addi %scan3A_19, %scan3A_20 : i32
    %scan3A_22 = arith.constant 1 : i32
    scf.for %scan3A_32 = %scan3A_19 to %scan3A_21 step %scan3A_22  : i32 {
      %mul3A_33 = arith.constant 1 : i32
      %mul3A_34 = arith.muli %scan3A_32, %mul3A_33 : i32
      %add3A_35 = arith.constant 0 : i32
      %add3A_36 = arith.addi %add3A_35, %mul3A_34 : i32
      %broadcast_in_dim3A = vector.broadcast %add3A_36 : i32 to vector<16xi32>
      %gather3A = tpu.vector_load_idx %arg16[%broadcast_in_dim3A] : memref<80xf32, #tpu.memory_space<vmem>>[vector<16xi32>], vector<16xf32>,
      %add3A_37 = arith.constant 0 : i32
      %add3A_38 = vector.broadcast %add3A_37 : i32 to vector<16xi32>
      %add3A_39 = arith.addi %add3A_38, %iota3A : vector<16xi32>
      %gather3A_40 = tpu.vector_load_idx %arg18[%broadcast_in_dim3A, %add3A_39] : memref<80x128xf32, #tpu.memory_space<vmem>>[vector<16xi32>, vector<16xi32>], vector<16xf32>,
      %mul3A_41 = arith.mulf %gather3A_40, %gather3A : vector<16xf32>
      tpu.vector_store_idx %arg18[%broadcast_in_dim3A, %add3A_39], %mul3A_41 : memref<80x128xf32, #tpu.memory_space<vmem>>[vector<16xi32>, vector<16xi32>], vector<16xf32>,
      %add3A_42 = arith.constant 16 : i32
      %add3A_43 = vector.broadcast %add3A_42 : i32 to vector<16xi32>
      %add3A_44 = arith.addi %add3A_43, %iota3A : vector<16xi32>
      %gather3A_45 = tpu.vector_load_idx %arg18[%broadcast_in_dim3A, %add3A_44] : memref<80x128xf32, #tpu.memory_space<vmem>>[vector<16xi32>, vector<16xi32>], vector<16xf32>,
      %mul3A_46 = arith.mulf %gather3A_45, %gather3A : vector<16xf32>
      tpu.vector_store_idx %arg18[%broadcast_in_dim3A, %add3A_44], %mul3A_46 : memref<80x128xf32, #tpu.memory_space<vmem>>[vector<16xi32>, vector<16xi32>], vector<16xf32>,
      %add3A_47 = arith.constant 32 : i32
      %add3A_48 = vector.broadcast %add3A_47 : i32 to vector<16xi32>
      %add3A_49 = arith.addi %add3A_48, %iota3A : vector<16xi32>
      %gather3A_50 = tpu.vector_load_idx %arg18[%broadcast_in_dim3A, %add3A_49] : memref<80x128xf32, #tpu.memory_space<vmem>>[vector<16xi32>, vector<16xi32>], vector<16xf32>,
      %mul3A_51 = arith.mulf %gather3A_50, %gather3A : vector<16xf32>
      tpu.vector_store_idx %arg18[%broadcast_in_dim3A, %add3A_49], %mul3A_51 : memref<80x128xf32, #tpu.memory_space<vmem>>[vector<16xi32>, vector<16xi32>], vector<16xf32>,
      %add3A_52 = arith.constant 48 : i32
      %add3A_53 = vector.broadcast %add3A_52 : i32 to vector<16xi32>
      %add3A_54 = arith.addi %add3A_53, %iota3A : vector<16xi32>
      %gather3A_55 = tpu.vector_load_idx %arg18[%broadcast_in_dim3A, %add3A_54] : memref<80x128xf32, #tpu.memory_space<vmem>>[vector<16xi32>, vector<16xi32>], vector<16xf32>,
      %mul3A_56 = arith.mulf %gather3A_55, %gather3A : vector<16xf32>
      tpu.vector_store_idx %arg18[%broadcast_in_dim3A, %add3A_54], %mul3A_56 : memref<80x128xf32, #tpu.memory_space<vmem>>[vector<16xi32>, vector<16xi32>], vector<16xf32>,
      %add3A_57 = arith.constant 64 : i32
      %add3A_58 = vector.broadcast %add3A_57 : i32 to vector<16xi32>
      %add3A_59 = arith.addi %add3A_58, %iota3A : vector<16xi32>
      %gather3A_60 = tpu.vector_load_idx %arg18[%broadcast_in_dim3A, %add3A_59] : memref<80x128xf32, #tpu.memory_space<vmem>>[vector<16xi32>, vector<16xi32>], vector<16xf32>,
      %mul3A_61 = arith.mulf %gather3A_60, %gather3A : vector<16xf32>
      tpu.vector_store_idx %arg18[%broadcast_in_dim3A, %add3A_59], %mul3A_61 : memref<80x128xf32, #tpu.memory_space<vmem>>[vector<16xi32>, vector<16xi32>], vector<16xf32>,
      %add3A_62 = arith.constant 80 : i32
      %add3A_63 = vector.broadcast %add3A_62 : i32 to vector<16xi32>
      %add3A_64 = arith.addi %add3A_63, %iota3A : vector<16xi32>
      %gather3A_65 = tpu.vector_load_idx %arg18[%broadcast_in_dim3A, %add3A_64] : memref<80x128xf32, #tpu.memory_space<vmem>>[vector<16xi32>, vector<16xi32>], vector<16xf32>,
      %mul3A_66 = arith.mulf %gather3A_65, %gather3A : vector<16xf32>
      tpu.vector_store_idx %arg18[%broadcast_in_dim3A, %add3A_64], %mul3A_66 : memref<80x128xf32, #tpu.memory_space<vmem>>[vector<16xi32>, vector<16xi32>], vector<16xf32>,
      %add3A_67 = arith.constant 96 : i32
      %add3A_68 = vector.broadcast %add3A_67 : i32 to vector<16xi32>
      %add3A_69 = arith.addi %add3A_68, %iota3A : vector<16xi32>
      %gather3A_70 = tpu.vector_load_idx %arg18[%broadcast_in_dim3A, %add3A_69] : memref<80x128xf32, #tpu.memory_space<vmem>>[vector<16xi32>, vector<16xi32>], vector<16xf32>,
      %mul3A_71 = arith.mulf %gather3A_70, %gather3A : vector<16xf32>
      tpu.vector_store_idx %arg18[%broadcast_in_dim3A, %add3A_69], %mul3A_71 : memref<80x128xf32, #tpu.memory_space<vmem>>[vector<16xi32>, vector<16xi32>], vector<16xf32>,
      %add3A_72 = arith.constant 112 : i32
      %add3A_73 = vector.broadcast %add3A_72 : i32 to vector<16xi32>
      %add3A_74 = arith.addi %add3A_73, %iota3A : vector<16xi32>
      %gather3A_75 = tpu.vector_load_idx %arg18[%broadcast_in_dim3A, %add3A_74] : memref<80x128xf32, #tpu.memory_space<vmem>>[vector<16xi32>, vector<16xi32>], vector<16xf32>,
      %mul3A_76 = arith.mulf %gather3A_75, %gather3A : vector<16xf32>
      tpu.vector_store_idx %arg18[%broadcast_in_dim3A, %add3A_74], %mul3A_76 : memref<80x128xf32, #tpu.memory_space<vmem>>[vector<16xi32>, vector<16xi32>], vector<16xf32>,
    }
    %scan3A_23 = arith.constant 80 : i32
    "tpu.region"() ({
      %run_scoped3A = tpu.sem_alloc : memref<!tpu.dma_semaphore, #tpu.memory_space<semaphore_mem>>
      %dma_start3A_32 = arith.constant 0 : i32
      %dma_start3A_33 = arith.constant 0 : i32
      %dma_start3A_34 = tpu.memref_slice %arg9[%dma_start3A_32, %dma_start3A_33] : memref<10000x128xf32, #tpu.memory_space<vmem_shared>> -> memref<10000x128xf32, #tpu.memory_space<vmem_shared>>
      tpu.enqueue_indirect_dma source(%arg18 : memref<80x128xf32, #tpu.memory_space<vmem>>) target(%dma_start3A_34 : memref<10000x128xf32, #tpu.memory_space<vmem_shared>>) offsets(%arg12 : memref<80xi32, #tpu.memory_space<vmem>>) semaphore(%run_scoped3A : memref<!tpu.dma_semaphore, #tpu.memory_space<semaphore_mem>>) {add = true}
      %dma_wait3A_35 = arith.constant 0 : i32
      %dma_wait3A_36 = arith.constant 0 : i32
      %dma_wait3A_37 = tpu.memref_slice %arg9[%dma_wait3A_35, %dma_wait3A_36] : memref<10000x128xf32, #tpu.memory_space<vmem_shared>> -> memref<10000x128xf32, #tpu.memory_space<vmem_shared>>
      tpu.wait_indirect_dma semaphore(%run_scoped3A : memref<!tpu.dma_semaphore, #tpu.memory_space<semaphore_mem>>) src(%arg18 : memref<80x128xf32, #tpu.memory_space<vmem>>) dst(%dma_wait3A_37 : memref<10000x128xf32, #tpu.memory_space<vmem_shared>>)
      tpu.yield
    }) : () -> ()
    %barrier3A_24 = arith.constant 0 : index
    tpu.barrier barrier_id(%barrier3A_24)
    %mul3A_25 = arith.constant 624 : i32
    %mul3A_26 = arith.muli %arg1, %mul3A_25 : i32
    "tpu.region"() ({
      %run_scoped3A = tpu.sem_alloc : memref<!tpu.dma_semaphore, #tpu.memory_space<semaphore_mem>>
      %dma_start3A_32 = arith.constant 0 : i32
      %dma_start3A_33 = tpu.memref_slice %arg8[%arg0, %mul3A_26, %dma_start3A_32] : memref<2x10000x128xf32, #tpu.memory_space<hbm>> -> memref<1x624x128xf32, #tpu.memory_space<hbm>>
      %dma_start3A_34 = tpu.memref_squeeze %dma_start3A_33 : memref<1x624x128xf32, #tpu.memory_space<hbm>> -> memref<624x128xf32, #tpu.memory_space<hbm>>
      %dma_start3A_35 = arith.constant 0 : i32
      %dma_start3A_36 = tpu.memref_slice %arg9[%mul3A_26, %dma_start3A_35] : memref<10000x128xf32, #tpu.memory_space<vmem_shared>> -> memref<624x128xf32, #tpu.memory_space<vmem_shared>>
      tpu.enqueue_dma source(%dma_start3A_36 : memref<624x128xf32, #tpu.memory_space<vmem_shared>>) target(%dma_start3A_34 : memref<624x128xf32, #tpu.memory_space<hbm>>) target_semaphore(%run_scoped3A : memref<!tpu.dma_semaphore, #tpu.memory_space<semaphore_mem>>)
      %dma_wait3A_37 = arith.constant 0 : i32
      %dma_wait3A_38 = tpu.memref_slice %arg8[%arg0, %mul3A_26, %dma_wait3A_37] : memref<2x10000x128xf32, #tpu.memory_space<hbm>> -> memref<1x624x128xf32, #tpu.memory_space<hbm>>
      %dma_wait3A_39 = tpu.memref_squeeze %dma_wait3A_38 : memref<1x624x128xf32, #tpu.memory_space<hbm>> -> memref<624x128xf32, #tpu.memory_space<hbm>>
      %dma_wait3A_40 = arith.constant 0 : i32
      %dma_wait3A_41 = tpu.memref_slice %arg9[%mul3A_26, %dma_wait3A_40] : memref<10000x128xf32, #tpu.memory_space<vmem_shared>> -> memref<624x128xf32, #tpu.memory_space<vmem_shared>>
      tpu.wait_dma2 semaphore(%run_scoped3A : memref<!tpu.dma_semaphore, #tpu.memory_space<semaphore_mem>>) src(%dma_wait3A_41 : memref<624x128xf32, #tpu.memory_space<vmem_shared>>) dst(%dma_wait3A_39 : memref<624x128xf32, #tpu.memory_space<hbm>>)
      tpu.yield
    }) : () -> ()
    %eq3A_27 = arith.constant 0 : i32
    %eq3A_28 = arith.cmpi eq, %arg1, %eq3A_27 : i32
    %convert_element_type3A_29 = arith.extui %eq3A_28 : i1 to i32
    %cond3A_30 = arith.constant 0 : i32
    %cond3A_31 = arith.cmpi ne, %convert_element_type3A_29, %cond3A_30 : i32
    scf.if %cond3A_31 {
      "tpu.region"() ({
        %run_scoped3A = tpu.sem_alloc : memref<!tpu.dma_semaphore, #tpu.memory_space<semaphore_mem>>
        %dma_start3A_32 = arith.constant 9984 : i32
        %dma_start3A_33 = arith.constant 0 : i32
        %dma_start3A_34 = tpu.memref_slice %arg8[%arg0, %dma_start3A_32, %dma_start3A_33] : memref<2x10000x128xf32, #tpu.memory_space<hbm>> -> memref<1x16x128xf32, #tpu.memory_space<hbm>>
        %dma_start3A_35 = tpu.memref_squeeze %dma_start3A_34 : memref<1x16x128xf32, #tpu.memory_space<hbm>> -> memref<16x128xf32, #tpu.memory_space<hbm>>
        %dma_start3A_36 = arith.constant 9984 : i32
        %dma_start3A_37 = arith.constant 0 : i32
        %dma_start3A_38 = tpu.memref_slice %arg9[%dma_start3A_36, %dma_start3A_37] : memref<10000x128xf32, #tpu.memory_space<vmem_shared>> -> memref<16x128xf32, #tpu.memory_space<vmem_shared>>
        tpu.enqueue_dma source(%dma_start3A_38 : memref<16x128xf32, #tpu.memory_space<vmem_shared>>) target(%dma_start3A_35 : memref<16x128xf32, #tpu.memory_space<hbm>>) target_semaphore(%run_scoped3A : memref<!tpu.dma_semaphore, #tpu.memory_space<semaphore_mem>>)
        %dma_wait3A_39 = arith.constant 9984 : i32
        %dma_wait3A_40 = arith.constant 0 : i32
        %dma_wait3A_41 = tpu.memref_slice %arg8[%arg0, %dma_wait3A_39, %dma_wait3A_40] : memref<2x10000x128xf32, #tpu.memory_space<hbm>> -> memref<1x16x128xf32, #tpu.memory_space<hbm>>
        %dma_wait3A_42 = tpu.memref_squeeze %dma_wait3A_41 : memref<1x16x128xf32, #tpu.memory_space<hbm>> -> memref<16x128xf32, #tpu.memory_space<hbm>>
        %dma_wait3A_43 = arith.constant 9984 : i32
        %dma_wait3A_44 = arith.constant 0 : i32
        %dma_wait3A_45 = tpu.memref_slice %arg9[%dma_wait3A_43, %dma_wait3A_44] : memref<10000x128xf32, #tpu.memory_space<vmem_shared>> -> memref<16x128xf32, #tpu.memory_space<vmem_shared>>
        tpu.wait_dma2 semaphore(%run_scoped3A : memref<!tpu.dma_semaphore, #tpu.memory_space<semaphore_mem>>) src(%dma_wait3A_45 : memref<16x128xf32, #tpu.memory_space<vmem_shared>>) dst(%dma_wait3A_42 : memref<16x128xf32, #tpu.memory_space<hbm>>)
        tpu.yield
      }) : () -> ()
    } else {
    }
    return
  }
}

module attributes {stable_mosaic.version = 14 : i64} {
  func.func @_mm_rel_body(%arg0: i32, %arg1: memref<10000x128xf32, #tpu.memory_space<vmem>>, %arg2: memref<1x128x128xf32, #tpu.memory_space<vmem>>, %arg3: memref<10000x128xf32, #tpu.memory_space<vmem>>) attributes {dimension_semantics = [#tpu.dimension_semantics<arbitrary>], iteration_bounds = array<i64: 3>, scalar_prefetch = 0 : i64, scratch_operands = 0 : i64, tpu.core_type = #tpu.core_type<tc>, window_params = [{pipeline_mode = #tpu.pipeline_mode<synchronous>, transform_indices = @transform_0, window_bounds = array<i64: 10000, 128>}, {transform_indices = @transform_1, window_bounds = array<i64: 1, 128, 128>}, {transform_indices = @transform_2, window_bounds = array<i64: 10000, 128>}]} {
    %get3A = arith.constant 0 : index
    %get3A_0 = arith.constant 0 : index
    %get3A_1 = vector.load %arg1[%get3A, %get3A_0] : memref<10000x128xf32, #tpu.memory_space<vmem>>, vector<10000x128xf32>
    %get3A_2 = arith.constant 0 : index
    %get3A_3 = arith.constant 0 : index
    %get3A_4 = arith.constant 0 : index
    %get3A_5 = vector.load %arg2[%get3A_2, %get3A_3, %get3A_4] : memref<1x128x128xf32, #tpu.memory_space<vmem>>, vector<1x128x128xf32>
    %get3A_6 = vector.shape_cast %get3A_5 : vector<1x128x128xf32> to vector<128x128xf32>
    %dot_general3A = arith.constant dense<0.000000e+00> : vector<10000x128xf32>
    %dot_general3A_7 = tpu.matmul %get3A_1, %get3A_6, %dot_general3A {dimension_numbers = #tpu.dot_dimension_numbers<[1], [0], [0], [1], [0, 0, 1, 1], [], []>, transpose_lhs_hint = false} : vector<10000x128xf32>, vector<128x128xf32>, vector<10000x128xf32> -> vector<10000x128xf32>
    %swap3A = arith.constant 0 : index
    %swap3A_8 = arith.constant 0 : index
    %swap3A_9 = vector.load %arg3[%swap3A, %swap3A_8] : memref<10000x128xf32, #tpu.memory_space<vmem>>, vector<10000x128xf32>
    tpu.vector_store %arg3[%swap3A, %swap3A_8], %dot_general3A_7 {strides = array<i32>} : memref<10000x128xf32, #tpu.memory_space<vmem>>, vector<10000x128xf32>,
    return
  }
  func.func @transform_0(%arg0: i32) -> (i32, i32) {
    %c0_i32 = arith.constant 0 : i32
    %c0_i32_0 = arith.constant 0 : i32
    %c0_i32_1 = arith.constant 0 : i32
    return %c0_i32, %c0_i32_0 : i32, i32
  }
  func.func @transform_1(%arg0: i32) -> (i32, i32, i32) {
    %c0_i32 = arith.constant 0 : i32
    %c0_i32_0 = arith.constant 0 : i32
    %c0_i32_1 = arith.constant 0 : i32
    return %arg0, %c0_i32, %c0_i32_0 : i32, i32, i32
  }
  func.func @transform_2(%arg0: i32) -> (i32, i32) {
    %c0_i32 = arith.constant 0 : i32
    %c0_i32_0 = arith.constant 0 : i32
    return %arg0, %c0_i32 : i32, i32
  }
}

module attributes {stable_mosaic.version = 14 : i64} {
  func.func @_recip_body(%arg0: memref<2x10000x128xf32, #tpu.memory_space<vmem>>, %arg1: memref<10000x128xf32, #tpu.memory_space<vmem>>) attributes {dimension_semantics = [], scalar_prefetch = 0 : i64, scratch_operands = 0 : i64, tpu.core_type = #tpu.core_type<tc>} {
    %get3A = arith.constant 0 : index
    %get3A_0 = arith.constant 0 : index
    %get3A_1 = arith.constant 0 : index
    %get3A_2 = vector.load %arg0[%get3A, %get3A_0, %get3A_1] : memref<2x10000x128xf32, #tpu.memory_space<vmem>>, vector<1x10000x128xf32>
    %get3A_3 = vector.shape_cast %get3A_2 : vector<1x10000x128xf32> to vector<10000x128xf32>
    %get3A_4 = arith.constant 1 : index
    %get3A_5 = arith.constant 0 : index
    %get3A_6 = arith.constant 0 : index
    %get3A_7 = vector.load %arg0[%get3A_4, %get3A_5, %get3A_6] : memref<2x10000x128xf32, #tpu.memory_space<vmem>>, vector<1x10000x128xf32>
    %get3A_8 = vector.shape_cast %get3A_7 : vector<1x10000x128xf32> to vector<10000x128xf32>
    %add3A = arith.addf %get3A_3, %get3A_8 : vector<10000x128xf32>
    %max3A = arith.constant 1.000000e+00 : f32
    %max3A_9 = vector.broadcast %max3A : f32 to vector<10000x128xf32>
    %max3A_10 = arith.maximumf %add3A, %max3A_9 : vector<10000x128xf32>
    %div3A = arith.constant 1.000000e+00 : f32
    %div3A_11 = vector.broadcast %div3A : f32 to vector<10000x128xf32>
    %div3A_12 = arith.divf %div3A_11, %max3A_10 : vector<10000x128xf32>
    %swap3A = arith.constant 0 : index
    %swap3A_13 = arith.constant 0 : index
    %swap3A_14 = vector.load %arg1[%swap3A, %swap3A_13] : memref<10000x128xf32, #tpu.memory_space<vmem>>, vector<10000x128xf32>
    tpu.vector_store %arg1[%swap3A, %swap3A_13], %div3A_12 {strides = array<i32>} : memref<10000x128xf32, #tpu.memory_space<vmem>>, vector<10000x128xf32>,
    return
  }
}

module attributes {stable_mosaic.version = 14 : i64} {
  func.func @_mid_body(%arg0: i32, %arg1: memref<10000x128xf32, #tpu.memory_space<vmem>>, %arg2: memref<128x128xf32, #tpu.memory_space<vmem>>, %arg3: memref<1x128xf32, #tpu.memory_space<vmem>>, %arg4: memref<10000x128xf32, #tpu.memory_space<vmem>>, %arg5: memref<10000x128xf32, #tpu.memory_space<vmem>>, %arg6: memref<1x128x128xf32, #tpu.memory_space<vmem>>, %arg7: memref<10000x128xf32, #tpu.memory_space<vmem>>, %arg8: memref<10000x128xf32, #tpu.memory_space<vmem>>) attributes {dimension_semantics = [#tpu.dimension_semantics<arbitrary>], iteration_bounds = array<i64: 3>, scalar_prefetch = 0 : i64, scratch_operands = 0 : i64, tpu.core_type = #tpu.core_type<tc>, window_params = [{pipeline_mode = #tpu.pipeline_mode<synchronous>, transform_indices = @transform_0, window_bounds = array<i64: 10000, 128>}, {pipeline_mode = #tpu.pipeline_mode<synchronous>, transform_indices = @transform_1, window_bounds = array<i64: 128, 128>}, {pipeline_mode = #tpu.pipeline_mode<synchronous>, transform_indices = @transform_2, window_bounds = array<i64: 1, 128>}, {pipeline_mode = #tpu.pipeline_mode<synchronous>, transform_indices = @transform_3, window_bounds = array<i64: 10000, 128>}, {pipeline_mode = #tpu.pipeline_mode<synchronous>, transform_indices = @transform_4, window_bounds = array<i64: 10000, 128>}, {transform_indices = @transform_5, window_bounds = array<i64: 1, 128, 128>}, {pipeline_mode = #tpu.pipeline_mode<synchronous>, transform_indices = @transform_6, window_bounds = array<i64: 10000, 128>}, {transform_indices = @transform_7, window_bounds = array<i64: 10000, 128>}]} {
    %eq3A = arith.constant 0 : i32
    %eq3A_0 = arith.cmpi eq, %arg0, %eq3A : i32
    %convert_element_type3A = arith.extui %eq3A_0 : i1 to i32
    %cond3A = arith.constant 0 : i32
    %cond3A_1 = arith.cmpi ne, %convert_element_type3A, %cond3A : i32
    scf.if %cond3A_1 {
      %get3A_12 = arith.constant 0 : index
      %get3A_13 = arith.constant 0 : index
      %get3A_14 = vector.load %arg1[%get3A_12, %get3A_13] : memref<10000x128xf32, #tpu.memory_space<vmem>>, vector<10000x128xf32>
      %get3A_15 = arith.constant 0 : index
      %get3A_16 = arith.constant 0 : index
      %get3A_17 = vector.load %arg2[%get3A_15, %get3A_16] : memref<128x128xf32, #tpu.memory_space<vmem>>, vector<128x128xf32>
      %dot_general3A_18 = arith.constant dense<0.000000e+00> : vector<10000x128xf32>
      %dot_general3A_19 = tpu.matmul %get3A_14, %get3A_17, %dot_general3A_18 {dimension_numbers = #tpu.dot_dimension_numbers<[1], [0], [0], [1], [0, 0, 1, 1], [], []>, transpose_lhs_hint = false} : vector<10000x128xf32>, vector<128x128xf32>, vector<10000x128xf32> -> vector<10000x128xf32>
      %get3A_20 = arith.constant 0 : index
      %get3A_21 = arith.constant 0 : index
      %get3A_22 = vector.load %arg3[%get3A_20, %get3A_21] : memref<1x128xf32, #tpu.memory_space<vmem>>, vector<1x128xf32>
      %add3A = vector.broadcast %get3A_22 : vector<1x128xf32> to vector<10000x128xf32>
      %add3A_23 = arith.addf %dot_general3A_19, %add3A : vector<10000x128xf32>
      %get3A_24 = arith.constant 0 : index
      %get3A_25 = arith.constant 0 : index
      %get3A_26 = vector.load %arg4[%get3A_24, %get3A_25] : memref<10000x128xf32, #tpu.memory_space<vmem>>, vector<10000x128xf32>
      %add3A_27 = arith.addf %add3A_23, %get3A_26 : vector<10000x128xf32>
      %get3A_28 = arith.constant 0 : index
      %get3A_29 = arith.constant 0 : index
      %get3A_30 = vector.load %arg5[%get3A_28, %get3A_29] : memref<10000x128xf32, #tpu.memory_space<vmem>>, vector<10000x128xf32>
      %add3A_31 = arith.addf %add3A_27, %get3A_30 : vector<10000x128xf32>
      %max3A = arith.constant 0.000000e+00 : f32
      %max3A_32 = vector.broadcast %max3A : f32 to vector<10000x128xf32>
      %max3A_33 = arith.maximumf %add3A_31, %max3A_32 : vector<10000x128xf32>
      %swap3A_34 = arith.constant 0 : index
      %swap3A_35 = arith.constant 0 : index
      %swap3A_36 = vector.load %arg7[%swap3A_34, %swap3A_35] : memref<10000x128xf32, #tpu.memory_space<vmem>>, vector<10000x128xf32>
      tpu.vector_store %arg7[%swap3A_34, %swap3A_35], %max3A_33 {strides = array<i32>} : memref<10000x128xf32, #tpu.memory_space<vmem>>, vector<10000x128xf32>,
    } else {
    }
    %get3A = arith.constant 0 : index
    %get3A_2 = arith.constant 0 : index
    %get3A_3 = vector.load %arg7[%get3A, %get3A_2] : memref<10000x128xf32, #tpu.memory_space<vmem>>, vector<10000x128xf32>
    %get3A_4 = arith.constant 0 : index
    %get3A_5 = arith.constant 0 : index
    %get3A_6 = arith.constant 0 : index
    %get3A_7 = vector.load %arg6[%get3A_4, %get3A_5, %get3A_6] : memref<1x128x128xf32, #tpu.memory_space<vmem>>, vector<1x128x128xf32>
    %get3A_8 = vector.shape_cast %get3A_7 : vector<1x128x128xf32> to vector<128x128xf32>
    %dot_general3A = arith.constant dense<0.000000e+00> : vector<10000x128xf32>
    %dot_general3A_9 = tpu.matmul %get3A_3, %get3A_8, %dot_general3A {dimension_numbers = #tpu.dot_dimension_numbers<[1], [0], [0], [1], [0, 0, 1, 1], [], []>, transpose_lhs_hint = false} : vector<10000x128xf32>, vector<128x128xf32>, vector<10000x128xf32> -> vector<10000x128xf32>
    %swap3A = arith.constant 0 : index
    %swap3A_10 = arith.constant 0 : index
    %swap3A_11 = vector.load %arg8[%swap3A, %swap3A_10] : memref<10000x128xf32, #tpu.memory_space<vmem>>, vector<10000x128xf32>
    tpu.vector_store %arg8[%swap3A, %swap3A_10], %dot_general3A_9 {strides = array<i32>} : memref<10000x128xf32, #tpu.memory_space<vmem>>, vector<10000x128xf32>,
    return
  }
  func.func @transform_0(%arg0: i32) -> (i32, i32) {
    %c0_i32 = arith.constant 0 : i32
    %c0_i32_0 = arith.constant 0 : i32
    %c0_i32_1 = arith.constant 0 : i32
    return %c0_i32, %c0_i32_0 : i32, i32
  }
  func.func @transform_1(%arg0: i32) -> (i32, i32) {
    %c0_i32 = arith.constant 0 : i32
    %c0_i32_0 = arith.constant 0 : i32
    %c0_i32_1 = arith.constant 0 : i32
    return %c0_i32, %c0_i32_0 : i32, i32
  }
  func.func @transform_2(%arg0: i32) -> (i32, i32) {
    %c0_i32 = arith.constant 0 : i32
    %c0_i32_0 = arith.constant 0 : i32
    %c0_i32_1 = arith.constant 0 : i32
    return %c0_i32, %c0_i32_0 : i32, i32
  }
  func.func @transform_3(%arg0: i32) -> (i32, i32) {
    %c0_i32 = arith.constant 0 : i32
    %c0_i32_0 = arith.constant 0 : i32
    %c0_i32_1 = arith.constant 0 : i32
    return %c0_i32, %c0_i32_0 : i32, i32
  }
  func.func @transform_4(%arg0: i32) -> (i32, i32) {
    %c0_i32 = arith.constant 0 : i32
    %c0_i32_0 = arith.constant 0 : i32
    %c0_i32_1 = arith.constant 0 : i32
    return %c0_i32, %c0_i32_0 : i32, i32
  }
  func.func @transform_5(%arg0: i32) -> (i32, i32, i32) {
    %c0_i32 = arith.constant 0 : i32
    %c0_i32_0 = arith.constant 0 : i32
    %c0_i32_1 = arith.constant 0 : i32
    return %arg0, %c0_i32, %c0_i32_0 : i32, i32, i32
  }
  func.func @transform_6(%arg0: i32) -> (i32, i32) {
    %c0_i32 = arith.constant 0 : i32
    %c0_i32_0 = arith.constant 0 : i32
    %c0_i32_1 = arith.constant 0 : i32
    return %c0_i32, %c0_i32_0 : i32, i32
  }
  func.func @transform_7(%arg0: i32) -> (i32, i32) {
    %c0_i32 = arith.constant 0 : i32
    %c0_i32_0 = arith.constant 0 : i32
    return %arg0, %c0_i32 : i32, i32
  }
}

module attributes {stable_mosaic.version = 14 : i64} {
  func.func @_final_body(%arg0: memref<10000x128xf32, #tpu.memory_space<vmem>>, %arg1: memref<128x128xf32, #tpu.memory_space<vmem>>, %arg2: memref<1x128xf32, #tpu.memory_space<vmem>>, %arg3: memref<10000x128xf32, #tpu.memory_space<vmem>>, %arg4: memref<10000x128xf32, #tpu.memory_space<vmem>>, %arg5: memref<10000x1xi32, #tpu.memory_space<vmem>>, %arg6: memref<128x64xf32, #tpu.memory_space<vmem>>, %arg7: memref<1x64xf32, #tpu.memory_space<vmem>>, %arg8: memref<128x64xf32, #tpu.memory_space<vmem>>) attributes {dimension_semantics = [], scalar_prefetch = 0 : i64, scratch_operands = 0 : i64, tpu.core_type = #tpu.core_type<tc>} {
    %get3A = arith.constant 0 : index
    %get3A_0 = arith.constant 0 : index
    %get3A_1 = vector.load %arg0[%get3A, %get3A_0] : memref<10000x128xf32, #tpu.memory_space<vmem>>, vector<10000x128xf32>
    %get3A_2 = arith.constant 0 : index
    %get3A_3 = arith.constant 0 : index
    %get3A_4 = vector.load %arg1[%get3A_2, %get3A_3] : memref<128x128xf32, #tpu.memory_space<vmem>>, vector<128x128xf32>
    %dot_general3A = arith.constant dense<0.000000e+00> : vector<10000x128xf32>
    %dot_general3A_5 = tpu.matmul %get3A_1, %get3A_4, %dot_general3A {dimension_numbers = #tpu.dot_dimension_numbers<[1], [0], [0], [1], [0, 0, 1, 1], [], []>, transpose_lhs_hint = false} : vector<10000x128xf32>, vector<128x128xf32>, vector<10000x128xf32> -> vector<10000x128xf32>
    %get3A_6 = arith.constant 0 : index
    %get3A_7 = arith.constant 0 : index
    %get3A_8 = vector.load %arg2[%get3A_6, %get3A_7] : memref<1x128xf32, #tpu.memory_space<vmem>>, vector<1x128xf32>
    %add3A = vector.broadcast %get3A_8 : vector<1x128xf32> to vector<10000x128xf32>
    %add3A_9 = arith.addf %dot_general3A_5, %add3A : vector<10000x128xf32>
    %get3A_10 = arith.constant 0 : index
    %get3A_11 = arith.constant 0 : index
    %get3A_12 = vector.load %arg3[%get3A_10, %get3A_11] : memref<10000x128xf32, #tpu.memory_space<vmem>>, vector<10000x128xf32>
    %add3A_13 = arith.addf %add3A_9, %get3A_12 : vector<10000x128xf32>
    %get3A_14 = arith.constant 0 : index
    %get3A_15 = arith.constant 0 : index
    %get3A_16 = vector.load %arg4[%get3A_14, %get3A_15] : memref<10000x128xf32, #tpu.memory_space<vmem>>, vector<10000x128xf32>
    %add3A_17 = arith.addf %add3A_13, %get3A_16 : vector<10000x128xf32>
    %max3A = arith.constant 0.000000e+00 : f32
    %max3A_18 = vector.broadcast %max3A : f32 to vector<10000x128xf32>
    %max3A_19 = arith.maximumf %add3A_17, %max3A_18 : vector<10000x128xf32>
    %iota3A = tpu.iota {dimensions = array<i32: 1>} : vector<1x128xi32>
    %get3A_20 = arith.constant 0 : index
    %get3A_21 = arith.constant 0 : index
    %get3A_22 = vector.load %arg5[%get3A_20, %get3A_21] : memref<10000x1xi32, #tpu.memory_space<vmem>>, vector<10000x1xi32>
    %eq3A = vector.broadcast %get3A_22 : vector<10000x1xi32> to vector<10000x128xi32>
    %eq3A_23 = vector.broadcast %iota3A : vector<1x128xi32> to vector<10000x128xi32>
    %eq3A_24 = arith.cmpi eq, %eq3A, %eq3A_23 : vector<10000x128xi32>
    %convert_element_type3A = arith.extui %eq3A_24 : vector<10000x128xi1> to vector<10000x128xi32>
    %convert_element_type3A_25 = arith.sitofp %convert_element_type3A : vector<10000x128xi32> to vector<10000x128xf32>
    %dot_general3A_26 = arith.constant dense<0.000000e+00> : vector<128x128xf32>
    %dot_general3A_27 = tpu.matmul %convert_element_type3A_25, %max3A_19, %dot_general3A_26 {dimension_numbers = #tpu.dot_dimension_numbers<[0], [0], [1], [1], [0, 1, 1, 1], [], []>, transpose_lhs_hint = false} : vector<10000x128xf32>, vector<10000x128xf32>, vector<128x128xf32> -> vector<128x128xf32>
    %reduce_sum3A = arith.constant dense<0.000000e+00> : vector<128xf32>
    %reduce_sum3A_28 = vector.multi_reduction <add>, %convert_element_type3A_25, %reduce_sum3A [0] : vector<10000x128xf32> to vector<128xf32>
    %max3A_29 = arith.constant 1.000000e+00 : f32
    %max3A_30 = vector.broadcast %max3A_29 : f32 to vector<128xf32>
    %max3A_31 = arith.maximumf %reduce_sum3A_28, %max3A_30 : vector<128xf32>
    %broadcast_in_dim3A = vector.shape_cast %max3A_31 : vector<128xf32> to vector<128x1xf32>
    %div3A = vector.broadcast %broadcast_in_dim3A : vector<128x1xf32> to vector<128x128xf32>
    %div3A_32 = arith.divf %dot_general3A_27, %div3A : vector<128x128xf32>
    %get3A_33 = arith.constant 0 : index
    %get3A_34 = arith.constant 0 : index
    %get3A_35 = vector.load %arg6[%get3A_33, %get3A_34] : memref<128x64xf32, #tpu.memory_space<vmem>>, vector<128x64xf32>
    %dot_general3A_36 = arith.constant dense<0.000000e+00> : vector<128x64xf32>
    %dot_general3A_37 = tpu.matmul %div3A_32, %get3A_35, %dot_general3A_36 {dimension_numbers = #tpu.dot_dimension_numbers<[1], [0], [0], [1], [0, 0, 1, 1], [], []>, transpose_lhs_hint = false} : vector<128x128xf32>, vector<128x64xf32>, vector<128x64xf32> -> vector<128x64xf32>
    %get3A_38 = arith.constant 0 : index
    %get3A_39 = arith.constant 0 : index
    %get3A_40 = vector.load %arg7[%get3A_38, %get3A_39] : memref<1x64xf32, #tpu.memory_space<vmem>>, vector<1x64xf32>
    %add3A_41 = vector.broadcast %get3A_40 : vector<1x64xf32> to vector<128x64xf32>
    %add3A_42 = arith.addf %dot_general3A_37, %add3A_41 : vector<128x64xf32>
    %swap3A = arith.constant 0 : index
    %swap3A_43 = arith.constant 0 : index
    %swap3A_44 = vector.load %arg8[%swap3A, %swap3A_43] : memref<128x64xf32, #tpu.memory_space<vmem>>, vector<128x64xf32>
    tpu.vector_store %arg8[%swap3A, %swap3A_43], %add3A_42 {strides = array<i32>} : memref<128x64xf32, #tpu.memory_space<vmem>>, vector<128x64xf32>,
    return
  }
}

</mosaic_0001>

<sc_bundles>
// kernel: kernel.12.cloned.1.call-start
scs
__scs_entry_jumppad:
0x0: {  	(pc) =	sbr.rel $0x88, $3  }
0x1: {  	(tag) =	ssettag $0x0;
	lr =	simm.s32 $0x1  }
0x2: {  	[smem:$0x3F95] =	sst lr;
	_ =	strace $0xD0000000  }
0x3: {  	_ = 	snop  }
0x4: {  	_ = 	snop  }
0x5: {  	_ = 	snop  }
0x6: {  	_ = 	snop  }
0x7: {  	_ = 	snop  }
__scs_overlays_trampoline_lowered:
0x8: {  	[smem:$0x3FA4] =	sst s0  }
0x9: {  	[smem:$0x3FA5] =	sst s1  }
0xa: {  	[smem:$0x3FA6] =	sst s2  }
0xb: {  	[smem:$0x3FA7] =	sst s3  }
0xc: {  	[smem:$0x3FA8] =	sst s4  }
0xd: {  	[smem:$0x3FA9] =	sst s5  }
0xe: {  	[smem:$0x3FAA] =	sst s6  }
0xf: {  	[smem:$0x3FAB] =	sst s7  }
0x10: {  	[smem:$0x3FAC] =	sst s8  }
0x11: {  	[smem:$0x3FAD] =	sst s9;
	s0 =	simm.s32 @!p0 $0x0  }
0x12: {  	s1 =	sld [smem:$0x3F93];
	s0 =	simm.s32 @p0 $0x1  }
0x13: {  	[smem:$0x3FAE] =	sst s0;
	s0 =	simm.s32 @!p1 $0x0  }
0x14: {  	s2 =	sld [smem:$0x3F92];
	s0 =	simm.s32 @p1 $0x1  }
0x15: {  	[smem:$0x3FAF] =	sst s0;
	s0 =	simm.s32 @!p2 $0x0  }
0x16: {  	s3 =	sld [smem:$0x3FDB];
	s0 =	simm.s32 @p2 $0x1  }
0x17: {  	s4 =	simm.s32 $0x1BF5;
	[smem:$0x3FB1] =	sst s0  }
0x18: {  	s0 =	sld [smem:$0x3F94];
	_ =	swait.ge [sflag:s4], $0x0  }
0x19: {  	s7 =	sld [smem:$0x3F95]  }
0x1a: {  	s8 =	sadd.s32 $0xFFFFE003, lr  }
0x1b: {  	s9 =	sadd.s32 $0xFFFFFEF7, lr;
	s5 =	simm.s32 $0xFFFFFFFF;
	p2 =	slt.u32 s8, $0xFFFFF086  }
0x1c: {  	p1 =	slt.u32 s9, $0xF7A;
	s5 =	simm.s32 @!p2 $0x0  }
0x1d: {  	s5 =	simm.s32 @p1 $0x1;
	p0 =	seq.s32 s7, s2  }
0x1e: {  	s7 =	smul.u32 @!p0 $0xF7A, s2;
	p2 =	seq.s32 @!p0 s5, $0x0  }
0x1f: {  	s9 =	smul.u32 $0xF7A, s1;
	s8 =	simm.s32 @!p0 $0x1BF5;
	p2 =	por !p2, p0  }
0x20: {  	[sflag:s8] =	ssyncset.s32 @!p0 $0xFFFFF086;
	s6 =	sadd.s32 @!p0 s3, s7;
	s7 =	simm.s32 @!p0 $0x108  }
0x21: {  	s3 =	sadd.s32 s3, s9;
	s6 =	sadd.s32 @!p0 $0x88, s6;
	s7 =	simm.s32 @p2 $0x1082  }
0x22: {  	[simem:s7], [sflag:s8] =	dma.local @!p0 [hbm:s6], $0xF7A  }
0x23: {  	s9 =	sor.u32 $0xD0000000, s2;
	s6 =	simm.s32 $0x108;
	_ =	swait.ge @!p0 [sflag:s8], $0x0  }
0x24: {  	s3 =	sadd.s32 $0x88, s3;
	s6 =	simm.s32 @!p1 $0x1082;
	[sflag:s4] =	ssyncset.s32 $0xFFFFF086  }
0x25: {  	[simem:s6], [sflag:s4] =	dma.local [hbm:s3], $0xF7A  }
0x26: {  	[smem:$0x3F95] =	sst s1;
	(tag) =	ssettag s2;
	_ =	strace s9  }
0x27: {  	s1 =	sld [smem:$0x3FA5]  }
0x28: {  	s2 =	sld [smem:$0x3FA6]  }
0x29: {  	s4 =	sld [smem:$0x3FA8]  }
0x2a: {  	p0 =	seq.s32 s5, $0x0;
	s5 =	sld [smem:$0x3FA9]  }
0x2b: {  	s6 =	sld [smem:$0x3FAA]  }
0x2c: {  	s7 =	sld [smem:$0x3FAB]  }
0x2d: {  	s3 =	simm.s32 $0x108;
	s8 =	sld [smem:$0x3FAC]  }
0x2e: {  	s3 =	simm.s32 @!p0 $0x1082;
	s9 =	sld [smem:$0x3FAD]  }
0x2f: {  	lr =	sadd.s32 s0, s3;
	s0 =	sld [smem:$0x3FA4]  }
0x30: {  	s3 =	sld [smem:$0x3FA7]  }
0x31: {  	[smem:$0x3FB0] =	sst s10  }
0x32: {  	s10 =	sld [smem:$0x3FAE];
	_ =	sdelay $0x3  }
0x33: {  	p0 =	seq.s32 s10, $0x1;
	s10 =	sld [smem:$0x3FB0];
	_ =	sdelay $0x3  }
0x34: {  	[smem:$0x3FB0] =	sst s10  }
0x35: {  	s10 =	sld [smem:$0x3FAF];
	_ =	sdelay $0x3  }
0x36: {  	p1 =	seq.s32 s10, $0x1;
	s10 =	sld [smem:$0x3FB0];
	_ =	sdelay $0x3  }
0x37: {  	[smem:$0x3FB0] =	sst s10  }
0x38: {  	s10 =	sld [smem:$0x3FB1]  }
0x39: {  	_ = 	snop;
	(pc) =	sbr.ind lr, $3  }
0x3a: {  	_ = 	snop  }
0x3b: {  	_ = 	snop  }
0x3c: {  	p2 =	seq.s32 s10, $0x1;
	s10 =	sld [smem:$0x3FB0]  }
0x3d: {  	_ =	shalt  }
0x3e: {  	_ =	shalt  }
0x3f: {  	_ =	shalt  }
0x40: {  	_ =	shalt  }
0x41: {  	_ =	shalt  }
0x42: {  	_ =	shalt  }
0x43: {  	_ =	shalt  }
0x44: {  	_ =	shalt  }
0x45: {  	_ =	shalt  }
0x46: {  	_ =	shalt  }
0x47: {  	_ =	shalt  }
0x48: {  	_ =	shalt  }
0x49: {  	_ =	shalt  }
0x4a: {  	_ =	shalt  }
0x4b: {  	_ =	shalt  }
0x4c: {  	_ =	shalt  }
0x4d: {  	_ =	shalt  }
0x4e: {  	_ =	shalt  }
0x4f: {  	_ =	shalt  }
0x50: {  	_ =	shalt  }
0x51: {  	_ =	shalt  }
0x52: {  	_ =	shalt  }
0x53: {  	_ =	shalt  }
0x54: {  	_ =	shalt  }
0x55: {  	_ =	shalt  }
0x56: {  	_ =	shalt  }
0x57: {  	_ =	shalt  }
0x58: {  	_ =	shalt  }
0x59: {  	_ =	shalt  }
0x5a: {  	_ =	shalt  }
0x5b: {  	_ =	shalt  }
0x5c: {  	_ =	shalt  }
0x5d: {  	_ =	shalt  }
0x5e: {  	_ =	shalt  }
0x5f: {  	_ =	shalt  }
0x60: {  	_ =	shalt  }
0x61: {  	_ =	shalt  }
0x62: {  	_ =	shalt  }
0x63: {  	_ =	shalt  }
0x64: {  	_ =	shalt  }
0x65: {  	_ =	shalt  }
0x66: {  	_ =	shalt  }
0x67: {  	_ =	shalt  }
0x68: {  	_ =	shalt  }
0x69: {  	_ =	shalt  }
0x6a: {  	_ =	shalt  }
0x6b: {  	_ =	shalt  }
0x6c: {  	_ =	shalt  }
0x6d: {  	_ =	shalt  }
0x6e: {  	_ =	shalt  }
0x6f: {  	_ =	shalt  }
0x70: {  	_ =	shalt  }
0x71: {  	_ =	shalt  }
0x72: {  	_ =	shalt  }
0x73: {  	_ =	shalt  }
0x74: {  	_ =	shalt  }
0x75: {  	_ =	shalt  }
0x76: {  	_ =	shalt  }
0x77: {  	_ =	shalt  }
0x78: {  	_ =	shalt  }
0x79: {  	_ =	shalt  }
0x7a: {  	_ =	shalt  }
0x7b: {  	_ =	shalt  }
0x7c: {  	_ =	shalt  }
0x7d: {  	_ =	shalt  }
0x7e: {  	_ =	shalt  }
0x7f: {  	_ =	shalt  }
0x80: {  	_ =	shalt  }
0x81: {  	_ =	shalt  }
0x82: {  	_ =	shalt  }
0x83: {  	_ =	shalt  }
0x84: {  	_ =	shalt  }
0x85: {  	_ =	shalt  }
0x86: {  	_ =	shalt  }
0x87: {  	_ =	shalt  }
.Lfunc_end0:
.L_simem_size_0:
called_computation.1_lowered:
.L_overlay_start_0:
0x88: {  	s2 =	sld [smem:$0x3FD9]  }
0x89: {  	s3 =	sld [smem:$0x3FFE];
	_ =	sdelay $0x1  }
0x8a: {  	s1 =	srdreg.scid  }
0x8b: {  	s0 =	sand.u32 $0x1, s1  }
0x8c: {  	s16 =	sshll.u32 s0, $0xA;
	s2 =	sadd.s32 s3, s2  }
0x8d: {  	s2 =	sadd.s32 s2, s16  }
0x8e: {  	[smem:$0x3FBC] =	sst s2  }
0x8f: {  	_ = 	snop  }
0x90: {  	(tm) =	ssettm $0x1  }
0x91: {  	s17 =	sld [smem:$0x3FFB];
	_ =	sdelay $0x3  }
0x92: {  	_ =	strace s17  }
0x93: {  	s2 =	sld [smem:$0x3FFC];
	_ =	sdelay $0x3  }
0x94: {  	_ =	strace s2  }
0x95: {  	s2 =	sld [smem:$0x3FFD];
	_ =	sdelay $0x3  }
0x96: {  	_ =	strace s2  }
0x97: {  	_ =	strace $0x8FFFFFFF  }
0x98: {  	s18 =	sld [smem:$0x3FDB];
	_ =	sdelay $0x1  }
0x99: {  	s19 =	simm.s32 $_scs_section_size  }
0x9a: {  	s4 =	simm.s32 $_size__tile_overlayer_lowered;
	s5 =	simm.s32 $_tile_overlayer_lowered  }
0x9b: {  	s22 =	simm.s32 $0x1BFF;
	s21 =	sshll.u32 s5, $0x1;
	s2 =	sadd.s32 s19, s18  }
0x9c: {  	s6 =	simm.s32 $0x0;
	s20 =	sshll.u32 s4, $0x1;
	s4 =	sadd.s32 s21, s2  }
0x9d: {  	[timem:s6], [sflag:s22] =	dma.local [hbm:s4], s20  }
0x9e: {  	_ =	swait.ge [sflag:s22], s20  }
0x9f: {  	s3 =	ssub.s32 $0x0, s20;
	[sflag:s22] =	ssyncset.done $0x0  }
0xa0: {  	[sflag:s22] =	ssyncadd.s32 s3;
	_ =	sdelay $0x1  }
0xa1: {  	s23 =	simm.s32 $0x1B8B  }
0xa2: {  	_ =	swait.ge [sflag:s23], $0x1  }
0xa3: {  	[sflag:s23] =	ssyncset.done $0x0  }
0xa4: {  	s25 =	simm.s32 $0x1B8E;
	s24 =	sld [smem:$0x3FFE];
	[sflag:s23] =	ssyncadd.s32 $0xFFFFFFFF  }
0xa5: {  	s26 =	simm.s32 $execute0_lowered;
	[smem:$0x3FD2] =	sst s25  }
0xa6: {  	s4 =	sshll.u32 s26, $0x1;
	_ =	strace $0x80000049;
	[dreg:$0x1] =	wrdreg $0xFFFFFFFF  }
0xa7: {  	s28 =	simm.s32 $_size_execute0_lowered;
	s2 =	sadd.s32 s2, s4;
	[dreg:$0x0] =	wrdreg $0x0  }
0xa8: {  	s4 =	sshll.u32 s28, $0x1;
	[dreg:$0x2] =	wrdreg s2  }
0xa9: {  	[dreg:$0x3] =	wrdreg s4  }
0xaa: {  	[dreg:$0x4] =	wrdreg $0xC0  }
0xab: {  	_ =	task [dreg:s6], $0x5FFFF  }
0xac: {  	[dreg:$0x1] =	wrdreg $0xFFFFFFFF  }
0xad: {  	[dreg:$0x0] =	wrdreg $0x60  }
0xae: {  	[dreg:$0x2] =	wrdreg s24  }
0xaf: {  	[dreg:$0x3] =	wrdreg $0x0  }
0xb0: {  	[dreg:$0x4] =	wrdreg $0x9  }
0xb1: {  	_ =	task.clear_ibuf [dreg:s6], $0x5FFFF;
	_ =	strace $0x90000049  }
0xb2: {  	s29 =	simm.s32 $0x9;
	_ =	strace $0x8000004B  }
0xb3: {  	_ =	swait.ge [sflag:s29], $0x1  }
0xb4: {  	[sflag:s29] =	ssyncadd.s32 $0xFFFFFFFF  }
0xb5: {  	_ =	strace $0x9000004B  }
0xb6: {  	_ =	sfence  }
0xb7: {  	s30 =	sld [smem:$0x0];
	_ =	sdelay $0x2  }
0xb8: {  	s31 =	sshll.u32 s1, $0xD;
	s1 =	sshrl.u32 s1, $0x2  }
0xb9: {  	s3 =	sand.u32 $0x4000, s31;
	s1 =	sadd.s32 s1, s30  }
0xba: {  	s0 =	sor.u32 s3, s0;
	s1 =	sshll.u32 s1, $0x11  }
0xbb: {  	s0 =	sor.u32 s1, s0  }
0xbc: {  	s0 =	sadd.s32 $0x8F2B, s0  }
0xbd: {  	[sflag:s0] =	ssyncadd.remote.s32 $0x1  }
0xbe: {  	_ =	sfence.sel $0xFFFF  }
0xbf: {  	[dreg:$0x0] =	wrdreg $0xFFFFFFFF;
	(pc) =	sbr.abs _section_cstart, $3  }
0xc0: {  	[dreg:$0x1] =	wrdreg $0xFFFFFFFF  }
0xc1: {  	_ =	task.clear_ibuf [dreg:s6], $0x2FFFF;
	_ =	strace $0x9FFFFFFF  }
0xc2: {  	(tm) =	ssettm $0x7FFFFFFF  }
0xc3: {  	_ =	shalt  }
tec
execute0_lowered:
.L_overlay_start_1:
0x0: {  	(tag) =	ssettag $0x1  }
0x1: {  	s0 =	rddreg [dreg:$0x0]  }
0x2: {  	s1 =	rddreg [dreg:$0x1];
	s2 =	simm.s32 $0x0  }
0x3: {  	s3 =	srdreg.scid;
	s15 =	stileid.u32;
	s28 =	simm.s32 $0x13980  }
0x4: {  	s29 =	simm.s32 $0x13A00;
	s30 =	simm.s32 $0x16480;
	s31 =	simm.s32 $0x13A80  }
0x5: {  	[smem:$0x7FF] =	sst s2;
	s4 =	sand.u32 $0x1, s3;
	s3 =	sadd.s32 $0x81000, s0  }
0x6: {  	s5 =	sadd.s32 $0x100200, s0;
	s6 =	sadd.s32 $0xF6400, s0;
	s20 =	smul.u32 $0x13800, s15  }
0x7: {  	s8 =	sadd.s32 $0x32E00, s0;
	s10 =	sadd.s32 $0xBC00, s0;
	s21 =	smul.u32 $0x4E000, s15  }
0x8: {  	p0 =	sne.s32 s15, $0x0;
	_ =	strace $0x8000004A;
	s7 =	sshll.u32 s4, $0x4  }
0x9: {  	[dreg:$0x3] =	wrdreg s10;
	s18 =	ssub.s32 $0x2, s4;
	s4 =	smul.u32 $0x138800, s4  }
0xa: {  	s9 =	sor.u32 s15, s7;
	s7 =	sadd.s32 $0x1E00, s0;
	s0 =	sadd.s32 $0x10A000, s0  }
0xb: {  	s11 =	sshrl.u32 s18, $0x1;
	s23 =	sshrl.u32 s21, $0x2;
	s21 =	simm.s32 $0x50  }
0xc: {  	s15 =	simm.s32 $0x0;
	s9 =	smul.u32 $0x2710, s9;
	s10 =	ssub.s32 s18, s11  }
0xd: {  	s22 =	sadd.s32 s20, s4;
	s4 =	sshrl.u32 s4, $0x3;
	s24 =	sadd.s32 s23, s1  }
0xe: {  	s20 =	simm.s32 $0x5;
	s23 =	simm.s32 $0x13900;
	s25 =	smax.u32 s10, $0x1  }
0xf: {  	s26 =	sshrl.u32 s24, $0x3;
	s12 =	sshrl.u32 s9, $0x3;
	[dreg:$0x9] =	wrdreg s25  }
0x10: {  	s11 =	simm.s32 $0x2;
	[dreg:$0xb] =	wrdreg s26;
	s19 =	sadd.s32 s5, s12  }
0x11: {  	s10 =	simm.s32 $0x3;
	s13 =	sadd.s32 s6, s12;
	[dreg:$0x4] =	wrdreg s19  }
0x12: {  	s14 =	sadd.s32 $0xA0, s9;
	s12 =	sadd.s32 s7, s12;
	[dreg:$0x5] =	wrdreg s13  }
0x13: {  	s26 =	simm.s32 $0x13B80;
	s25 =	simm.s32 $0x0;
	[dreg:$0x6] =	wrdreg s12  }
0x14: {  	s13 =	sadd.s32 $0x50, s9;
	s9 =	sshrl.u32 s22, $0x3;
	s19 =	simm.s32 $0x13880  }
0x15: {  	s22 =	simm.s32 $0x13C80;
	s9 =	sadd.s32 s0, s9;
	s0 =	sadd.s32 s0, s4  }
0x16: {  	v0 =	vlaneseq.u32;
	s12 =	simm.s32 $0x4;
	[dreg:$0x7] =	wrdreg s9;
	s0 =	sadd.s32 $0x27000, s0  }
0x17: {  	v1 =	vor.u32 $0x10, v0;
	s4 =	sshrl.u32 @!p0 s1, $0x3;
	[dreg:$0x8] =	wrdreg s0;
	s0 =	sadd.s32 $0x138000, s1  }
0x18: {  	v2 =	vor.u32 $0x20, v0;
	v3 =	vor.u32 $0x30, v0;
	v4 =	vor.u32 $0x40, v0;
	[dreg:$0xa] =	wrdreg s4;
	s4 =	simm.s32 $0x13B00;
	s0 =	sshrl.u32 @!p0 s0, $0x3  }
0x19: {  	v5 =	vor.u32 $0x50, v0;
	v6 =	vor.u32 $0x60, v0;
	v7 =	vor.u32 $0x70, v0;
	s9 =	simm.s32 $0x1;
	[dreg:$0xc] =	wrdreg s0;
	s0 =	simm.s32 $0x13C00  }
.LBB2_1:
0x1a: {  	s17 =	rddreg [dreg:$0x3]  }
0x1b: {  	s16 =	simm.s32 @!p0 $0x1C05;
	s18 =	rddreg [dreg:$0xa]  }
0x1c: {  	[spmem:s18], [sflag:s16] =	dma.local @!p0 [hbm:s17], $0x27100  }
0x1d: {  	s16 =	simm.s32 @!p0 $0x5  }
0x1e: {  	_ =	swait.ge @!p0 [sflag:s16], $0x27100  }
0x1f: {  	[sflag:s16] =	ssyncset.done @!p0 $0x0  }
0x20: {  	[sflag:s16] =	ssyncadd.s32 @!p0 $0xFFFD8F00  }
0x21: {  	[bflag:$0x0] =	sbarrier.arrive $0xFFFF  }
0x22: {  	s17 =	rddreg [dreg:$0x4]  }
0x23: {  	[tilespmem:s19], [sflag:$0x5] =	stream.linear.gather [hbm4b:s17+s2], $0x50, $0x38;
	[tilespmem:$0x18C80] =	vst v63  }
0x24: {  	_ =	swait.ge [sflag:s20], $0x50  }
0x25: {  	[sflag:s20] =	ssyncset.done $0x0  }
0x26: {  	[sflag:s20] =	ssyncadd.s32 $0xFFFFFFB0  }
0x27: {  	[tilespmem:s22], [sflag:$0x1] =	stream.indirect.gather [hbm4b:s3+s21], $0x80, s19, s21, $0xb8;
	[tilespmem:$0x18C80] =	vst v63  }
0x28: {  	s18 =	rddreg [dreg:$0x5]  }
0x29: {  	[tilespmem:s23], [sflag:$0x5] =	stream.linear.gather [hbm4b:s18+s2], $0x50, $0x38;
	[tilespmem:$0x18C80] =	vst v63  }
0x2a: {  	_ =	swait.ge [sflag:s20], $0x50  }
0x2b: {  	[sflag:s20] =	ssyncset.done $0x0  }
0x2c: {  	[sflag:s20] =	ssyncadd.s32 $0xFFFFFFB0  }
0x2d: {  	[tilespmem:s26], [sflag:$0x3] =	stream.indirect.gather [hbm4b:s8+s21], $0x1, s23, s21, $0xb8;
	[tilespmem:$0x18C80] =	vst v63  }
0x2e: {  	s24 =	rddreg [dreg:$0x6]  }
0x2f: {  	[tilespmem:s28], [sflag:$0x5] =	stream.linear.gather [hbm4b:s24+s2], $0x50, $0x38;
	[tilespmem:$0x18C80] =	vst v63  }
0x30: {  	_ =	swait.ge [sflag:s20], $0x50  }
0x31: {  	[sflag:s20] =	ssyncset.done $0x0  }
0x32: {  	s16 =	simm.s32 $0x0;
	[sflag:s20] =	ssyncadd.s32 $0xFFFFFFB0  }
.LBB2_2:
0x33: {  	s17 =	smul.u32 $0xA0, s16;
	_ =	sdelay $0x1  }
0x34: {  	s18 =	sadd.s32 s17, s13  }
0x35: {  	s18 =	sshrl.u32 s18, $0x3  }
0x36: {  	s24 =	sadd.s32 s5, s18  }
0x37: {  	[tilespmem:s29], [sflag:$0x5] =	stream.linear.gather [hbm4b:s24+s25], $0x50, $0x38;
	[tilespmem:$0x18C80] =	vst v63  }
0x38: {  	_ =	swait.ge [sflag:s20], $0x50  }
0x39: {  	[sflag:s20] =	ssyncset.done $0x0  }
0x3a: {  	[sflag:s20] =	ssyncadd.s32 $0xFFFFFFB0  }
0x3b: {  	[tilespmem:s30], [sflag:$0x2] =	stream.indirect.gather [hbm4b:s3+s21], $0x80, s29, s21, $0xb8;
	[tilespmem:$0x18C80] =	vst v63  }
0x3c: {  	s24 =	sadd.s32 s6, s18  }
0x3d: {  	[tilespmem:s31], [sflag:$0x5] =	stream.linear.gather [hbm4b:s24+s25], $0x50, $0x38;
	[tilespmem:$0x18C80] =	vst v63  }
0x3e: {  	_ =	swait.ge [sflag:s20], $0x50  }
0x3f: {  	[sflag:s20] =	ssyncset.done $0x0  }
0x40: {  	[sflag:s20] =	ssyncadd.s32 $0xFFFFFFB0  }
0x41: {  	[tilespmem:s0], [sflag:$0x4] =	stream.indirect.gather [hbm4b:s8+s21], $0x1, s31, s21, $0xb8;
	[tilespmem:$0x18C80] =	vst v63  }
0x42: {  	s18 =	sadd.s32 s7, s18  }
0x43: {  	[tilespmem:s4], [sflag:$0x5] =	stream.linear.gather [hbm4b:s18+s25], $0x50, $0x38;
	[tilespmem:$0x18C80] =	vst v63  }
0x44: {  	_ =	swait.ge [sflag:s20], $0x50  }
0x45: {  	[sflag:s20] =	ssyncset.done $0x0  }
0x46: {  	[sflag:s20] =	ssyncadd.s32 $0xFFFFFFB0  }
0x47: {  	v8 =	vmov s25;
	_ =	swait.ge [sflag:s9], $0x2800  }
0x48: {  	v9 =	vshll.u32 v8, $0x7;
	[sflag:s9] =	ssyncset.done $0x0  }
0x49: {  	v10 =	vor.u32 v0, v9;
	[sflag:s9] =	ssyncadd.s32 $0xFFFFD800  }
0x4a: {  	_ =	swait.ge [sflag:s10], $0x50  }
0x4b: {  	[sflag:s10] =	ssyncset.done $0x0  }
0x4c: {  	[sflag:s10] =	ssyncadd.s32 $0xFFFFFFB0  }
0x4d: {  	v12 =	vld.idx.msk [tilespmem:v8+s26+$0x0], $0xffff  }
0x4e: {  	v8 =	vld.idx.msk [tilespmem:v10+s22+$0x0], $0xffff;
	_ =	sdelay $0x2  }
0x4f: {  	v11 =	vor.u32 v1, v9;
	_ =	sdelay $0x1  }
0x50: {  	v8 =	vmul.f32 v8, v12;
	_ =	sdelay $0x1  }
0x51: {  	[tilespmem:v10+s22+$0x0] =	vst.idx.msk $0xffff, v8  }
0x52: {  	v8 =	vld.idx.msk [tilespmem:v11+s22+$0x0], $0xffff;
	_ =	sdelay $0x2  }
0x53: {  	v10 =	vor.u32 v2, v9;
	_ =	sdelay $0x1  }
0x54: {  	v8 =	vmul.f32 v8, v12;
	_ =	sdelay $0x1  }
0x55: {  	[tilespmem:v11+s22+$0x0] =	vst.idx.msk $0xffff, v8  }
0x56: {  	v8 =	vld.idx.msk [tilespmem:v10+s22+$0x0], $0xffff;
	_ =	sdelay $0x2  }
0x57: {  	v11 =	vor.u32 v3, v9;
	_ =	sdelay $0x1  }
0x58: {  	v8 =	vmul.f32 v8, v12;
	_ =	sdelay $0x1  }
0x59: {  	[tilespmem:v10+s22+$0x0] =	vst.idx.msk $0xffff, v8  }
0x5a: {  	v8 =	vld.idx.msk [tilespmem:v11+s22+$0x0], $0xffff;
	_ =	sdelay $0x2  }
0x5b: {  	v10 =	vor.u32 v4, v9;
	_ =	sdelay $0x1  }
0x5c: {  	v8 =	vmul.f32 v8, v12;
	_ =	sdelay $0x1  }
0x5d: {  	[tilespmem:v11+s22+$0x0] =	vst.idx.msk $0xffff, v8  }
0x5e: {  	v8 =	vld.idx.msk [tilespmem:v10+s22+$0x0], $0xffff;
	_ =	sdelay $0x2  }
0x5f: {  	v11 =	vor.u32 v5, v9;
	_ =	sdelay $0x1  }
0x60: {  	v8 =	vmul.f32 v8, v12;
	_ =	sdelay $0x1  }
0x61: {  	[tilespmem:v10+s22+$0x0] =	vst.idx.msk $0xffff, v8  }
0x62: {  	v8 =	vld.idx.msk [tilespmem:v11+s22+$0x0], $0xffff;
	_ =	sdelay $0x2  }
0x63: {  	v10 =	vor.u32 v6, v9;
	_ =	sdelay $0x1  }
0x64: {  	v8 =	vmul.f32 v8, v12;
	_ =	sdelay $0x1  }
0x65: {  	[tilespmem:v11+s22+$0x0] =	vst.idx.msk $0xffff, v8  }
0x66: {  	v8 =	vld.idx.msk [tilespmem:v10+s22+$0x0], $0xffff;
	_ =	sdelay $0x2  }
0x67: {  	v9 =	vor.u32 v7, v9;
	_ =	sdelay $0x1  }
0x68: {  	v8 =	vmul.f32 v8, v12;
	_ =	sdelay $0x1  }
0x69: {  	[tilespmem:v10+s22+$0x0] =	vst.idx.msk $0xffff, v8  }
0x6a: {  	v13 =	vld.idx.msk [tilespmem:v9+s22+$0x0], $0xffff  }
0x6b: {  	s24 =	simm.s32 $0x1  }
0x6c: {  	v11 =	vmov s24  }
0x6d: {  	v8 =	vshll.u32 v11, $0x7  }
0x6e: {  	v10 =	vor.u32 v0, v8  }
0x6f: {  	s18 =	simm.s32 $0x2;
	v12 =	vmul.f32 v13, v12  }
.LBB2_3:
0x70: {  	_ = 	snop  }
0x71: {  	p1 =	sne.s32 s18, $0x4F;
	s24 =	smov.u32 s18;
	s18 =	sadd.s32 $0x1, s18;
	[tilespmem:v9+s22+$0x0] =	vst.idx.msk $0xffff, v12  }
0x72: {  	v12 =	vld.idx.msk [tilespmem:v11+s26+$0x0], $0xffff  }
0x73: {  	v9 =	vld.idx.msk [tilespmem:v10+s22+$0x0], $0xffff;
	_ =	sdelay $0x3  }
0x74: {  	v11 =	vor.u32 v1, v8;
	_ =	sdelay $0x1  }
0x75: {  	v9 =	vmul.f32 v9, v12;
	_ =	sdelay $0x1  }
0x76: {  	[tilespmem:v10+s22+$0x0] =	vst.idx.msk $0xffff, v9  }
0x77: {  	v9 =	vld.idx.msk [tilespmem:v11+s22+$0x0], $0xffff;
	_ =	sdelay $0x3  }
0x78: {  	v10 =	vor.u32 v2, v8;
	_ =	sdelay $0x1  }
0x79: {  	v9 =	vmul.f32 v9, v12;
	_ =	sdelay $0x1  }
0x7a: {  	[tilespmem:v11+s22+$0x0] =	vst.idx.msk $0xffff, v9  }
0x7b: {  	v9 =	vld.idx.msk [tilespmem:v10+s22+$0x0], $0xffff;
	_ =	sdelay $0x3  }
0x7c: {  	v11 =	vor.u32 v3, v8;
	_ =	sdelay $0x1  }
0x7d: {  	v9 =	vmul.f32 v9, v12;
	_ =	sdelay $0x1  }
0x7e: {  	[tilespmem:v10+s22+$0x0] =	vst.idx.msk $0xffff, v9  }
0x7f: {  	v9 =	vld.idx.msk [tilespmem:v11+s22+$0x0], $0xffff;
	_ =	sdelay $0x3  }
0x80: {  	v10 =	vor.u32 v4, v8;
	_ =	sdelay $0x1  }
0x81: {  	v9 =	vmul.f32 v9, v12;
	_ =	sdelay $0x1  }
0x82: {  	[tilespmem:v11+s22+$0x0] =	vst.idx.msk $0xffff, v9  }
0x83: {  	v9 =	vld.idx.msk [tilespmem:v10+s22+$0x0], $0xffff;
	_ =	sdelay $0x3  }
0x84: {  	v11 =	vor.u32 v5, v8;
	_ =	sdelay $0x1  }
0x85: {  	v9 =	vmul.f32 v9, v12;
	_ =	sdelay $0x1  }
0x86: {  	[tilespmem:v10+s22+$0x0] =	vst.idx.msk $0xffff, v9  }
0x87: {  	v9 =	vld.idx.msk [tilespmem:v11+s22+$0x0], $0xffff;
	_ =	sdelay $0x3  }
0x88: {  	v10 =	vor.u32 v6, v8;
	_ =	sdelay $0x1  }
0x89: {  	v9 =	vmul.f32 v9, v12;
	_ =	sdelay $0x1  }
0x8a: {  	[tilespmem:v11+s22+$0x0] =	vst.idx.msk $0xffff, v9  }
0x8b: {  	v11 =	vld.idx.msk [tilespmem:v10+s22+$0x0], $0xffff;
	_ =	sdelay $0x3  }
0x8c: {  	v9 =	vor.u32 v7, v8;
	_ =	sdelay $0x1  }
0x8d: {  	v8 =	vmul.f32 v11, v12;
	_ =	sdelay $0x1  }
0x8e: {  	[tilespmem:v10+s22+$0x0] =	vst.idx.msk $0xffff, v8  }
0x8f: {  	v13 =	vld.idx.msk [tilespmem:v9+s22+$0x0], $0xffff;
	_ =	sdelay $0x1  }
.Ltmp0:
0x90: {  	(pc) =	sbr.rel @p1 .LBB2_3-.Ltmp0, $4  }
0x91: {  	v11 =	vmov s24  }
0x92: {  	v8 =	vshll.u32 v11, $0x7  }
0x93: {  	v10 =	vor.u32 v0, v8  }
0x94: {  	v12 =	vmul.f32 v13, v12  }
0x95: {  	_ =	sdelay $0x3  }
0x96: {  	[tilespmem:v9+s22+$0x0] =	vst.idx.msk $0xffff, v12  }
0x97: {  	v9 =	vld.idx.msk [tilespmem:v11+s26+$0x0], $0xffff  }
0x98: {  	v11 =	vld.idx.msk [tilespmem:v10+s22+$0x0], $0xffff;
	_ =	sdelay $0x2  }
0x99: {  	v12 =	vor.u32 v1, v8;
	_ =	sdelay $0x1  }
0x9a: {  	v11 =	vmul.f32 v11, v9;
	_ =	sdelay $0x1  }
0x9b: {  	[tilespmem:v10+s22+$0x0] =	vst.idx.msk $0xffff, v11  }
0x9c: {  	v10 =	vld.idx.msk [tilespmem:v12+s22+$0x0], $0xffff;
	_ =	sdelay $0x2  }
0x9d: {  	v11 =	vor.u32 v2, v8;
	_ =	sdelay $0x1  }
0x9e: {  	v10 =	vmul.f32 v10, v9;
	_ =	sdelay $0x1  }
0x9f: {  	[tilespmem:v12+s22+$0x0] =	vst.idx.msk $0xffff, v10  }
0xa0: {  	v10 =	vld.idx.msk [tilespmem:v11+s22+$0x0], $0xffff;
	_ =	sdelay $0x2  }
0xa1: {  	v12 =	vor.u32 v3, v8;
	_ =	sdelay $0x1  }
0xa2: {  	v10 =	vmul.f32 v10, v9;
	_ =	sdelay $0x1  }
0xa3: {  	[tilespmem:v11+s22+$0x0] =	vst.idx.msk $0xffff, v10  }
0xa4: {  	v10 =	vld.idx.msk [tilespmem:v12+s22+$0x0], $0xffff;
	_ =	sdelay $0x2  }
0xa5: {  	v11 =	vor.u32 v4, v8;
	_ =	sdelay $0x1  }
0xa6: {  	v10 =	vmul.f32 v10, v9;
	_ =	sdelay $0x1  }
0xa7: {  	[tilespmem:v12+s22+$0x0] =	vst.idx.msk $0xffff, v10  }
0xa8: {  	v10 =	vld.idx.msk [tilespmem:v11+s22+$0x0], $0xffff;
	_ =	sdelay $0x2  }
0xa9: {  	v12 =	vor.u32 v5, v8;
	_ =	sdelay $0x1  }
0xaa: {  	v10 =	vmul.f32 v10, v9;
	_ =	sdelay $0x1  }
0xab: {  	[tilespmem:v11+s22+$0x0] =	vst.idx.msk $0xffff, v10  }
0xac: {  	v10 =	vld.idx.msk [tilespmem:v12+s22+$0x0], $0xffff;
	_ =	sdelay $0x2  }
0xad: {  	v11 =	vor.u32 v6, v8;
	_ =	sdelay $0x1  }
0xae: {  	v10 =	vmul.f32 v10, v9;
	_ =	sdelay $0x1  }
0xaf: {  	[tilespmem:v12+s22+$0x0] =	vst.idx.msk $0xffff, v10  }
0xb0: {  	v10 =	vld.idx.msk [tilespmem:v11+s22+$0x0], $0xffff;
	_ =	sdelay $0x2  }
0xb1: {  	v8 =	vor.u32 v7, v8;
	_ =	sdelay $0x1  }
0xb2: {  	v10 =	vmul.f32 v10, v9;
	_ =	sdelay $0x1  }
0xb3: {  	[tilespmem:v11+s22+$0x0] =	vst.idx.msk $0xffff, v10  }
0xb4: {  	v10 =	vld.idx.msk [tilespmem:v8+s22+$0x0], $0xffff;
	_ =	sdelay $0x4  }
0xb5: {  	v9 =	vmul.f32 v10, v9;
	_ =	sdelay $0x1  }
0xb6: {  	[tilespmem:v8+s22+$0x0] =	vst.idx.msk $0xffff, v9  }
0xb7: {  	[spmem:s1] =	stream.indirect.scatter.add.f32 [tilespmem:s22], [sflag:$0x5], $0x80, s28, s21, $0xb8;
	[tilespmem:$0x18C80] =	vst v63  }
0xb8: {  	s17 =	sadd.s32 s17, s14;
	_ =	swait.ge [sflag:s20], $0x2800  }
0xb9: {  	s17 =	sshrl.u32 s17, $0x3;
	[sflag:s20] =	ssyncset.done $0x0  }
0xba: {  	s24 =	simm.s32 $0x0;
	s18 =	sadd.s32 s5, s17;
	[sflag:s20] =	ssyncadd.s32 $0xFFFFD800  }
0xbb: {  	[tilespmem:s19], [sflag:$0x5] =	stream.linear.gather [hbm4b:s18+s24], $0x50, $0x38;
	[tilespmem:$0x18C80] =	vst v63  }
0xbc: {  	_ =	swait.ge [sflag:s20], $0x50  }
0xbd: {  	[sflag:s20] =	ssyncset.done $0x0  }
0xbe: {  	[sflag:s20] =	ssyncadd.s32 $0xFFFFFFB0  }
0xbf: {  	[tilespmem:s22], [sflag:$0x1] =	stream.indirect.gather [hbm4b:s3+s21], $0x80, s19, s21, $0xb8;
	[tilespmem:$0x18C80] =	vst v63  }
0xc0: {  	s18 =	sadd.s32 s6, s17  }
0xc1: {  	[tilespmem:s23], [sflag:$0x5] =	stream.linear.gather [hbm4b:s18+s24], $0x50, $0x38;
	[tilespmem:$0x18C80] =	vst v63  }
0xc2: {  	_ =	swait.ge [sflag:s20], $0x50  }
0xc3: {  	[sflag:s20] =	ssyncset.done $0x0  }
0xc4: {  	[sflag:s20] =	ssyncadd.s32 $0xFFFFFFB0  }
0xc5: {  	[tilespmem:s26], [sflag:$0x3] =	stream.indirect.gather [hbm4b:s8+s21], $0x1, s23, s21, $0xb8;
	[tilespmem:$0x18C80] =	vst v63  }
0xc6: {  	s17 =	sadd.s32 s7, s17  }
0xc7: {  	[tilespmem:s28], [sflag:$0x5] =	stream.linear.gather [hbm4b:s17+s24], $0x50, $0x38;
	[tilespmem:$0x18C80] =	vst v63  }
0xc8: {  	_ =	swait.ge [sflag:s20], $0x50  }
0xc9: {  	[sflag:s20] =	ssyncset.done $0x0  }
0xca: {  	[sflag:s20] =	ssyncadd.s32 $0xFFFFFFB0  }
0xcb: {  	v8 =	vmov s24;
	_ =	swait.ge [sflag:s11], $0x2800  }
0xcc: {  	v9 =	vshll.u32 v8, $0x7;
	[sflag:s11] =	ssyncset.done $0x0  }
0xcd: {  	v10 =	vor.u32 v0, v9;
	[sflag:s11] =	ssyncadd.s32 $0xFFFFD800  }
0xce: {  	_ =	swait.ge [sflag:s12], $0x50  }
0xcf: {  	[sflag:s12] =	ssyncset.done $0x0  }
0xd0: {  	[sflag:s12] =	ssyncadd.s32 $0xFFFFFFB0  }
0xd1: {  	v12 =	vld.idx.msk [tilespmem:v8+s0+$0x0], $0xffff  }
0xd2: {  	v8 =	vld.idx.msk [tilespmem:v10+s30+$0x0], $0xffff;
	_ =	sdelay $0x2  }
0xd3: {  	v11 =	vor.u32 v1, v9;
	_ =	sdelay $0x1  }
0xd4: {  	v8 =	vmul.f32 v8, v12;
	_ =	sdelay $0x1  }
0xd5: {  	[tilespmem:v10+s30+$0x0] =	vst.idx.msk $0xffff, v8  }
0xd6: {  	v8 =	vld.idx.msk [tilespmem:v11+s30+$0x0], $0xffff;
	_ =	sdelay $0x2  }
0xd7: {  	v10 =	vor.u32 v2, v9;
	_ =	sdelay $0x1  }
0xd8: {  	v8 =	vmul.f32 v8, v12;
	_ =	sdelay $0x1  }
0xd9: {  	[tilespmem:v11+s30+$0x0] =	vst.idx.msk $0xffff, v8  }
0xda: {  	v8 =	vld.idx.msk [tilespmem:v10+s30+$0x0], $0xffff;
	_ =	sdelay $0x2  }
0xdb: {  	v11 =	vor.u32 v3, v9;
	_ =	sdelay $0x1  }
0xdc: {  	v8 =	vmul.f32 v8, v12;
	_ =	sdelay $0x1  }
0xdd: {  	[tilespmem:v10+s30+$0x0] =	vst.idx.msk $0xffff, v8  }
0xde: {  	v8 =	vld.idx.msk [tilespmem:v11+s30+$0x0], $0xffff;
	_ =	sdelay $0x2  }
0xdf: {  	v10 =	vor.u32 v4, v9;
	_ =	sdelay $0x1  }
0xe0: {  	v8 =	vmul.f32 v8, v12;
	_ =	sdelay $0x1  }
0xe1: {  	[tilespmem:v11+s30+$0x0] =	vst.idx.msk $0xffff, v8  }
0xe2: {  	v8 =	vld.idx.msk [tilespmem:v10+s30+$0x0], $0xffff;
	_ =	sdelay $0x2  }
0xe3: {  	v11 =	vor.u32 v5, v9;
	_ =	sdelay $0x1  }
0xe4: {  	v8 =	vmul.f32 v8, v12;
	_ =	sdelay $0x1  }
0xe5: {  	[tilespmem:v10+s30+$0x0] =	vst.idx.msk $0xffff, v8  }
0xe6: {  	v8 =	vld.idx.msk [tilespmem:v11+s30+$0x0], $0xffff;
	_ =	sdelay $0x2  }
0xe7: {  	v10 =	vor.u32 v6, v9;
	_ =	sdelay $0x1  }
0xe8: {  	v8 =	vmul.f32 v8, v12;
	_ =	sdelay $0x1  }
0xe9: {  	[tilespmem:v11+s30+$0x0] =	vst.idx.msk $0xffff, v8  }
0xea: {  	v8 =	vld.idx.msk [tilespmem:v10+s30+$0x0], $0xffff;
	_ =	sdelay $0x2  }
0xeb: {  	v9 =	vor.u32 v7, v9;
	_ =	sdelay $0x1  }
0xec: {  	v8 =	vmul.f32 v8, v12;
	_ =	sdelay $0x1  }
0xed: {  	[tilespmem:v10+s30+$0x0] =	vst.idx.msk $0xffff, v8  }
0xee: {  	v13 =	vld.idx.msk [tilespmem:v9+s30+$0x0], $0xffff  }
0xef: {  	s24 =	simm.s32 $0x1  }
0xf0: {  	v11 =	vmov s24  }
0xf1: {  	v8 =	vshll.u32 v11, $0x7  }
0xf2: {  	v10 =	vor.u32 v0, v8  }
0xf3: {  	s17 =	simm.s32 $0x2;
	v12 =	vmul.f32 v13, v12  }
.LBB2_5:
0xf4: {  	_ = 	snop  }
0xf5: {  	p1 =	sne.s32 s17, $0x4F;
	s18 =	smov.u32 s17;
	s17 =	sadd.s32 $0x1, s17;
	[tilespmem:v9+s30+$0x0] =	vst.idx.msk $0xffff, v12  }
0xf6: {  	v12 =	vld.idx.msk [tilespmem:v11+s0+$0x0], $0xffff  }
0xf7: {  	v9 =	vld.idx.msk [tilespmem:v10+s30+$0x0], $0xffff;
	_ =	sdelay $0x3  }
0xf8: {  	v11 =	vor.u32 v1, v8;
	_ =	sdelay $0x1  }
0xf9: {  	v9 =	vmul.f32 v9, v12;
	_ =	sdelay $0x1  }
0xfa: {  	[tilespmem:v10+s30+$0x0] =	vst.idx.msk $0xffff, v9  }
0xfb: {  	v9 =	vld.idx.msk [tilespmem:v11+s30+$0x0], $0xffff;
	_ =	sdelay $0x3  }
0xfc: {  	v10 =	vor.u32 v2, v8;
	_ =	sdelay $0x1  }
0xfd: {  	v9 =	vmul.f32 v9, v12;
	_ =	sdelay $0x1  }
0xfe: {  	[tilespmem:v11+s30+$0x0] =	vst.idx.msk $0xffff, v9  }
0xff: {  	v9 =	vld.idx.msk [tilespmem:v10+s30+$0x0], $0xffff;
	_ =	sdelay $0x3  }
0x100: {  	v11 =	vor.u32 v3, v8;
	_ =	sdelay $0x1  }
0x101: {  	v9 =	vmul.f32 v9, v12;
	_ =	sdelay $0x1  }
0x102: {  	[tilespmem:v10+s30+$0x0] =	vst.idx.msk $0xffff, v9  }
0x103: {  	v9 =	vld.idx.msk [tilespmem:v11+s30+$0x0], $0xffff;
	_ =	sdelay $0x3  }
0x104: {  	v10 =	vor.u32 v4, v8;
	_ =	sdelay $0x1  }
0x105: {  	v9 =	vmul.f32 v9, v12;
	_ =	sdelay $0x1  }
0x106: {  	[tilespmem:v11+s30+$0x0] =	vst.idx.msk $0xffff, v9  }
0x107: {  	v9 =	vld.idx.msk [tilespmem:v10+s30+$0x0], $0xffff;
	_ =	sdelay $0x3  }
0x108: {  	v11 =	vor.u32 v5, v8;
	_ =	sdelay $0x1  }
0x109: {  	v9 =	vmul.f32 v9, v12;
	_ =	sdelay $0x1  }
0x10a: {  	[tilespmem:v10+s30+$0x0] =	vst.idx.msk $0xffff, v9  }
0x10b: {  	v9 =	vld.idx.msk [tilespmem:v11+s30+$0x0], $0xffff;
	_ =	sdelay $0x3  }
0x10c: {  	v10 =	vor.u32 v6, v8;
	_ =	sdelay $0x1  }
0x10d: {  	v9 =	vmul.f32 v9, v12;
	_ =	sdelay $0x1  }
0x10e: {  	[tilespmem:v11+s30+$0x0] =	vst.idx.msk $0xffff, v9  }
0x10f: {  	v11 =	vld.idx.msk [tilespmem:v10+s30+$0x0], $0xffff;
	_ =	sdelay $0x3  }
0x110: {  	v9 =	vor.u32 v7, v8;
	_ =	sdelay $0x1  }
0x111: {  	v8 =	vmul.f32 v11, v12;
	_ =	sdelay $0x1  }
0x112: {  	[tilespmem:v10+s30+$0x0] =	vst.idx.msk $0xffff, v8  }
0x113: {  	v13 =	vld.idx.msk [tilespmem:v9+s30+$0x0], $0xffff;
	_ =	sdelay $0x1  }
.Ltmp1:
0x114: {  	(pc) =	sbr.rel @p1 .LBB2_5-.Ltmp1, $4  }
0x115: {  	v11 =	vmov s18  }
0x116: {  	v8 =	vshll.u32 v11, $0x7  }
0x117: {  	v10 =	vor.u32 v0, v8  }
0x118: {  	v12 =	vmul.f32 v13, v12  }
0x119: {  	_ =	sdelay $0x3  }
0x11a: {  	[tilespmem:v9+s30+$0x0] =	vst.idx.msk $0xffff, v12  }
0x11b: {  	v9 =	vld.idx.msk [tilespmem:v11+s0+$0x0], $0xffff  }
0x11c: {  	v57 =	vld.idx.msk [tilespmem:v10+s30+$0x0], $0xffff;
	_ =	sdelay $0x2  }
0x11d: {  	v58 =	vor.u32 v1, v8;
	_ =	sdelay $0x1  }
0x11e: {  	v11 =	vmul.f32 v57, v9;
	_ =	sdelay $0x1  }
0x11f: {  	[tilespmem:v10+s30+$0x0] =	vst.idx.msk $0xffff, v11  }
0x120: {  	v10 =	vld.idx.msk [tilespmem:v58+s30+$0x0], $0xffff;
	_ =	sdelay $0x2  }
0x121: {  	v59 =	vor.u32 v2, v8;
	_ =	sdelay $0x1  }
0x122: {  	v10 =	vmul.f32 v10, v9;
	_ =	sdelay $0x1  }
0x123: {  	[tilespmem:v58+s30+$0x0] =	vst.idx.msk $0xffff, v10  }
0x124: {  	v10 =	vld.idx.msk [tilespmem:v59+s30+$0x0], $0xffff;
	_ =	sdelay $0x2  }
0x125: {  	v60 =	vor.u32 v3, v8;
	_ =	sdelay $0x1  }
0x126: {  	v10 =	vmul.f32 v10, v9;
	_ =	sdelay $0x1  }
0x127: {  	[tilespmem:v59+s30+$0x0] =	vst.idx.msk $0xffff, v10  }
0x128: {  	v10 =	vld.idx.msk [tilespmem:v60+s30+$0x0], $0xffff;
	_ =	sdelay $0x2  }
0x129: {  	v61 =	vor.u32 v4, v8;
	_ =	sdelay $0x1  }
0x12a: {  	v10 =	vmul.f32 v10, v9;
	_ =	sdelay $0x1  }
0x12b: {  	[tilespmem:v60+s30+$0x0] =	vst.idx.msk $0xffff, v10  }
0x12c: {  	v10 =	vld.idx.msk [tilespmem:v61+s30+$0x0], $0xffff;
	_ =	sdelay $0x2  }
0x12d: {  	v62 =	vor.u32 v5, v8;
	_ =	sdelay $0x1  }
0x12e: {  	v10 =	vmul.f32 v10, v9;
	_ =	sdelay $0x1  }
0x12f: {  	[tilespmem:v61+s30+$0x0] =	vst.idx.msk $0xffff, v10  }
0x130: {  	v10 =	vld.idx.msk [tilespmem:v62+s30+$0x0], $0xffff;
	_ =	sdelay $0x2  }
0x131: {  	v63 =	vor.u32 v6, v8;
	_ =	sdelay $0x1  }
0x132: {  	v10 =	vmul.f32 v10, v9;
	_ =	sdelay $0x1  }
0x133: {  	[tilespmem:v62+s30+$0x0] =	vst.idx.msk $0xffff, v10  }
0x134: {  	v10 =	vld.idx.msk [tilespmem:v63+s30+$0x0], $0xffff;
	_ =	sdelay $0x2  }
0x135: {  	v8 =	vor.u32 v7, v8;
	_ =	sdelay $0x1  }
0x136: {  	v10 =	vmul.f32 v10, v9;
	_ =	sdelay $0x1  }
0x137: {  	[tilespmem:v63+s30+$0x0] =	vst.idx.msk $0xffff, v10  }
0x138: {  	v10 =	vld.idx.msk [tilespmem:v8+s30+$0x0], $0xffff;
	_ =	sdelay $0x4  }
0x139: {  	s16 =	sadd.s32 $0x1, s16;
	v9 =	vmul.f32 v10, v9  }
0x13a: {  	p1 =	sne.s32 s16, $0x3E  }
.Ltmp2:
0x13b: {  	[tilespmem:v8+s30+$0x0] =	vst.idx.msk $0xffff, v9;
	(pc) =	sbr.rel @p1 .LBB2_2-.Ltmp2, $4  }
0x13c: {  	[spmem:s1] =	stream.indirect.scatter.add.f32 [tilespmem:s30], [sflag:$0x5], $0x80, s4, s21, $0xb8;
	[tilespmem:$0x18C80] =	vst v63  }
0x13d: {  	_ =	swait.ge [sflag:s20], $0x2800  }
0x13e: {  	[sflag:s20] =	ssyncset.done $0x0  }
0x13f: {  	[sflag:s20] =	ssyncadd.s32 $0xFFFFD800  }
0x140: {  	s16 =	simm.s32 $0x0  }
0x141: {  	_ =	swait.ge [sflag:s9], $0x2800;
	v8 =	vmov s16  }
0x142: {  	[sflag:s9] =	ssyncset.done $0x0;
	v9 =	vshll.u32 v8, $0x7  }
0x143: {  	[sflag:s9] =	ssyncadd.s32 $0xFFFFD800;
	v10 =	vor.u32 v0, v9  }
0x144: {  	_ =	swait.ge [sflag:s10], $0x50  }
0x145: {  	[sflag:s10] =	ssyncset.done $0x0  }
0x146: {  	[sflag:s10] =	ssyncadd.s32 $0xFFFFFFB0  }
0x147: {  	v12 =	vld.idx.msk [tilespmem:v8+s26+$0x0], $0xffff  }
0x148: {  	v8 =	vld.idx.msk [tilespmem:v10+s22+$0x0], $0xffff;
	_ =	sdelay $0x2  }
0x149: {  	v11 =	vor.u32 v1, v9;
	_ =	sdelay $0x1  }
0x14a: {  	v8 =	vmul.f32 v8, v12;
	_ =	sdelay $0x1  }
0x14b: {  	[tilespmem:v10+s22+$0x0] =	vst.idx.msk $0xffff, v8  }
0x14c: {  	v8 =	vld.idx.msk [tilespmem:v11+s22+$0x0], $0xffff;
	_ =	sdelay $0x2  }
0x14d: {  	v10 =	vor.u32 v2, v9;
	_ =	sdelay $0x1  }
0x14e: {  	v8 =	vmul.f32 v8, v12;
	_ =	sdelay $0x1  }
0x14f: {  	[tilespmem:v11+s22+$0x0] =	vst.idx.msk $0xffff, v8  }
0x150: {  	v8 =	vld.idx.msk [tilespmem:v10+s22+$0x0], $0xffff;
	_ =	sdelay $0x2  }
0x151: {  	v11 =	vor.u32 v3, v9;
	_ =	sdelay $0x1  }
0x152: {  	v8 =	vmul.f32 v8, v12;
	_ =	sdelay $0x1  }
0x153: {  	[tilespmem:v10+s22+$0x0] =	vst.idx.msk $0xffff, v8  }
0x154: {  	v8 =	vld.idx.msk [tilespmem:v11+s22+$0x0], $0xffff;
	_ =	sdelay $0x2  }
0x155: {  	v10 =	vor.u32 v4, v9;
	_ =	sdelay $0x1  }
0x156: {  	v8 =	vmul.f32 v8, v12;
	_ =	sdelay $0x1  }
0x157: {  	[tilespmem:v11+s22+$0x0] =	vst.idx.msk $0xffff, v8  }
0x158: {  	v8 =	vld.idx.msk [tilespmem:v10+s22+$0x0], $0xffff;
	_ =	sdelay $0x2  }
0x159: {  	v11 =	vor.u32 v5, v9;
	_ =	sdelay $0x1  }
0x15a: {  	v8 =	vmul.f32 v8, v12;
	_ =	sdelay $0x1  }
0x15b: {  	[tilespmem:v10+s22+$0x0] =	vst.idx.msk $0xffff, v8  }
0x15c: {  	v8 =	vld.idx.msk [tilespmem:v11+s22+$0x0], $0xffff;
	_ =	sdelay $0x2  }
0x15d: {  	v10 =	vor.u32 v6, v9;
	_ =	sdelay $0x1  }
0x15e: {  	v8 =	vmul.f32 v8, v12;
	_ =	sdelay $0x1  }
0x15f: {  	[tilespmem:v11+s22+$0x0] =	vst.idx.msk $0xffff, v8  }
0x160: {  	v8 =	vld.idx.msk [tilespmem:v10+s22+$0x0], $0xffff;
	_ =	sdelay $0x2  }
0x161: {  	v9 =	vor.u32 v7, v9;
	_ =	sdelay $0x1  }
0x162: {  	v8 =	vmul.f32 v8, v12;
	_ =	sdelay $0x1  }
0x163: {  	[tilespmem:v10+s22+$0x0] =	vst.idx.msk $0xffff, v8  }
0x164: {  	v13 =	vld.idx.msk [tilespmem:v9+s22+$0x0], $0xffff  }
0x165: {  	s24 =	simm.s32 $0x1  }
0x166: {  	v11 =	vmov s24  }
0x167: {  	v8 =	vshll.u32 v11, $0x7  }
0x168: {  	v10 =	vor.u32 v0, v8  }
0x169: {  	s16 =	simm.s32 $0x2;
	v12 =	vmul.f32 v13, v12  }
.LBB2_8:
0x16a: {  	_ = 	snop  }
0x16b: {  	p1 =	sne.s32 s16, $0x4F;
	s17 =	smov.u32 s16;
	s16 =	sadd.s32 $0x1, s16;
	[tilespmem:v9+s22+$0x0] =	vst.idx.msk $0xffff, v12  }
0x16c: {  	v12 =	vld.idx.msk [tilespmem:v11+s26+$0x0], $0xffff  }
0x16d: {  	v9 =	vld.idx.msk [tilespmem:v10+s22+$0x0], $0xffff;
	_ =	sdelay $0x3  }
0x16e: {  	v11 =	vor.u32 v1, v8;
	_ =	sdelay $0x1  }
0x16f: {  	v9 =	vmul.f32 v9, v12;
	_ =	sdelay $0x1  }
0x170: {  	[tilespmem:v10+s22+$0x0] =	vst.idx.msk $0xffff, v9  }
0x171: {  	v9 =	vld.idx.msk [tilespmem:v11+s22+$0x0], $0xffff;
	_ =	sdelay $0x3  }
0x172: {  	v10 =	vor.u32 v2, v8;
	_ =	sdelay $0x1  }
0x173: {  	v9 =	vmul.f32 v9, v12;
	_ =	sdelay $0x1  }
0x174: {  	[tilespmem:v11+s22+$0x0] =	vst.idx.msk $0xffff, v9  }
0x175: {  	v9 =	vld.idx.msk [tilespmem:v10+s22+$0x0], $0xffff;
	_ =	sdelay $0x3  }
0x176: {  	v11 =	vor.u32 v3, v8;
	_ =	sdelay $0x1  }
0x177: {  	v9 =	vmul.f32 v9, v12;
	_ =	sdelay $0x1  }
0x178: {  	[tilespmem:v10+s22+$0x0] =	vst.idx.msk $0xffff, v9  }
0x179: {  	v9 =	vld.idx.msk [tilespmem:v11+s22+$0x0], $0xffff;
	_ =	sdelay $0x3  }
0x17a: {  	v10 =	vor.u32 v4, v8;
	_ =	sdelay $0x1  }
0x17b: {  	v9 =	vmul.f32 v9, v12;
	_ =	sdelay $0x1  }
0x17c: {  	[tilespmem:v11+s22+$0x0] =	vst.idx.msk $0xffff, v9  }
0x17d: {  	v9 =	vld.idx.msk [tilespmem:v10+s22+$0x0], $0xffff;
	_ =	sdelay $0x3  }
0x17e: {  	v11 =	vor.u32 v5, v8;
	_ =	sdelay $0x1  }
0x17f: {  	v9 =	vmul.f32 v9, v12;
	_ =	sdelay $0x1  }
0x180: {  	[tilespmem:v10+s22+$0x0] =	vst.idx.msk $0xffff, v9  }
0x181: {  	v9 =	vld.idx.msk [tilespmem:v11+s22+$0x0], $0xffff;
	_ =	sdelay $0x3  }
0x182: {  	v10 =	vor.u32 v6, v8;
	_ =	sdelay $0x1  }
0x183: {  	v9 =	vmul.f32 v9, v12;
	_ =	sdelay $0x1  }
0x184: {  	[tilespmem:v11+s22+$0x0] =	vst.idx.msk $0xffff, v9  }
0x185: {  	v11 =	vld.idx.msk [tilespmem:v10+s22+$0x0], $0xffff;
	_ =	sdelay $0x3  }
0x186: {  	v9 =	vor.u32 v7, v8;
	_ =	sdelay $0x1  }
0x187: {  	v8 =	vmul.f32 v11, v12;
	_ =	sdelay $0x1  }
0x188: {  	[tilespmem:v10+s22+$0x0] =	vst.idx.msk $0xffff, v8  }
0x189: {  	v13 =	vld.idx.msk [tilespmem:v9+s22+$0x0], $0xffff;
	_ =	sdelay $0x1  }
.Ltmp3:
0x18a: {  	(pc) =	sbr.rel @p1 .LBB2_8-.Ltmp3, $4  }
0x18b: {  	v11 =	vmov s17  }
0x18c: {  	v8 =	vshll.u32 v11, $0x7  }
0x18d: {  	v10 =	vor.u32 v0, v8  }
0x18e: {  	v12 =	vmul.f32 v13, v12  }
0x18f: {  	_ =	sdelay $0x3  }
0x190: {  	[tilespmem:v9+s22+$0x0] =	vst.idx.msk $0xffff, v12  }
0x191: {  	v9 =	vld.idx.msk [tilespmem:v11+s26+$0x0], $0xffff  }
0x192: {  	v57 =	vld.idx.msk [tilespmem:v10+s22+$0x0], $0xffff;
	_ =	sdelay $0x2  }
0x193: {  	v58 =	vor.u32 v1, v8;
	_ =	sdelay $0x1  }
0x194: {  	v11 =	vmul.f32 v57, v9;
	_ =	sdelay $0x1  }
0x195: {  	[tilespmem:v10+s22+$0x0] =	vst.idx.msk $0xffff, v11  }
0x196: {  	v10 =	vld.idx.msk [tilespmem:v58+s22+$0x0], $0xffff;
	_ =	sdelay $0x2  }
0x197: {  	v59 =	vor.u32 v2, v8;
	_ =	sdelay $0x1  }
0x198: {  	v10 =	vmul.f32 v10, v9;
	_ =	sdelay $0x1  }
0x199: {  	[tilespmem:v58+s22+$0x0] =	vst.idx.msk $0xffff, v10  }
0x19a: {  	v10 =	vld.idx.msk [tilespmem:v59+s22+$0x0], $0xffff;
	_ =	sdelay $0x2  }
0x19b: {  	v60 =	vor.u32 v3, v8;
	_ =	sdelay $0x1  }
0x19c: {  	v10 =	vmul.f32 v10, v9;
	_ =	sdelay $0x1  }
0x19d: {  	[tilespmem:v59+s22+$0x0] =	vst.idx.msk $0xffff, v10  }
0x19e: {  	v10 =	vld.idx.msk [tilespmem:v60+s22+$0x0], $0xffff;
	_ =	sdelay $0x2  }
0x19f: {  	v61 =	vor.u32 v4, v8;
	_ =	sdelay $0x1  }
0x1a0: {  	v10 =	vmul.f32 v10, v9;
	_ =	sdelay $0x1  }
0x1a1: {  	[tilespmem:v60+s22+$0x0] =	vst.idx.msk $0xffff, v10  }
0x1a2: {  	v10 =	vld.idx.msk [tilespmem:v61+s22+$0x0], $0xffff;
	_ =	sdelay $0x2  }
0x1a3: {  	v62 =	vor.u32 v5, v8;
	_ =	sdelay $0x1  }
0x1a4: {  	v10 =	vmul.f32 v10, v9;
	_ =	sdelay $0x1  }
0x1a5: {  	[tilespmem:v61+s22+$0x0] =	vst.idx.msk $0xffff, v10  }
0x1a6: {  	v10 =	vld.idx.msk [tilespmem:v62+s22+$0x0], $0xffff;
	_ =	sdelay $0x2  }
0x1a7: {  	v63 =	vor.u32 v6, v8;
	_ =	sdelay $0x1  }
0x1a8: {  	v10 =	vmul.f32 v10, v9;
	_ =	sdelay $0x1  }
0x1a9: {  	[tilespmem:v62+s22+$0x0] =	vst.idx.msk $0xffff, v10  }
0x1aa: {  	v10 =	vld.idx.msk [tilespmem:v63+s22+$0x0], $0xffff;
	_ =	sdelay $0x2  }
0x1ab: {  	v8 =	vor.u32 v7, v8;
	_ =	sdelay $0x1  }
0x1ac: {  	v10 =	vmul.f32 v10, v9;
	_ =	sdelay $0x1  }
0x1ad: {  	[tilespmem:v63+s22+$0x0] =	vst.idx.msk $0xffff, v10  }
0x1ae: {  	v10 =	vld.idx.msk [tilespmem:v8+s22+$0x0], $0xffff;
	_ =	sdelay $0x4  }
0x1af: {  	v9 =	vmul.f32 v10, v9;
	_ =	sdelay $0x1  }
0x1b0: {  	[tilespmem:v8+s22+$0x0] =	vst.idx.msk $0xffff, v9  }
0x1b1: {  	[spmem:s1] =	stream.indirect.scatter.add.f32 [tilespmem:s22], [sflag:$0x5], $0x80, s28, s21, $0xb8;
	[tilespmem:$0x18C80] =	vst v63  }
0x1b2: {  	_ =	swait.ge [sflag:s20], $0x2800  }
0x1b3: {  	[sflag:s20] =	ssyncset.done $0x0  }
0x1b4: {  	[sflag:s20] =	ssyncadd.s32 $0xFFFFD800  }
0x1b5: {  	s16 =	stileid.u32;
	[bflag:$0x0] =	sbarrier.arrive $0xFFFF  }
0x1b6: {  	s16 =	sshll.u32 s16, $0x6;
	s17 =	rddreg [dreg:$0x7]  }
0x1b7: {  	s16 =	sor.u32 $0x1C05, s16;
	s18 =	rddreg [dreg:$0xb]  }
0x1b8: {  	[hbm:s17], [sflag:s16] =	dma.local [spmem:s18], $0x2700  }
0x1b9: {  	_ =	swait.ge [sflag:s20], $0x2700  }
0x1ba: {  	[sflag:s20] =	ssyncset.done $0x0;
	s17 =	rddreg [dreg:$0x8]  }
0x1bb: {  	s18 =	rddreg [dreg:$0xc];
	[sflag:s20] =	ssyncadd.s32 $0xFFFFD900  }
0x1bc: {  	[hbm:s17], [sflag:s16] =	dma.local @!p0 [spmem:s18], $0x100  }
0x1bd: {  	s16 =	simm.s32 @!p0 $0x5  }
0x1be: {  	_ =	swait.ge @!p0 [sflag:s16], $0x100  }
0x1bf: {  	s15 =	sadd.s32 $0x1, s15;
	s24 =	rddreg [dreg:$0x9]  }
0x1c0: {  	p1 =	sne.s32 s15, s24  }
.Ltmp4:
0x1c1: {  	_ = 	snop;
	(pc) =	sbr.rel @p1 .LBB2_1-.Ltmp4, $3  }
0x1c2: {  	_ =	sdelay $0x1  }
0x1c3: {  	[sflag:s16] =	ssyncset.done @!p0 $0x0  }
0x1c4: {  	[sflag:s16] =	ssyncadd.s32 @!p0 $0xFFFFFF00  }
0x1c5: {  	_ =	sfence.sel $0x180000  }
0x1c6: {  	[bflag:$0x0] =	sbarrier.arrive $0xFFFF  }
0x1c7: {  	_ =	strace $0x9000004A  }
0x1c8: {  	[bflag:$0x2] =	sbarrier.arrive $0xFFFF  }
0x1c9: {  	s0 =	rddreg [dreg:$0x2]  }
0x1ca: {  	s0 =	sadd.s32 @!p0 $0x100000, s0  }
0x1cb: {  	[sflag:s0] =	ssyncadd.tile.s32 @!p0 $0x1;
	_ =	shalt  }
.Lfunc_end2:
_tile_overlayer_lowered:
.L_overlay_start_2:
0x1cc: {  	(tag) =	ssettag $0x2  }
0x1cd: {  	s0 =	rddreg [dreg:$0x0];
	s2 =	stileid.u32  }
0x1ce: {  	s1 =	rddreg [dreg:$0x1];
	p0 =	sne.s32 s2, $0x0  }
0x1cf: {  	s3 =	rddreg [dreg:$0x2];
	[bflag:$0x3] =	sbarrier.arrive $0xFFFF;
	s2 =	simm.s32 @!p0 $0x1C05  }
0x1d0: {  	[timem:s3], [sflag:s2] =	dma.local @!p0 [hbm:s0], s1  }
0x1d1: {  	s0 =	simm.s32 @!p0 $0x5  }
0x1d2: {  	_ =	swait.ge @!p0 [sflag:s0], s1  }
0x1d3: {  	s1 =	ssub.s32 @!p0 $0x0, s1;
	[sflag:s0] =	ssyncset.done @!p0 $0x0  }
0x1d4: {  	[sflag:s0] =	ssyncadd.s32 @!p0 s1  }
0x1d5: {  	[bflag:$0x3] =	sbarrier.arrive $0xFFFF  }
0x1d6: {  	_ =	shalt  }

// kernel: kernel.15.cloned.1.call-start
scs
__scs_entry_jumppad:
0x0: {  	(pc) =	sbr.rel $0x88, $3  }
0x1: {  	(tag) =	ssettag $0x0;
	lr =	simm.s32 $0x1  }
0x2: {  	[smem:$0x3F95] =	sst lr;
	_ =	strace $0xD0000000  }
0x3: {  	_ = 	snop  }
0x4: {  	_ = 	snop  }
0x5: {  	_ = 	snop  }
0x6: {  	_ = 	snop  }
0x7: {  	_ = 	snop  }
__scs_overlays_trampoline_lowered:
0x8: {  	[smem:$0x3FA4] =	sst s0  }
0x9: {  	[smem:$0x3FA5] =	sst s1  }
0xa: {  	[smem:$0x3FA6] =	sst s2  }
0xb: {  	[smem:$0x3FA7] =	sst s3  }
0xc: {  	[smem:$0x3FA8] =	sst s4  }
0xd: {  	[smem:$0x3FA9] =	sst s5  }
0xe: {  	[smem:$0x3FAA] =	sst s6  }
0xf: {  	[smem:$0x3FAB] =	sst s7  }
0x10: {  	[smem:$0x3FAC] =	sst s8  }
0x11: {  	[smem:$0x3FAD] =	sst s9;
	s0 =	simm.s32 @!p0 $0x0  }
0x12: {  	s1 =	sld [smem:$0x3F93];
	s0 =	simm.s32 @p0 $0x1  }
0x13: {  	[smem:$0x3FAE] =	sst s0;
	s0 =	simm.s32 @!p1 $0x0  }
0x14: {  	s2 =	sld [smem:$0x3F92];
	s0 =	simm.s32 @p1 $0x1  }
0x15: {  	[smem:$0x3FAF] =	sst s0;
	s0 =	simm.s32 @!p2 $0x0  }
0x16: {  	s3 =	sld [smem:$0x3FDB];
	s0 =	simm.s32 @p2 $0x1  }
0x17: {  	s4 =	simm.s32 $0x1BF5;
	[smem:$0x3FB1] =	sst s0  }
0x18: {  	s0 =	sld [smem:$0x3F94];
	_ =	swait.ge [sflag:s4], $0x0  }
0x19: {  	s7 =	sld [smem:$0x3F95]  }
0x1a: {  	s8 =	sadd.s32 $0xFFFFE003, lr  }
0x1b: {  	s9 =	sadd.s32 $0xFFFFFEF7, lr;
	s5 =	simm.s32 $0xFFFFFFFF;
	p2 =	slt.u32 s8, $0xFFFFF086  }
0x1c: {  	p1 =	slt.u32 s9, $0xF7A;
	s5 =	simm.s32 @!p2 $0x0  }
0x1d: {  	s5 =	simm.s32 @p1 $0x1;
	p0 =	seq.s32 s7, s2  }
0x1e: {  	s7 =	smul.u32 @!p0 $0xF7A, s2;
	p2 =	seq.s32 @!p0 s5, $0x0  }
0x1f: {  	s9 =	smul.u32 $0xF7A, s1;
	s8 =	simm.s32 @!p0 $0x1BF5;
	p2 =	por !p2, p0  }
0x20: {  	[sflag:s8] =	ssyncset.s32 @!p0 $0xFFFFF086;
	s6 =	sadd.s32 @!p0 s3, s7;
	s7 =	simm.s32 @!p0 $0x108  }
0x21: {  	s3 =	sadd.s32 s3, s9;
	s6 =	sadd.s32 @!p0 $0x88, s6;
	s7 =	simm.s32 @p2 $0x1082  }
0x22: {  	[simem:s7], [sflag:s8] =	dma.local @!p0 [hbm:s6], $0xF7A  }
0x23: {  	s9 =	sor.u32 $0xD0000000, s2;
	s6 =	simm.s32 $0x108;
	_ =	swait.ge @!p0 [sflag:s8], $0x0  }
0x24: {  	s3 =	sadd.s32 $0x88, s3;
	s6 =	simm.s32 @!p1 $0x1082;
	[sflag:s4] =	ssyncset.s32 $0xFFFFF086  }
0x25: {  	[simem:s6], [sflag:s4] =	dma.local [hbm:s3], $0xF7A  }
0x26: {  	[smem:$0x3F95] =	sst s1;
	(tag) =	ssettag s2;
	_ =	strace s9  }
0x27: {  	s1 =	sld [smem:$0x3FA5]  }
0x28: {  	s2 =	sld [smem:$0x3FA6]  }
0x29: {  	s4 =	sld [smem:$0x3FA8]  }
0x2a: {  	p0 =	seq.s32 s5, $0x0;
	s5 =	sld [smem:$0x3FA9]  }
0x2b: {  	s6 =	sld [smem:$0x3FAA]  }
0x2c: {  	s7 =	sld [smem:$0x3FAB]  }
0x2d: {  	s3 =	simm.s32 $0x108;
	s8 =	sld [smem:$0x3FAC]  }
0x2e: {  	s3 =	simm.s32 @!p0 $0x1082;
	s9 =	sld [smem:$0x3FAD]  }
0x2f: {  	lr =	sadd.s32 s0, s3;
	s0 =	sld [smem:$0x3FA4]  }
0x30: {  	s3 =	sld [smem:$0x3FA7]  }
0x31: {  	[smem:$0x3FB0] =	sst s10  }
0x32: {  	s10 =	sld [smem:$0x3FAE];
	_ =	sdelay $0x3  }
0x33: {  	p0 =	seq.s32 s10, $0x1;
	s10 =	sld [smem:$0x3FB0];
	_ =	sdelay $0x3  }
0x34: {  	[smem:$0x3FB0] =	sst s10  }
0x35: {  	s10 =	sld [smem:$0x3FAF];
	_ =	sdelay $0x3  }
0x36: {  	p1 =	seq.s32 s10, $0x1;
	s10 =	sld [smem:$0x3FB0];
	_ =	sdelay $0x3  }
0x37: {  	[smem:$0x3FB0] =	sst s10  }
0x38: {  	s10 =	sld [smem:$0x3FB1]  }
0x39: {  	_ = 	snop;
	(pc) =	sbr.ind lr, $3  }
0x3a: {  	_ = 	snop  }
0x3b: {  	_ = 	snop  }
0x3c: {  	p2 =	seq.s32 s10, $0x1;
	s10 =	sld [smem:$0x3FB0]  }
0x3d: {  	_ =	shalt  }
0x3e: {  	_ =	shalt  }
0x3f: {  	_ =	shalt  }
0x40: {  	_ =	shalt  }
0x41: {  	_ =	shalt  }
0x42: {  	_ =	shalt  }
0x43: {  	_ =	shalt  }
0x44: {  	_ =	shalt  }
0x45: {  	_ =	shalt  }
0x46: {  	_ =	shalt  }
0x47: {  	_ =	shalt  }
0x48: {  	_ =	shalt  }
0x49: {  	_ =	shalt  }
0x4a: {  	_ =	shalt  }
0x4b: {  	_ =	shalt  }
0x4c: {  	_ =	shalt  }
0x4d: {  	_ =	shalt  }
0x4e: {  	_ =	shalt  }
0x4f: {  	_ =	shalt  }
0x50: {  	_ =	shalt  }
0x51: {  	_ =	shalt  }
0x52: {  	_ =	shalt  }
0x53: {  	_ =	shalt  }
0x54: {  	_ =	shalt  }
0x55: {  	_ =	shalt  }
0x56: {  	_ =	shalt  }
0x57: {  	_ =	shalt  }
0x58: {  	_ =	shalt  }
0x59: {  	_ =	shalt  }
0x5a: {  	_ =	shalt  }
0x5b: {  	_ =	shalt  }
0x5c: {  	_ =	shalt  }
0x5d: {  	_ =	shalt  }
0x5e: {  	_ =	shalt  }
0x5f: {  	_ =	shalt  }
0x60: {  	_ =	shalt  }
0x61: {  	_ =	shalt  }
0x62: {  	_ =	shalt  }
0x63: {  	_ =	shalt  }
0x64: {  	_ =	shalt  }
0x65: {  	_ =	shalt  }
0x66: {  	_ =	shalt  }
0x67: {  	_ =	shalt  }
0x68: {  	_ =	shalt  }
0x69: {  	_ =	shalt  }
0x6a: {  	_ =	shalt  }
0x6b: {  	_ =	shalt  }
0x6c: {  	_ =	shalt  }
0x6d: {  	_ =	shalt  }
0x6e: {  	_ =	shalt  }
0x6f: {  	_ =	shalt  }
0x70: {  	_ =	shalt  }
0x71: {  	_ =	shalt  }
0x72: {  	_ =	shalt  }
0x73: {  	_ =	shalt  }
0x74: {  	_ =	shalt  }
0x75: {  	_ =	shalt  }
0x76: {  	_ =	shalt  }
0x77: {  	_ =	shalt  }
0x78: {  	_ =	shalt  }
0x79: {  	_ =	shalt  }
0x7a: {  	_ =	shalt  }
0x7b: {  	_ =	shalt  }
0x7c: {  	_ =	shalt  }
0x7d: {  	_ =	shalt  }
0x7e: {  	_ =	shalt  }
0x7f: {  	_ =	shalt  }
0x80: {  	_ =	shalt  }
0x81: {  	_ =	shalt  }
0x82: {  	_ =	shalt  }
0x83: {  	_ =	shalt  }
0x84: {  	_ =	shalt  }
0x85: {  	_ =	shalt  }
0x86: {  	_ =	shalt  }
0x87: {  	_ =	shalt  }
.Lfunc_end0:
.L_simem_size_0:
called_computation.2_lowered:
.L_overlay_start_0:
0x88: {  	s2 =	sld [smem:$0x3FD9]  }
0x89: {  	s3 =	sld [smem:$0x3FFE];
	_ =	sdelay $0x1  }
0x8a: {  	s1 =	srdreg.scid  }
0x8b: {  	s0 =	sand.u32 $0x1, s1  }
0x8c: {  	s16 =	sshll.u32 s0, $0xA;
	s2 =	sadd.s32 s3, s2  }
0x8d: {  	s2 =	sadd.s32 s2, s16  }
0x8e: {  	[smem:$0x3FBC] =	sst s2  }
0x8f: {  	_ = 	snop  }
0x90: {  	(tm) =	ssettm $0x1  }
0x91: {  	s17 =	sld [smem:$0x3FFB];
	_ =	sdelay $0x3  }
0x92: {  	_ =	strace s17  }
0x93: {  	s2 =	sld [smem:$0x3FFC];
	_ =	sdelay $0x3  }
0x94: {  	_ =	strace s2  }
0x95: {  	s2 =	sld [smem:$0x3FFD];
	_ =	sdelay $0x3  }
0x96: {  	_ =	strace s2  }
0x97: {  	_ =	strace $0x8FFFFFFF  }
0x98: {  	s18 =	sld [smem:$0x3FDB];
	_ =	sdelay $0x1  }
0x99: {  	s19 =	simm.s32 $_scs_section_size  }
0x9a: {  	s4 =	simm.s32 $_size__tile_overlayer_lowered;
	s5 =	simm.s32 $_tile_overlayer_lowered  }
0x9b: {  	s22 =	simm.s32 $0x1BFF;
	s21 =	sshll.u32 s5, $0x1;
	s2 =	sadd.s32 s19, s18  }
0x9c: {  	s6 =	simm.s32 $0x0;
	s20 =	sshll.u32 s4, $0x1;
	s4 =	sadd.s32 s21, s2  }
0x9d: {  	[timem:s6], [sflag:s22] =	dma.local [hbm:s4], s20  }
0x9e: {  	_ =	swait.ge [sflag:s22], s20  }
0x9f: {  	s3 =	ssub.s32 $0x0, s20;
	[sflag:s22] =	ssyncset.done $0x0  }
0xa0: {  	[sflag:s22] =	ssyncadd.s32 s3;
	_ =	sdelay $0x1  }
0xa1: {  	s23 =	simm.s32 $0x1B8B  }
0xa2: {  	_ =	swait.ge [sflag:s23], $0x1  }
0xa3: {  	[sflag:s23] =	ssyncset.done $0x0  }
0xa4: {  	s25 =	simm.s32 $0x1B8E;
	s24 =	sld [smem:$0x3FFE];
	[sflag:s23] =	ssyncadd.s32 $0xFFFFFFFF  }
0xa5: {  	s26 =	simm.s32 $execute0_lowered;
	[smem:$0x3FD2] =	sst s25  }
0xa6: {  	s4 =	sshll.u32 s26, $0x1;
	_ =	strace $0x8000004C;
	[dreg:$0x1] =	wrdreg $0xFFFFFFFF  }
0xa7: {  	s28 =	simm.s32 $_size_execute0_lowered;
	s2 =	sadd.s32 s2, s4;
	[dreg:$0x0] =	wrdreg $0x0  }
0xa8: {  	s4 =	sshll.u32 s28, $0x1;
	[dreg:$0x2] =	wrdreg s2  }
0xa9: {  	[dreg:$0x3] =	wrdreg s4  }
0xaa: {  	[dreg:$0x4] =	wrdreg $0xC0  }
0xab: {  	_ =	task [dreg:s6], $0x5FFFF  }
0xac: {  	[dreg:$0x1] =	wrdreg $0xFFFFFFFF  }
0xad: {  	[dreg:$0x0] =	wrdreg $0x60  }
0xae: {  	[dreg:$0x2] =	wrdreg s24  }
0xaf: {  	[dreg:$0x3] =	wrdreg $0x0  }
0xb0: {  	[dreg:$0x4] =	wrdreg $0x9  }
0xb1: {  	_ =	task.clear_ibuf [dreg:s6], $0x5FFFF;
	_ =	strace $0x9000004C  }
0xb2: {  	s29 =	simm.s32 $0x9;
	_ =	strace $0x8000004E  }
0xb3: {  	_ =	swait.ge [sflag:s29], $0x1  }
0xb4: {  	[sflag:s29] =	ssyncadd.s32 $0xFFFFFFFF  }
0xb5: {  	_ =	strace $0x9000004E  }
0xb6: {  	_ =	sfence  }
0xb7: {  	s30 =	sld [smem:$0x0];
	_ =	sdelay $0x2  }
0xb8: {  	s31 =	sshll.u32 s1, $0xD;
	s1 =	sshrl.u32 s1, $0x2  }
0xb9: {  	s3 =	sand.u32 $0x4000, s31;
	s1 =	sadd.s32 s1, s30  }
0xba: {  	s0 =	sor.u32 s3, s0;
	s1 =	sshll.u32 s1, $0x11  }
0xbb: {  	s0 =	sor.u32 s1, s0  }
0xbc: {  	s0 =	sadd.s32 $0x8F2B, s0  }
0xbd: {  	[sflag:s0] =	ssyncadd.remote.s32 $0x1  }
0xbe: {  	_ =	sfence.sel $0xFFFF  }
0xbf: {  	[dreg:$0x0] =	wrdreg $0xFFFFFFFF;
	(pc) =	sbr.abs _section_cstart, $3  }
0xc0: {  	[dreg:$0x1] =	wrdreg $0xFFFFFFFF  }
0xc1: {  	_ =	task.clear_ibuf [dreg:s6], $0x2FFFF;
	_ =	strace $0x9FFFFFFF  }
0xc2: {  	(tm) =	ssettm $0x7FFFFFFF  }
0xc3: {  	_ =	shalt  }
tec
execute0_lowered:
.L_overlay_start_1:
0x0: {  	(tag) =	ssettag $0x1  }
0x1: {  	s0 =	rddreg [dreg:$0x0]  }
0x2: {  	s1 =	rddreg [dreg:$0x1];
	s2 =	simm.s32 $0x0  }
0x3: {  	s3 =	srdreg.scid;
	s15 =	stileid.u32;
	s28 =	simm.s32 $0x13980  }
0x4: {  	s29 =	simm.s32 $0x13A00;
	s30 =	simm.s32 $0x16480;
	s31 =	simm.s32 $0x13A80  }
0x5: {  	[smem:$0x7FF] =	sst s2;
	s4 =	sand.u32 $0x1, s3;
	s3 =	sadd.s32 $0x33E00, s0  }
0x6: {  	s5 =	sadd.s32 $0x100200, s0;
	s6 =	sadd.s32 $0xF6400, s0;
	s20 =	smul.u32 $0x13800, s15  }
0x7: {  	s8 =	sadd.s32 $0x32E00, s0;
	s10 =	sadd.s32 $0xBC00, s0;
	s21 =	smul.u32 $0x4E000, s15  }
0x8: {  	p0 =	sne.s32 s15, $0x0;
	_ =	strace $0x8000004D;
	s7 =	sshll.u32 s4, $0x4  }
0x9: {  	[dreg:$0x3] =	wrdreg s10;
	s18 =	ssub.s32 $0x2, s4;
	s4 =	smul.u32 $0x138800, s4  }
0xa: {  	s9 =	sor.u32 s15, s7;
	s7 =	sadd.s32 $0x1E00, s0;
	s0 =	sadd.s32 $0x10A000, s0  }
0xb: {  	s11 =	sshrl.u32 s18, $0x1;
	s23 =	sshrl.u32 s21, $0x2;
	s21 =	simm.s32 $0x50  }
0xc: {  	s15 =	simm.s32 $0x0;
	s9 =	smul.u32 $0x2710, s9;
	s10 =	ssub.s32 s18, s11  }
0xd: {  	s22 =	sadd.s32 s20, s4;
	s4 =	sshrl.u32 s4, $0x3;
	s24 =	sadd.s32 s23, s1  }
0xe: {  	s20 =	simm.s32 $0x5;
	s23 =	simm.s32 $0x13900;
	s25 =	smax.u32 s10, $0x1  }
0xf: {  	s26 =	sshrl.u32 s24, $0x3;
	s12 =	sshrl.u32 s9, $0x3;
	[dreg:$0x9] =	wrdreg s25  }
0x10: {  	s11 =	simm.s32 $0x2;
	[dreg:$0xb] =	wrdreg s26;
	s19 =	sadd.s32 s5, s12  }
0x11: {  	s10 =	simm.s32 $0x3;
	s13 =	sadd.s32 s6, s12;
	[dreg:$0x4] =	wrdreg s19  }
0x12: {  	s14 =	sadd.s32 $0xA0, s9;
	s12 =	sadd.s32 s7, s12;
	[dreg:$0x5] =	wrdreg s13  }
0x13: {  	s26 =	simm.s32 $0x13B80;
	s25 =	simm.s32 $0x0;
	[dreg:$0x6] =	wrdreg s12  }
0x14: {  	s13 =	sadd.s32 $0x50, s9;
	s9 =	sshrl.u32 s22, $0x3;
	s19 =	simm.s32 $0x13880  }
0x15: {  	s22 =	simm.s32 $0x13C80;
	s9 =	sadd.s32 s0, s9;
	s0 =	sadd.s32 s0, s4  }
0x16: {  	v0 =	vlaneseq.u32;
	s12 =	simm.s32 $0x4;
	[dreg:$0x7] =	wrdreg s9;
	s0 =	sadd.s32 $0x27000, s0  }
0x17: {  	v1 =	vor.u32 $0x10, v0;
	s4 =	sshrl.u32 @!p0 s1, $0x3;
	[dreg:$0x8] =	wrdreg s0;
	s0 =	sadd.s32 $0x138000, s1  }
0x18: {  	v2 =	vor.u32 $0x20, v0;
	v3 =	vor.u32 $0x30, v0;
	v4 =	vor.u32 $0x40, v0;
	[dreg:$0xa] =	wrdreg s4;
	s4 =	simm.s32 $0x13B00;
	s0 =	sshrl.u32 @!p0 s0, $0x3  }
0x19: {  	v5 =	vor.u32 $0x50, v0;
	v6 =	vor.u32 $0x60, v0;
	v7 =	vor.u32 $0x70, v0;
	s9 =	simm.s32 $0x1;
	[dreg:$0xc] =	wrdreg s0;
	s0 =	simm.s32 $0x13C00  }
.LBB2_1:
0x1a: {  	s17 =	rddreg [dreg:$0x3]  }
0x1b: {  	s16 =	simm.s32 @!p0 $0x1C05;
	s18 =	rddreg [dreg:$0xa]  }
0x1c: {  	[spmem:s18], [sflag:s16] =	dma.local @!p0 [hbm:s17], $0x27100  }
0x1d: {  	s16 =	simm.s32 @!p0 $0x5  }
0x1e: {  	_ =	swait.ge @!p0 [sflag:s16], $0x27100  }
0x1f: {  	[sflag:s16] =	ssyncset.done @!p0 $0x0  }
0x20: {  	[sflag:s16] =	ssyncadd.s32 @!p0 $0xFFFD8F00  }
0x21: {  	[bflag:$0x0] =	sbarrier.arrive $0xFFFF  }
0x22: {  	s17 =	rddreg [dreg:$0x4]  }
0x23: {  	[tilespmem:s19], [sflag:$0x5] =	stream.linear.gather [hbm4b:s17+s2], $0x50, $0x38;
	[tilespmem:$0x18C80] =	vst v63  }
0x24: {  	_ =	swait.ge [sflag:s20], $0x50  }
0x25: {  	[sflag:s20] =	ssyncset.done $0x0  }
0x26: {  	[sflag:s20] =	ssyncadd.s32 $0xFFFFFFB0  }
0x27: {  	[tilespmem:s22], [sflag:$0x1] =	stream.indirect.gather [hbm4b:s3+s21], $0x80, s19, s21, $0xb8;
	[tilespmem:$0x18C80] =	vst v63  }
0x28: {  	s18 =	rddreg [dreg:$0x5]  }
0x29: {  	[tilespmem:s23], [sflag:$0x5] =	stream.linear.gather [hbm4b:s18+s2], $0x50, $0x38;
	[tilespmem:$0x18C80] =	vst v63  }
0x2a: {  	_ =	swait.ge [sflag:s20], $0x50  }
0x2b: {  	[sflag:s20] =	ssyncset.done $0x0  }
0x2c: {  	[sflag:s20] =	ssyncadd.s32 $0xFFFFFFB0  }
0x2d: {  	[tilespmem:s26], [sflag:$0x3] =	stream.indirect.gather [hbm4b:s8+s21], $0x1, s23, s21, $0xb8;
	[tilespmem:$0x18C80] =	vst v63  }
0x2e: {  	s24 =	rddreg [dreg:$0x6]  }
0x2f: {  	[tilespmem:s28], [sflag:$0x5] =	stream.linear.gather [hbm4b:s24+s2], $0x50, $0x38;
	[tilespmem:$0x18C80] =	vst v63  }
0x30: {  	_ =	swait.ge [sflag:s20], $0x50  }
0x31: {  	[sflag:s20] =	ssyncset.done $0x0  }
0x32: {  	s16 =	simm.s32 $0x0;
	[sflag:s20] =	ssyncadd.s32 $0xFFFFFFB0  }
.LBB2_2:
0x33: {  	s17 =	smul.u32 $0xA0, s16;
	_ =	sdelay $0x1  }
0x34: {  	s18 =	sadd.s32 s17, s13  }
0x35: {  	s18 =	sshrl.u32 s18, $0x3  }
0x36: {  	s24 =	sadd.s32 s5, s18  }
0x37: {  	[tilespmem:s29], [sflag:$0x5] =	stream.linear.gather [hbm4b:s24+s25], $0x50, $0x38;
	[tilespmem:$0x18C80] =	vst v63  }
0x38: {  	_ =	swait.ge [sflag:s20], $0x50  }
0x39: {  	[sflag:s20] =	ssyncset.done $0x0  }
0x3a: {  	[sflag:s20] =	ssyncadd.s32 $0xFFFFFFB0  }
0x3b: {  	[tilespmem:s30], [sflag:$0x2] =	stream.indirect.gather [hbm4b:s3+s21], $0x80, s29, s21, $0xb8;
	[tilespmem:$0x18C80] =	vst v63  }
0x3c: {  	s24 =	sadd.s32 s6, s18  }
0x3d: {  	[tilespmem:s31], [sflag:$0x5] =	stream.linear.gather [hbm4b:s24+s25], $0x50, $0x38;
	[tilespmem:$0x18C80] =	vst v63  }
0x3e: {  	_ =	swait.ge [sflag:s20], $0x50  }
0x3f: {  	[sflag:s20] =	ssyncset.done $0x0  }
0x40: {  	[sflag:s20] =	ssyncadd.s32 $0xFFFFFFB0  }
0x41: {  	[tilespmem:s0], [sflag:$0x4] =	stream.indirect.gather [hbm4b:s8+s21], $0x1, s31, s21, $0xb8;
	[tilespmem:$0x18C80] =	vst v63  }
0x42: {  	s18 =	sadd.s32 s7, s18  }
0x43: {  	[tilespmem:s4], [sflag:$0x5] =	stream.linear.gather [hbm4b:s18+s25], $0x50, $0x38;
	[tilespmem:$0x18C80] =	vst v63  }
0x44: {  	_ =	swait.ge [sflag:s20], $0x50  }
0x45: {  	[sflag:s20] =	ssyncset.done $0x0  }
0x46: {  	[sflag:s20] =	ssyncadd.s32 $0xFFFFFFB0  }
0x47: {  	v8 =	vmov s25;
	_ =	swait.ge [sflag:s9], $0x2800  }
0x48: {  	v9 =	vshll.u32 v8, $0x7;
	[sflag:s9] =	ssyncset.done $0x0  }
0x49: {  	v10 =	vor.u32 v0, v9;
	[sflag:s9] =	ssyncadd.s32 $0xFFFFD800  }
0x4a: {  	_ =	swait.ge [sflag:s10], $0x50  }
0x4b: {  	[sflag:s10] =	ssyncset.done $0x0  }
0x4c: {  	[sflag:s10] =	ssyncadd.s32 $0xFFFFFFB0  }
0x4d: {  	v12 =	vld.idx.msk [tilespmem:v8+s26+$0x0], $0xffff  }
0x4e: {  	v8 =	vld.idx.msk [tilespmem:v10+s22+$0x0], $0xffff;
	_ =	sdelay $0x2  }
0x4f: {  	v11 =	vor.u32 v1, v9;
	_ =	sdelay $0x1  }
0x50: {  	v8 =	vmul.f32 v8, v12;
	_ =	sdelay $0x1  }
0x51: {  	[tilespmem:v10+s22+$0x0] =	vst.idx.msk $0xffff, v8  }
0x52: {  	v8 =	vld.idx.msk [tilespmem:v11+s22+$0x0], $0xffff;
	_ =	sdelay $0x2  }
0x53: {  	v10 =	vor.u32 v2, v9;
	_ =	sdelay $0x1  }
0x54: {  	v8 =	vmul.f32 v8, v12;
	_ =	sdelay $0x1  }
0x55: {  	[tilespmem:v11+s22+$0x0] =	vst.idx.msk $0xffff, v8  }
0x56: {  	v8 =	vld.idx.msk [tilespmem:v10+s22+$0x0], $0xffff;
	_ =	sdelay $0x2  }
0x57: {  	v11 =	vor.u32 v3, v9;
	_ =	sdelay $0x1  }
0x58: {  	v8 =	vmul.f32 v8, v12;
	_ =	sdelay $0x1  }
0x59: {  	[tilespmem:v10+s22+$0x0] =	vst.idx.msk $0xffff, v8  }
0x5a: {  	v8 =	vld.idx.msk [tilespmem:v11+s22+$0x0], $0xffff;
	_ =	sdelay $0x2  }
0x5b: {  	v10 =	vor.u32 v4, v9;
	_ =	sdelay $0x1  }
0x5c: {  	v8 =	vmul.f32 v8, v12;
	_ =	sdelay $0x1  }
0x5d: {  	[tilespmem:v11+s22+$0x0] =	vst.idx.msk $0xffff, v8  }
0x5e: {  	v8 =	vld.idx.msk [tilespmem:v10+s22+$0x0], $0xffff;
	_ =	sdelay $0x2  }
0x5f: {  	v11 =	vor.u32 v5, v9;
	_ =	sdelay $0x1  }
0x60: {  	v8 =	vmul.f32 v8, v12;
	_ =	sdelay $0x1  }
0x61: {  	[tilespmem:v10+s22+$0x0] =	vst.idx.msk $0xffff, v8  }
0x62: {  	v8 =	vld.idx.msk [tilespmem:v11+s22+$0x0], $0xffff;
	_ =	sdelay $0x2  }
0x63: {  	v10 =	vor.u32 v6, v9;
	_ =	sdelay $0x1  }
0x64: {  	v8 =	vmul.f32 v8, v12;
	_ =	sdelay $0x1  }
0x65: {  	[tilespmem:v11+s22+$0x0] =	vst.idx.msk $0xffff, v8  }
0x66: {  	v8 =	vld.idx.msk [tilespmem:v10+s22+$0x0], $0xffff;
	_ =	sdelay $0x2  }
0x67: {  	v9 =	vor.u32 v7, v9;
	_ =	sdelay $0x1  }
0x68: {  	v8 =	vmul.f32 v8, v12;
	_ =	sdelay $0x1  }
0x69: {  	[tilespmem:v10+s22+$0x0] =	vst.idx.msk $0xffff, v8  }
0x6a: {  	v13 =	vld.idx.msk [tilespmem:v9+s22+$0x0], $0xffff  }
0x6b: {  	s24 =	simm.s32 $0x1  }
0x6c: {  	v11 =	vmov s24  }
0x6d: {  	v8 =	vshll.u32 v11, $0x7  }
0x6e: {  	v10 =	vor.u32 v0, v8  }
0x6f: {  	s18 =	simm.s32 $0x2;
	v12 =	vmul.f32 v13, v12  }
.LBB2_3:
0x70: {  	_ = 	snop  }
0x71: {  	p1 =	sne.s32 s18, $0x4F;
	s24 =	smov.u32 s18;
	s18 =	sadd.s32 $0x1, s18;
	[tilespmem:v9+s22+$0x0] =	vst.idx.msk $0xffff, v12  }
0x72: {  	v12 =	vld.idx.msk [tilespmem:v11+s26+$0x0], $0xffff  }
0x73: {  	v9 =	vld.idx.msk [tilespmem:v10+s22+$0x0], $0xffff;
	_ =	sdelay $0x3  }
0x74: {  	v11 =	vor.u32 v1, v8;
	_ =	sdelay $0x1  }
0x75: {  	v9 =	vmul.f32 v9, v12;
	_ =	sdelay $0x1  }
0x76: {  	[tilespmem:v10+s22+$0x0] =	vst.idx.msk $0xffff, v9  }
0x77: {  	v9 =	vld.idx.msk [tilespmem:v11+s22+$0x0], $0xffff;
	_ =	sdelay $0x3  }
0x78: {  	v10 =	vor.u32 v2, v8;
	_ =	sdelay $0x1  }
0x79: {  	v9 =	vmul.f32 v9, v12;
	_ =	sdelay $0x1  }
0x7a: {  	[tilespmem:v11+s22+$0x0] =	vst.idx.msk $0xffff, v9  }
0x7b: {  	v9 =	vld.idx.msk [tilespmem:v10+s22+$0x0], $0xffff;
	_ =	sdelay $0x3  }
0x7c: {  	v11 =	vor.u32 v3, v8;
	_ =	sdelay $0x1  }
0x7d: {  	v9 =	vmul.f32 v9, v12;
	_ =	sdelay $0x1  }
0x7e: {  	[tilespmem:v10+s22+$0x0] =	vst.idx.msk $0xffff, v9  }
0x7f: {  	v9 =	vld.idx.msk [tilespmem:v11+s22+$0x0], $0xffff;
	_ =	sdelay $0x3  }
0x80: {  	v10 =	vor.u32 v4, v8;
	_ =	sdelay $0x1  }
0x81: {  	v9 =	vmul.f32 v9, v12;
	_ =	sdelay $0x1  }
0x82: {  	[tilespmem:v11+s22+$0x0] =	vst.idx.msk $0xffff, v9  }
0x83: {  	v9 =	vld.idx.msk [tilespmem:v10+s22+$0x0], $0xffff;
	_ =	sdelay $0x3  }
0x84: {  	v11 =	vor.u32 v5, v8;
	_ =	sdelay $0x1  }
0x85: {  	v9 =	vmul.f32 v9, v12;
	_ =	sdelay $0x1  }
0x86: {  	[tilespmem:v10+s22+$0x0] =	vst.idx.msk $0xffff, v9  }
0x87: {  	v9 =	vld.idx.msk [tilespmem:v11+s22+$0x0], $0xffff;
	_ =	sdelay $0x3  }
0x88: {  	v10 =	vor.u32 v6, v8;
	_ =	sdelay $0x1  }
0x89: {  	v9 =	vmul.f32 v9, v12;
	_ =	sdelay $0x1  }
0x8a: {  	[tilespmem:v11+s22+$0x0] =	vst.idx.msk $0xffff, v9  }
0x8b: {  	v11 =	vld.idx.msk [tilespmem:v10+s22+$0x0], $0xffff;
	_ =	sdelay $0x3  }
0x8c: {  	v9 =	vor.u32 v7, v8;
	_ =	sdelay $0x1  }
0x8d: {  	v8 =	vmul.f32 v11, v12;
	_ =	sdelay $0x1  }
0x8e: {  	[tilespmem:v10+s22+$0x0] =	vst.idx.msk $0xffff, v8  }
0x8f: {  	v13 =	vld.idx.msk [tilespmem:v9+s22+$0x0], $0xffff;
	_ =	sdelay $0x1  }
.Ltmp0:
0x90: {  	(pc) =	sbr.rel @p1 .LBB2_3-.Ltmp0, $4  }
0x91: {  	v11 =	vmov s24  }
0x92: {  	v8 =	vshll.u32 v11, $0x7  }
0x93: {  	v10 =	vor.u32 v0, v8  }
0x94: {  	v12 =	vmul.f32 v13, v12  }
0x95: {  	_ =	sdelay $0x3  }
0x96: {  	[tilespmem:v9+s22+$0x0] =	vst.idx.msk $0xffff, v12  }
0x97: {  	v9 =	vld.idx.msk [tilespmem:v11+s26+$0x0], $0xffff  }
0x98: {  	v11 =	vld.idx.msk [tilespmem:v10+s22+$0x0], $0xffff;
	_ =	sdelay $0x2  }
0x99: {  	v12 =	vor.u32 v1, v8;
	_ =	sdelay $0x1  }
0x9a: {  	v11 =	vmul.f32 v11, v9;
	_ =	sdelay $0x1  }
0x9b: {  	[tilespmem:v10+s22+$0x0] =	vst.idx.msk $0xffff, v11  }
0x9c: {  	v10 =	vld.idx.msk [tilespmem:v12+s22+$0x0], $0xffff;
	_ =	sdelay $0x2  }
0x9d: {  	v11 =	vor.u32 v2, v8;
	_ =	sdelay $0x1  }
0x9e: {  	v10 =	vmul.f32 v10, v9;
	_ =	sdelay $0x1  }
0x9f: {  	[tilespmem:v12+s22+$0x0] =	vst.idx.msk $0xffff, v10  }
0xa0: {  	v10 =	vld.idx.msk [tilespmem:v11+s22+$0x0], $0xffff;
	_ =	sdelay $0x2  }
0xa1: {  	v12 =	vor.u32 v3, v8;
	_ =	sdelay $0x1  }
0xa2: {  	v10 =	vmul.f32 v10, v9;
	_ =	sdelay $0x1  }
0xa3: {  	[tilespmem:v11+s22+$0x0] =	vst.idx.msk $0xffff, v10  }
0xa4: {  	v10 =	vld.idx.msk [tilespmem:v12+s22+$0x0], $0xffff;
	_ =	sdelay $0x2  }
0xa5: {  	v11 =	vor.u32 v4, v8;
	_ =	sdelay $0x1  }
0xa6: {  	v10 =	vmul.f32 v10, v9;
	_ =	sdelay $0x1  }
0xa7: {  	[tilespmem:v12+s22+$0x0] =	vst.idx.msk $0xffff, v10  }
0xa8: {  	v10 =	vld.idx.msk [tilespmem:v11+s22+$0x0], $0xffff;
	_ =	sdelay $0x2  }
0xa9: {  	v12 =	vor.u32 v5, v8;
	_ =	sdelay $0x1  }
0xaa: {  	v10 =	vmul.f32 v10, v9;
	_ =	sdelay $0x1  }
0xab: {  	[tilespmem:v11+s22+$0x0] =	vst.idx.msk $0xffff, v10  }
0xac: {  	v10 =	vld.idx.msk [tilespmem:v12+s22+$0x0], $0xffff;
	_ =	sdelay $0x2  }
0xad: {  	v11 =	vor.u32 v6, v8;
	_ =	sdelay $0x1  }
0xae: {  	v10 =	vmul.f32 v10, v9;
	_ =	sdelay $0x1  }
0xaf: {  	[tilespmem:v12+s22+$0x0] =	vst.idx.msk $0xffff, v10  }
0xb0: {  	v10 =	vld.idx.msk [tilespmem:v11+s22+$0x0], $0xffff;
	_ =	sdelay $0x2  }
0xb1: {  	v8 =	vor.u32 v7, v8;
	_ =	sdelay $0x1  }
0xb2: {  	v10 =	vmul.f32 v10, v9;
	_ =	sdelay $0x1  }
0xb3: {  	[tilespmem:v11+s22+$0x0] =	vst.idx.msk $0xffff, v10  }
0xb4: {  	v10 =	vld.idx.msk [tilespmem:v8+s22+$0x0], $0xffff;
	_ =	sdelay $0x4  }
0xb5: {  	v9 =	vmul.f32 v10, v9;
	_ =	sdelay $0x1  }
0xb6: {  	[tilespmem:v8+s22+$0x0] =	vst.idx.msk $0xffff, v9  }
0xb7: {  	[spmem:s1] =	stream.indirect.scatter.add.f32 [tilespmem:s22], [sflag:$0x5], $0x80, s28, s21, $0xb8;
	[tilespmem:$0x18C80] =	vst v63  }
0xb8: {  	s17 =	sadd.s32 s17, s14;
	_ =	swait.ge [sflag:s20], $0x2800  }
0xb9: {  	s17 =	sshrl.u32 s17, $0x3;
	[sflag:s20] =	ssyncset.done $0x0  }
0xba: {  	s24 =	simm.s32 $0x0;
	s18 =	sadd.s32 s5, s17;
	[sflag:s20] =	ssyncadd.s32 $0xFFFFD800  }
0xbb: {  	[tilespmem:s19], [sflag:$0x5] =	stream.linear.gather [hbm4b:s18+s24], $0x50, $0x38;
	[tilespmem:$0x18C80] =	vst v63  }
0xbc: {  	_ =	swait.ge [sflag:s20], $0x50  }
0xbd: {  	[sflag:s20] =	ssyncset.done $0x0  }
0xbe: {  	[sflag:s20] =	ssyncadd.s32 $0xFFFFFFB0  }
0xbf: {  	[tilespmem:s22], [sflag:$0x1] =	stream.indirect.gather [hbm4b:s3+s21], $0x80, s19, s21, $0xb8;
	[tilespmem:$0x18C80] =	vst v63  }
0xc0: {  	s18 =	sadd.s32 s6, s17  }
0xc1: {  	[tilespmem:s23], [sflag:$0x5] =	stream.linear.gather [hbm4b:s18+s24], $0x50, $0x38;
	[tilespmem:$0x18C80] =	vst v63  }
0xc2: {  	_ =	swait.ge [sflag:s20], $0x50  }
0xc3: {  	[sflag:s20] =	ssyncset.done $0x0  }
0xc4: {  	[sflag:s20] =	ssyncadd.s32 $0xFFFFFFB0  }
0xc5: {  	[tilespmem:s26], [sflag:$0x3] =	stream.indirect.gather [hbm4b:s8+s21], $0x1, s23, s21, $0xb8;
	[tilespmem:$0x18C80] =	vst v63  }
0xc6: {  	s17 =	sadd.s32 s7, s17  }
0xc7: {  	[tilespmem:s28], [sflag:$0x5] =	stream.linear.gather [hbm4b:s17+s24], $0x50, $0x38;
	[tilespmem:$0x18C80] =	vst v63  }
0xc8: {  	_ =	swait.ge [sflag:s20], $0x50  }
0xc9: {  	[sflag:s20] =	ssyncset.done $0x0  }
0xca: {  	[sflag:s20] =	ssyncadd.s32 $0xFFFFFFB0  }
0xcb: {  	v8 =	vmov s24;
	_ =	swait.ge [sflag:s11], $0x2800  }
0xcc: {  	v9 =	vshll.u32 v8, $0x7;
	[sflag:s11] =	ssyncset.done $0x0  }
0xcd: {  	v10 =	vor.u32 v0, v9;
	[sflag:s11] =	ssyncadd.s32 $0xFFFFD800  }
0xce: {  	_ =	swait.ge [sflag:s12], $0x50  }
0xcf: {  	[sflag:s12] =	ssyncset.done $0x0  }
0xd0: {  	[sflag:s12] =	ssyncadd.s32 $0xFFFFFFB0  }
0xd1: {  	v12 =	vld.idx.msk [tilespmem:v8+s0+$0x0], $0xffff  }
0xd2: {  	v8 =	vld.idx.msk [tilespmem:v10+s30+$0x0], $0xffff;
	_ =	sdelay $0x2  }
0xd3: {  	v11 =	vor.u32 v1, v9;
	_ =	sdelay $0x1  }
0xd4: {  	v8 =	vmul.f32 v8, v12;
	_ =	sdelay $0x1  }
0xd5: {  	[tilespmem:v10+s30+$0x0] =	vst.idx.msk $0xffff, v8  }
0xd6: {  	v8 =	vld.idx.msk [tilespmem:v11+s30+$0x0], $0xffff;
	_ =	sdelay $0x2  }
0xd7: {  	v10 =	vor.u32 v2, v9;
	_ =	sdelay $0x1  }
0xd8: {  	v8 =	vmul.f32 v8, v12;
	_ =	sdelay $0x1  }
0xd9: {  	[tilespmem:v11+s30+$0x0] =	vst.idx.msk $0xffff, v8  }
0xda: {  	v8 =	vld.idx.msk [tilespmem:v10+s30+$0x0], $0xffff;
	_ =	sdelay $0x2  }
0xdb: {  	v11 =	vor.u32 v3, v9;
	_ =	sdelay $0x1  }
0xdc: {  	v8 =	vmul.f32 v8, v12;
	_ =	sdelay $0x1  }
0xdd: {  	[tilespmem:v10+s30+$0x0] =	vst.idx.msk $0xffff, v8  }
0xde: {  	v8 =	vld.idx.msk [tilespmem:v11+s30+$0x0], $0xffff;
	_ =	sdelay $0x2  }
0xdf: {  	v10 =	vor.u32 v4, v9;
	_ =	sdelay $0x1  }
0xe0: {  	v8 =	vmul.f32 v8, v12;
	_ =	sdelay $0x1  }
0xe1: {  	[tilespmem:v11+s30+$0x0] =	vst.idx.msk $0xffff, v8  }
0xe2: {  	v8 =	vld.idx.msk [tilespmem:v10+s30+$0x0], $0xffff;
	_ =	sdelay $0x2  }
0xe3: {  	v11 =	vor.u32 v5, v9;
	_ =	sdelay $0x1  }
0xe4: {  	v8 =	vmul.f32 v8, v12;
	_ =	sdelay $0x1  }
0xe5: {  	[tilespmem:v10+s30+$0x0] =	vst.idx.msk $0xffff, v8  }
0xe6: {  	v8 =	vld.idx.msk [tilespmem:v11+s30+$0x0], $0xffff;
	_ =	sdelay $0x2  }
0xe7: {  	v10 =	vor.u32 v6, v9;
	_ =	sdelay $0x1  }
0xe8: {  	v8 =	vmul.f32 v8, v12;
	_ =	sdelay $0x1  }
0xe9: {  	[tilespmem:v11+s30+$0x0] =	vst.idx.msk $0xffff, v8  }
0xea: {  	v8 =	vld.idx.msk [tilespmem:v10+s30+$0x0], $0xffff;
	_ =	sdelay $0x2  }
0xeb: {  	v9 =	vor.u32 v7, v9;
	_ =	sdelay $0x1  }
0xec: {  	v8 =	vmul.f32 v8, v12;
	_ =	sdelay $0x1  }
0xed: {  	[tilespmem:v10+s30+$0x0] =	vst.idx.msk $0xffff, v8  }
0xee: {  	v13 =	vld.idx.msk [tilespmem:v9+s30+$0x0], $0xffff  }
0xef: {  	s24 =	simm.s32 $0x1  }
0xf0: {  	v11 =	vmov s24  }
0xf1: {  	v8 =	vshll.u32 v11, $0x7  }
0xf2: {  	v10 =	vor.u32 v0, v8  }
0xf3: {  	s17 =	simm.s32 $0x2;
	v12 =	vmul.f32 v13, v12  }
.LBB2_5:
0xf4: {  	_ = 	snop  }
0xf5: {  	p1 =	sne.s32 s17, $0x4F;
	s18 =	smov.u32 s17;
	s17 =	sadd.s32 $0x1, s17;
	[tilespmem:v9+s30+$0x0] =	vst.idx.msk $0xffff, v12  }
0xf6: {  	v12 =	vld.idx.msk [tilespmem:v11+s0+$0x0], $0xffff  }
0xf7: {  	v9 =	vld.idx.msk [tilespmem:v10+s30+$0x0], $0xffff;
	_ =	sdelay $0x3  }
0xf8: {  	v11 =	vor.u32 v1, v8;
	_ =	sdelay $0x1  }
0xf9: {  	v9 =	vmul.f32 v9, v12;
	_ =	sdelay $0x1  }
0xfa: {  	[tilespmem:v10+s30+$0x0] =	vst.idx.msk $0xffff, v9  }
0xfb: {  	v9 =	vld.idx.msk [tilespmem:v11+s30+$0x0], $0xffff;
	_ =	sdelay $0x3  }
0xfc: {  	v10 =	vor.u32 v2, v8;
	_ =	sdelay $0x1  }
0xfd: {  	v9 =	vmul.f32 v9, v12;
	_ =	sdelay $0x1  }
0xfe: {  	[tilespmem:v11+s30+$0x0] =	vst.idx.msk $0xffff, v9  }
0xff: {  	v9 =	vld.idx.msk [tilespmem:v10+s30+$0x0], $0xffff;
	_ =	sdelay $0x3  }
0x100: {  	v11 =	vor.u32 v3, v8;
	_ =	sdelay $0x1  }
0x101: {  	v9 =	vmul.f32 v9, v12;
	_ =	sdelay $0x1  }
0x102: {  	[tilespmem:v10+s30+$0x0] =	vst.idx.msk $0xffff, v9  }
0x103: {  	v9 =	vld.idx.msk [tilespmem:v11+s30+$0x0], $0xffff;
	_ =	sdelay $0x3  }
0x104: {  	v10 =	vor.u32 v4, v8;
	_ =	sdelay $0x1  }
0x105: {  	v9 =	vmul.f32 v9, v12;
	_ =	sdelay $0x1  }
0x106: {  	[tilespmem:v11+s30+$0x0] =	vst.idx.msk $0xffff, v9  }
0x107: {  	v9 =	vld.idx.msk [tilespmem:v10+s30+$0x0], $0xffff;
	_ =	sdelay $0x3  }
0x108: {  	v11 =	vor.u32 v5, v8;
	_ =	sdelay $0x1  }
0x109: {  	v9 =	vmul.f32 v9, v12;
	_ =	sdelay $0x1  }
0x10a: {  	[tilespmem:v10+s30+$0x0] =	vst.idx.msk $0xffff, v9  }
0x10b: {  	v9 =	vld.idx.msk [tilespmem:v11+s30+$0x0], $0xffff;
	_ =	sdelay $0x3  }
0x10c: {  	v10 =	vor.u32 v6, v8;
	_ =	sdelay $0x1  }
0x10d: {  	v9 =	vmul.f32 v9, v12;
	_ =	sdelay $0x1  }
0x10e: {  	[tilespmem:v11+s30+$0x0] =	vst.idx.msk $0xffff, v9  }
0x10f: {  	v11 =	vld.idx.msk [tilespmem:v10+s30+$0x0], $0xffff;
	_ =	sdelay $0x3  }
0x110: {  	v9 =	vor.u32 v7, v8;
	_ =	sdelay $0x1  }
0x111: {  	v8 =	vmul.f32 v11, v12;
	_ =	sdelay $0x1  }
0x112: {  	[tilespmem:v10+s30+$0x0] =	vst.idx.msk $0xffff, v8  }
0x113: {  	v13 =	vld.idx.msk [tilespmem:v9+s30+$0x0], $0xffff;
	_ =	sdelay $0x1  }
.Ltmp1:
0x114: {  	(pc) =	sbr.rel @p1 .LBB2_5-.Ltmp1, $4  }
0x115: {  	v11 =	vmov s18  }
0x116: {  	v8 =	vshll.u32 v11, $0x7  }
0x117: {  	v10 =	vor.u32 v0, v8  }
0x118: {  	v12 =	vmul.f32 v13, v12  }
0x119: {  	_ =	sdelay $0x3  }
0x11a: {  	[tilespmem:v9+s30+$0x0] =	vst.idx.msk $0xffff, v12  }
0x11b: {  	v9 =	vld.idx.msk [tilespmem:v11+s0+$0x0], $0xffff  }
0x11c: {  	v57 =	vld.idx.msk [tilespmem:v10+s30+$0x0], $0xffff;
	_ =	sdelay $0x2  }
0x11d: {  	v58 =	vor.u32 v1, v8;
	_ =	sdelay $0x1  }
0x11e: {  	v11 =	vmul.f32 v57, v9;
	_ =	sdelay $0x1  }
0x11f: {  	[tilespmem:v10+s30+$0x0] =	vst.idx.msk $0xffff, v11  }
0x120: {  	v10 =	vld.idx.msk [tilespmem:v58+s30+$0x0], $0xffff;
	_ =	sdelay $0x2  }
0x121: {  	v59 =	vor.u32 v2, v8;
	_ =	sdelay $0x1  }
0x122: {  	v10 =	vmul.f32 v10, v9;
	_ =	sdelay $0x1  }
0x123: {  	[tilespmem:v58+s30+$0x0] =	vst.idx.msk $0xffff, v10  }
0x124: {  	v10 =	vld.idx.msk [tilespmem:v59+s30+$0x0], $0xffff;
	_ =	sdelay $0x2  }
0x125: {  	v60 =	vor.u32 v3, v8;
	_ =	sdelay $0x1  }
0x126: {  	v10 =	vmul.f32 v10, v9;
	_ =	sdelay $0x1  }
0x127: {  	[tilespmem:v59+s30+$0x0] =	vst.idx.msk $0xffff, v10  }
0x128: {  	v10 =	vld.idx.msk [tilespmem:v60+s30+$0x0], $0xffff;
	_ =	sdelay $0x2  }
0x129: {  	v61 =	vor.u32 v4, v8;
	_ =	sdelay $0x1  }
0x12a: {  	v10 =	vmul.f32 v10, v9;
	_ =	sdelay $0x1  }
0x12b: {  	[tilespmem:v60+s30+$0x0] =	vst.idx.msk $0xffff, v10  }
0x12c: {  	v10 =	vld.idx.msk [tilespmem:v61+s30+$0x0], $0xffff;
	_ =	sdelay $0x2  }
0x12d: {  	v62 =	vor.u32 v5, v8;
	_ =	sdelay $0x1  }
0x12e: {  	v10 =	vmul.f32 v10, v9;
	_ =	sdelay $0x1  }
0x12f: {  	[tilespmem:v61+s30+$0x0] =	vst.idx.msk $0xffff, v10  }
0x130: {  	v10 =	vld.idx.msk [tilespmem:v62+s30+$0x0], $0xffff;
	_ =	sdelay $0x2  }
0x131: {  	v63 =	vor.u32 v6, v8;
	_ =	sdelay $0x1  }
0x132: {  	v10 =	vmul.f32 v10, v9;
	_ =	sdelay $0x1  }
0x133: {  	[tilespmem:v62+s30+$0x0] =	vst.idx.msk $0xffff, v10  }
0x134: {  	v10 =	vld.idx.msk [tilespmem:v63+s30+$0x0], $0xffff;
	_ =	sdelay $0x2  }
0x135: {  	v8 =	vor.u32 v7, v8;
	_ =	sdelay $0x1  }
0x136: {  	v10 =	vmul.f32 v10, v9;
	_ =	sdelay $0x1  }
0x137: {  	[tilespmem:v63+s30+$0x0] =	vst.idx.msk $0xffff, v10  }
0x138: {  	v10 =	vld.idx.msk [tilespmem:v8+s30+$0x0], $0xffff;
	_ =	sdelay $0x4  }
0x139: {  	s16 =	sadd.s32 $0x1, s16;
	v9 =	vmul.f32 v10, v9  }
0x13a: {  	p1 =	sne.s32 s16, $0x3E  }
.Ltmp2:
0x13b: {  	[tilespmem:v8+s30+$0x0] =	vst.idx.msk $0xffff, v9;
	(pc) =	sbr.rel @p1 .LBB2_2-.Ltmp2, $4  }
0x13c: {  	[spmem:s1] =	stream.indirect.scatter.add.f32 [tilespmem:s30], [sflag:$0x5], $0x80, s4, s21, $0xb8;
	[tilespmem:$0x18C80] =	vst v63  }
0x13d: {  	_ =	swait.ge [sflag:s20], $0x2800  }
0x13e: {  	[sflag:s20] =	ssyncset.done $0x0  }
0x13f: {  	[sflag:s20] =	ssyncadd.s32 $0xFFFFD800  }
0x140: {  	s16 =	simm.s32 $0x0  }
0x141: {  	_ =	swait.ge [sflag:s9], $0x2800;
	v8 =	vmov s16  }
0x142: {  	[sflag:s9] =	ssyncset.done $0x0;
	v9 =	vshll.u32 v8, $0x7  }
0x143: {  	[sflag:s9] =	ssyncadd.s32 $0xFFFFD800;
	v10 =	vor.u32 v0, v9  }
0x144: {  	_ =	swait.ge [sflag:s10], $0x50  }
0x145: {  	[sflag:s10] =	ssyncset.done $0x0  }
0x146: {  	[sflag:s10] =	ssyncadd.s32 $0xFFFFFFB0  }
0x147: {  	v12 =	vld.idx.msk [tilespmem:v8+s26+$0x0], $0xffff  }
0x148: {  	v8 =	vld.idx.msk [tilespmem:v10+s22+$0x0], $0xffff;
	_ =	sdelay $0x2  }
0x149: {  	v11 =	vor.u32 v1, v9;
	_ =	sdelay $0x1  }
0x14a: {  	v8 =	vmul.f32 v8, v12;
	_ =	sdelay $0x1  }
0x14b: {  	[tilespmem:v10+s22+$0x0] =	vst.idx.msk $0xffff, v8  }
0x14c: {  	v8 =	vld.idx.msk [tilespmem:v11+s22+$0x0], $0xffff;
	_ =	sdelay $0x2  }
0x14d: {  	v10 =	vor.u32 v2, v9;
	_ =	sdelay $0x1  }
0x14e: {  	v8 =	vmul.f32 v8, v12;
	_ =	sdelay $0x1  }
0x14f: {  	[tilespmem:v11+s22+$0x0] =	vst.idx.msk $0xffff, v8  }
0x150: {  	v8 =	vld.idx.msk [tilespmem:v10+s22+$0x0], $0xffff;
	_ =	sdelay $0x2  }
0x151: {  	v11 =	vor.u32 v3, v9;
	_ =	sdelay $0x1  }
0x152: {  	v8 =	vmul.f32 v8, v12;
	_ =	sdelay $0x1  }
0x153: {  	[tilespmem:v10+s22+$0x0] =	vst.idx.msk $0xffff, v8  }
0x154: {  	v8 =	vld.idx.msk [tilespmem:v11+s22+$0x0], $0xffff;
	_ =	sdelay $0x2  }
0x155: {  	v10 =	vor.u32 v4, v9;
	_ =	sdelay $0x1  }
0x156: {  	v8 =	vmul.f32 v8, v12;
	_ =	sdelay $0x1  }
0x157: {  	[tilespmem:v11+s22+$0x0] =	vst.idx.msk $0xffff, v8  }
0x158: {  	v8 =	vld.idx.msk [tilespmem:v10+s22+$0x0], $0xffff;
	_ =	sdelay $0x2  }
0x159: {  	v11 =	vor.u32 v5, v9;
	_ =	sdelay $0x1  }
0x15a: {  	v8 =	vmul.f32 v8, v12;
	_ =	sdelay $0x1  }
0x15b: {  	[tilespmem:v10+s22+$0x0] =	vst.idx.msk $0xffff, v8  }
0x15c: {  	v8 =	vld.idx.msk [tilespmem:v11+s22+$0x0], $0xffff;
	_ =	sdelay $0x2  }
0x15d: {  	v10 =	vor.u32 v6, v9;
	_ =	sdelay $0x1  }
0x15e: {  	v8 =	vmul.f32 v8, v12;
	_ =	sdelay $0x1  }
0x15f: {  	[tilespmem:v11+s22+$0x0] =	vst.idx.msk $0xffff, v8  }
0x160: {  	v8 =	vld.idx.msk [tilespmem:v10+s22+$0x0], $0xffff;
	_ =	sdelay $0x2  }
0x161: {  	v9 =	vor.u32 v7, v9;
	_ =	sdelay $0x1  }
0x162: {  	v8 =	vmul.f32 v8, v12;
	_ =	sdelay $0x1  }
0x163: {  	[tilespmem:v10+s22+$0x0] =	vst.idx.msk $0xffff, v8  }
0x164: {  	v13 =	vld.idx.msk [tilespmem:v9+s22+$0x0], $0xffff  }
0x165: {  	s24 =	simm.s32 $0x1  }
0x166: {  	v11 =	vmov s24  }
0x167: {  	v8 =	vshll.u32 v11, $0x7  }
0x168: {  	v10 =	vor.u32 v0, v8  }
0x169: {  	s16 =	simm.s32 $0x2;
	v12 =	vmul.f32 v13, v12  }
.LBB2_8:
0x16a: {  	_ = 	snop  }
0x16b: {  	p1 =	sne.s32 s16, $0x4F;
	s17 =	smov.u32 s16;
	s16 =	sadd.s32 $0x1, s16;
	[tilespmem:v9+s22+$0x0] =	vst.idx.msk $0xffff, v12  }
0x16c: {  	v12 =	vld.idx.msk [tilespmem:v11+s26+$0x0], $0xffff  }
0x16d: {  	v9 =	vld.idx.msk [tilespmem:v10+s22+$0x0], $0xffff;
	_ =	sdelay $0x3  }
0x16e: {  	v11 =	vor.u32 v1, v8;
	_ =	sdelay $0x1  }
0x16f: {  	v9 =	vmul.f32 v9, v12;
	_ =	sdelay $0x1  }
0x170: {  	[tilespmem:v10+s22+$0x0] =	vst.idx.msk $0xffff, v9  }
0x171: {  	v9 =	vld.idx.msk [tilespmem:v11+s22+$0x0], $0xffff;
	_ =	sdelay $0x3  }
0x172: {  	v10 =	vor.u32 v2, v8;
	_ =	sdelay $0x1  }
0x173: {  	v9 =	vmul.f32 v9, v12;
	_ =	sdelay $0x1  }
0x174: {  	[tilespmem:v11+s22+$0x0] =	vst.idx.msk $0xffff, v9  }
0x175: {  	v9 =	vld.idx.msk [tilespmem:v10+s22+$0x0], $0xffff;
	_ =	sdelay $0x3  }
0x176: {  	v11 =	vor.u32 v3, v8;
	_ =	sdelay $0x1  }
0x177: {  	v9 =	vmul.f32 v9, v12;
	_ =	sdelay $0x1  }
0x178: {  	[tilespmem:v10+s22+$0x0] =	vst.idx.msk $0xffff, v9  }
0x179: {  	v9 =	vld.idx.msk [tilespmem:v11+s22+$0x0], $0xffff;
	_ =	sdelay $0x3  }
0x17a: {  	v10 =	vor.u32 v4, v8;
	_ =	sdelay $0x1  }
0x17b: {  	v9 =	vmul.f32 v9, v12;
	_ =	sdelay $0x1  }
0x17c: {  	[tilespmem:v11+s22+$0x0] =	vst.idx.msk $0xffff, v9  }
0x17d: {  	v9 =	vld.idx.msk [tilespmem:v10+s22+$0x0], $0xffff;
	_ =	sdelay $0x3  }
0x17e: {  	v11 =	vor.u32 v5, v8;
	_ =	sdelay $0x1  }
0x17f: {  	v9 =	vmul.f32 v9, v12;
	_ =	sdelay $0x1  }
0x180: {  	[tilespmem:v10+s22+$0x0] =	vst.idx.msk $0xffff, v9  }
0x181: {  	v9 =	vld.idx.msk [tilespmem:v11+s22+$0x0], $0xffff;
	_ =	sdelay $0x3  }
0x182: {  	v10 =	vor.u32 v6, v8;
	_ =	sdelay $0x1  }
0x183: {  	v9 =	vmul.f32 v9, v12;
	_ =	sdelay $0x1  }
0x184: {  	[tilespmem:v11+s22+$0x0] =	vst.idx.msk $0xffff, v9  }
0x185: {  	v11 =	vld.idx.msk [tilespmem:v10+s22+$0x0], $0xffff;
	_ =	sdelay $0x3  }
0x186: {  	v9 =	vor.u32 v7, v8;
	_ =	sdelay $0x1  }
0x187: {  	v8 =	vmul.f32 v11, v12;
	_ =	sdelay $0x1  }
0x188: {  	[tilespmem:v10+s22+$0x0] =	vst.idx.msk $0xffff, v8  }
0x189: {  	v13 =	vld.idx.msk [tilespmem:v9+s22+$0x0], $0xffff;
	_ =	sdelay $0x1  }
.Ltmp3:
0x18a: {  	(pc) =	sbr.rel @p1 .LBB2_8-.Ltmp3, $4  }
0x18b: {  	v11 =	vmov s17  }
0x18c: {  	v8 =	vshll.u32 v11, $0x7  }
0x18d: {  	v10 =	vor.u32 v0, v8  }
0x18e: {  	v12 =	vmul.f32 v13, v12  }
0x18f: {  	_ =	sdelay $0x3  }
0x190: {  	[tilespmem:v9+s22+$0x0] =	vst.idx.msk $0xffff, v12  }
0x191: {  	v9 =	vld.idx.msk [tilespmem:v11+s26+$0x0], $0xffff  }
0x192: {  	v57 =	vld.idx.msk [tilespmem:v10+s22+$0x0], $0xffff;
	_ =	sdelay $0x2  }
0x193: {  	v58 =	vor.u32 v1, v8;
	_ =	sdelay $0x1  }
0x194: {  	v11 =	vmul.f32 v57, v9;
	_ =	sdelay $0x1  }
0x195: {  	[tilespmem:v10+s22+$0x0] =	vst.idx.msk $0xffff, v11  }
0x196: {  	v10 =	vld.idx.msk [tilespmem:v58+s22+$0x0], $0xffff;
	_ =	sdelay $0x2  }
0x197: {  	v59 =	vor.u32 v2, v8;
	_ =	sdelay $0x1  }
0x198: {  	v10 =	vmul.f32 v10, v9;
	_ =	sdelay $0x1  }
0x199: {  	[tilespmem:v58+s22+$0x0] =	vst.idx.msk $0xffff, v10  }
0x19a: {  	v10 =	vld.idx.msk [tilespmem:v59+s22+$0x0], $0xffff;
	_ =	sdelay $0x2  }
0x19b: {  	v60 =	vor.u32 v3, v8;
	_ =	sdelay $0x1  }
0x19c: {  	v10 =	vmul.f32 v10, v9;
	_ =	sdelay $0x1  }
0x19d: {  	[tilespmem:v59+s22+$0x0] =	vst.idx.msk $0xffff, v10  }
0x19e: {  	v10 =	vld.idx.msk [tilespmem:v60+s22+$0x0], $0xffff;
	_ =	sdelay $0x2  }
0x19f: {  	v61 =	vor.u32 v4, v8;
	_ =	sdelay $0x1  }
0x1a0: {  	v10 =	vmul.f32 v10, v9;
	_ =	sdelay $0x1  }
0x1a1: {  	[tilespmem:v60+s22+$0x0] =	vst.idx.msk $0xffff, v10  }
0x1a2: {  	v10 =	vld.idx.msk [tilespmem:v61+s22+$0x0], $0xffff;
	_ =	sdelay $0x2  }
0x1a3: {  	v62 =	vor.u32 v5, v8;
	_ =	sdelay $0x1  }
0x1a4: {  	v10 =	vmul.f32 v10, v9;
	_ =	sdelay $0x1  }
0x1a5: {  	[tilespmem:v61+s22+$0x0] =	vst.idx.msk $0xffff, v10  }
0x1a6: {  	v10 =	vld.idx.msk [tilespmem:v62+s22+$0x0], $0xffff;
	_ =	sdelay $0x2  }
0x1a7: {  	v63 =	vor.u32 v6, v8;
	_ =	sdelay $0x1  }
0x1a8: {  	v10 =	vmul.f32 v10, v9;
	_ =	sdelay $0x1  }
0x1a9: {  	[tilespmem:v62+s22+$0x0] =	vst.idx.msk $0xffff, v10  }
0x1aa: {  	v10 =	vld.idx.msk [tilespmem:v63+s22+$0x0], $0xffff;
	_ =	sdelay $0x2  }
0x1ab: {  	v8 =	vor.u32 v7, v8;
	_ =	sdelay $0x1  }
0x1ac: {  	v10 =	vmul.f32 v10, v9;
	_ =	sdelay $0x1  }
0x1ad: {  	[tilespmem:v63+s22+$0x0] =	vst.idx.msk $0xffff, v10  }
0x1ae: {  	v10 =	vld.idx.msk [tilespmem:v8+s22+$0x0], $0xffff;
	_ =	sdelay $0x4  }
0x1af: {  	v9 =	vmul.f32 v10, v9;
	_ =	sdelay $0x1  }
0x1b0: {  	[tilespmem:v8+s22+$0x0] =	vst.idx.msk $0xffff, v9  }
0x1b1: {  	[spmem:s1] =	stream.indirect.scatter.add.f32 [tilespmem:s22], [sflag:$0x5], $0x80, s28, s21, $0xb8;
	[tilespmem:$0x18C80] =	vst v63  }
0x1b2: {  	_ =	swait.ge [sflag:s20], $0x2800  }
0x1b3: {  	[sflag:s20] =	ssyncset.done $0x0  }
0x1b4: {  	[sflag:s20] =	ssyncadd.s32 $0xFFFFD800  }
0x1b5: {  	s16 =	stileid.u32;
	[bflag:$0x0] =	sbarrier.arrive $0xFFFF  }
0x1b6: {  	s16 =	sshll.u32 s16, $0x6;
	s17 =	rddreg [dreg:$0x7]  }
0x1b7: {  	s16 =	sor.u32 $0x1C05, s16;
	s18 =	rddreg [dreg:$0xb]  }
0x1b8: {  	[hbm:s17], [sflag:s16] =	dma.local [spmem:s18], $0x2700  }
0x1b9: {  	_ =	swait.ge [sflag:s20], $0x2700  }
0x1ba: {  	[sflag:s20] =	ssyncset.done $0x0;
	s17 =	rddreg [dreg:$0x8]  }
0x1bb: {  	s18 =	rddreg [dreg:$0xc];
	[sflag:s20] =	ssyncadd.s32 $0xFFFFD900  }
0x1bc: {  	[hbm:s17], [sflag:s16] =	dma.local @!p0 [spmem:s18], $0x100  }
0x1bd: {  	s16 =	simm.s32 @!p0 $0x5  }
0x1be: {  	_ =	swait.ge @!p0 [sflag:s16], $0x100  }
0x1bf: {  	s15 =	sadd.s32 $0x1, s15;
	s24 =	rddreg [dreg:$0x9]  }
0x1c0: {  	p1 =	sne.s32 s15, s24  }
.Ltmp4:
0x1c1: {  	_ = 	snop;
	(pc) =	sbr.rel @p1 .LBB2_1-.Ltmp4, $3  }
0x1c2: {  	_ =	sdelay $0x1  }
0x1c3: {  	[sflag:s16] =	ssyncset.done @!p0 $0x0  }
0x1c4: {  	[sflag:s16] =	ssyncadd.s32 @!p0 $0xFFFFFF00  }
0x1c5: {  	_ =	sfence.sel $0x180000  }
0x1c6: {  	[bflag:$0x0] =	sbarrier.arrive $0xFFFF  }
0x1c7: {  	_ =	strace $0x9000004D  }
0x1c8: {  	[bflag:$0x2] =	sbarrier.arrive $0xFFFF  }
0x1c9: {  	s0 =	rddreg [dreg:$0x2]  }
0x1ca: {  	s0 =	sadd.s32 @!p0 $0x100000, s0  }
0x1cb: {  	[sflag:s0] =	ssyncadd.tile.s32 @!p0 $0x1;
	_ =	shalt  }
.Lfunc_end2:
_tile_overlayer_lowered:
.L_overlay_start_2:
0x1cc: {  	(tag) =	ssettag $0x2  }
0x1cd: {  	s0 =	rddreg [dreg:$0x0];
	s2 =	stileid.u32  }
0x1ce: {  	s1 =	rddreg [dreg:$0x1];
	p0 =	sne.s32 s2, $0x0  }
0x1cf: {  	s3 =	rddreg [dreg:$0x2];
	[bflag:$0x3] =	sbarrier.arrive $0xFFFF;
	s2 =	simm.s32 @!p0 $0x1C05  }
0x1d0: {  	[timem:s3], [sflag:s2] =	dma.local @!p0 [hbm:s0], s1  }
0x1d1: {  	s0 =	simm.s32 @!p0 $0x5  }
0x1d2: {  	_ =	swait.ge @!p0 [sflag:s0], s1  }
0x1d3: {  	s1 =	ssub.s32 @!p0 $0x0, s1;
	[sflag:s0] =	ssyncset.done @!p0 $0x0  }
0x1d4: {  	[sflag:s0] =	ssyncadd.s32 @!p0 s1  }
0x1d5: {  	[bflag:$0x3] =	sbarrier.arrive $0xFFFF  }
0x1d6: {  	_ =	shalt  }

// kernel: kernel.9.cloned.1.call-start
scs
__scs_entry_jumppad:
0x0: {  	(pc) =	sbr.rel $0x88, $3  }
0x1: {  	(tag) =	ssettag $0x0;
	lr =	simm.s32 $0x1  }
0x2: {  	[smem:$0x3F95] =	sst lr;
	_ =	strace $0xD0000000  }
0x3: {  	_ = 	snop  }
0x4: {  	_ = 	snop  }
0x5: {  	_ = 	snop  }
0x6: {  	_ = 	snop  }
0x7: {  	_ = 	snop  }
__scs_overlays_trampoline_lowered:
0x8: {  	[smem:$0x3FA4] =	sst s0  }
0x9: {  	[smem:$0x3FA5] =	sst s1  }
0xa: {  	[smem:$0x3FA6] =	sst s2  }
0xb: {  	[smem:$0x3FA7] =	sst s3  }
0xc: {  	[smem:$0x3FA8] =	sst s4  }
0xd: {  	[smem:$0x3FA9] =	sst s5  }
0xe: {  	[smem:$0x3FAA] =	sst s6  }
0xf: {  	[smem:$0x3FAB] =	sst s7  }
0x10: {  	[smem:$0x3FAC] =	sst s8  }
0x11: {  	[smem:$0x3FAD] =	sst s9;
	s0 =	simm.s32 @!p0 $0x0  }
0x12: {  	s1 =	sld [smem:$0x3F93];
	s0 =	simm.s32 @p0 $0x1  }
0x13: {  	[smem:$0x3FAE] =	sst s0;
	s0 =	simm.s32 @!p1 $0x0  }
0x14: {  	s2 =	sld [smem:$0x3F92];
	s0 =	simm.s32 @p1 $0x1  }
0x15: {  	[smem:$0x3FAF] =	sst s0;
	s0 =	simm.s32 @!p2 $0x0  }
0x16: {  	s3 =	sld [smem:$0x3FDB];
	s0 =	simm.s32 @p2 $0x1  }
0x17: {  	s4 =	simm.s32 $0x1BF5;
	[smem:$0x3FB1] =	sst s0  }
0x18: {  	s0 =	sld [smem:$0x3F94];
	_ =	swait.ge [sflag:s4], $0x0  }
0x19: {  	s7 =	sld [smem:$0x3F95]  }
0x1a: {  	s8 =	sadd.s32 $0xFFFFE003, lr  }
0x1b: {  	s9 =	sadd.s32 $0xFFFFFEF7, lr;
	s5 =	simm.s32 $0xFFFFFFFF;
	p2 =	slt.u32 s8, $0xFFFFF086  }
0x1c: {  	p1 =	slt.u32 s9, $0xF7A;
	s5 =	simm.s32 @!p2 $0x0  }
0x1d: {  	s5 =	simm.s32 @p1 $0x1;
	p0 =	seq.s32 s7, s2  }
0x1e: {  	s7 =	smul.u32 @!p0 $0xF7A, s2;
	p2 =	seq.s32 @!p0 s5, $0x0  }
0x1f: {  	s9 =	smul.u32 $0xF7A, s1;
	s8 =	simm.s32 @!p0 $0x1BF5;
	p2 =	por !p2, p0  }
0x20: {  	[sflag:s8] =	ssyncset.s32 @!p0 $0xFFFFF086;
	s6 =	sadd.s32 @!p0 s3, s7;
	s7 =	simm.s32 @!p0 $0x108  }
0x21: {  	s3 =	sadd.s32 s3, s9;
	s6 =	sadd.s32 @!p0 $0x88, s6;
	s7 =	simm.s32 @p2 $0x1082  }
0x22: {  	[simem:s7], [sflag:s8] =	dma.local @!p0 [hbm:s6], $0xF7A  }
0x23: {  	s9 =	sor.u32 $0xD0000000, s2;
	s6 =	simm.s32 $0x108;
	_ =	swait.ge @!p0 [sflag:s8], $0x0  }
0x24: {  	s3 =	sadd.s32 $0x88, s3;
	s6 =	simm.s32 @!p1 $0x1082;
	[sflag:s4] =	ssyncset.s32 $0xFFFFF086  }
0x25: {  	[simem:s6], [sflag:s4] =	dma.local [hbm:s3], $0xF7A  }
0x26: {  	[smem:$0x3F95] =	sst s1;
	(tag) =	ssettag s2;
	_ =	strace s9  }
0x27: {  	s1 =	sld [smem:$0x3FA5]  }
0x28: {  	s2 =	sld [smem:$0x3FA6]  }
0x29: {  	s4 =	sld [smem:$0x3FA8]  }
0x2a: {  	p0 =	seq.s32 s5, $0x0;
	s5 =	sld [smem:$0x3FA9]  }
0x2b: {  	s6 =	sld [smem:$0x3FAA]  }
0x2c: {  	s7 =	sld [smem:$0x3FAB]  }
0x2d: {  	s3 =	simm.s32 $0x108;
	s8 =	sld [smem:$0x3FAC]  }
0x2e: {  	s3 =	simm.s32 @!p0 $0x1082;
	s9 =	sld [smem:$0x3FAD]  }
0x2f: {  	lr =	sadd.s32 s0, s3;
	s0 =	sld [smem:$0x3FA4]  }
0x30: {  	s3 =	sld [smem:$0x3FA7]  }
0x31: {  	[smem:$0x3FB0] =	sst s10  }
0x32: {  	s10 =	sld [smem:$0x3FAE];
	_ =	sdelay $0x3  }
0x33: {  	p0 =	seq.s32 s10, $0x1;
	s10 =	sld [smem:$0x3FB0];
	_ =	sdelay $0x3  }
0x34: {  	[smem:$0x3FB0] =	sst s10  }
0x35: {  	s10 =	sld [smem:$0x3FAF];
	_ =	sdelay $0x3  }
0x36: {  	p1 =	seq.s32 s10, $0x1;
	s10 =	sld [smem:$0x3FB0];
	_ =	sdelay $0x3  }
0x37: {  	[smem:$0x3FB0] =	sst s10  }
0x38: {  	s10 =	sld [smem:$0x3FB1]  }
0x39: {  	_ = 	snop;
	(pc) =	sbr.ind lr, $3  }
0x3a: {  	_ = 	snop  }
0x3b: {  	_ = 	snop  }
0x3c: {  	p2 =	seq.s32 s10, $0x1;
	s10 =	sld [smem:$0x3FB0]  }
0x3d: {  	_ =	shalt  }
0x3e: {  	_ =	shalt  }
0x3f: {  	_ =	shalt  }
0x40: {  	_ =	shalt  }
0x41: {  	_ =	shalt  }
0x42: {  	_ =	shalt  }
0x43: {  	_ =	shalt  }
0x44: {  	_ =	shalt  }
0x45: {  	_ =	shalt  }
0x46: {  	_ =	shalt  }
0x47: {  	_ =	shalt  }
0x48: {  	_ =	shalt  }
0x49: {  	_ =	shalt  }
0x4a: {  	_ =	shalt  }
0x4b: {  	_ =	shalt  }
0x4c: {  	_ =	shalt  }
0x4d: {  	_ =	shalt  }
0x4e: {  	_ =	shalt  }
0x4f: {  	_ =	shalt  }
0x50: {  	_ =	shalt  }
0x51: {  	_ =	shalt  }
0x52: {  	_ =	shalt  }
0x53: {  	_ =	shalt  }
0x54: {  	_ =	shalt  }
0x55: {  	_ =	shalt  }
0x56: {  	_ =	shalt  }
0x57: {  	_ =	shalt  }
0x58: {  	_ =	shalt  }
0x59: {  	_ =	shalt  }
0x5a: {  	_ =	shalt  }
0x5b: {  	_ =	shalt  }
0x5c: {  	_ =	shalt  }
0x5d: {  	_ =	shalt  }
0x5e: {  	_ =	shalt  }
0x5f: {  	_ =	shalt  }
0x60: {  	_ =	shalt  }
0x61: {  	_ =	shalt  }
0x62: {  	_ =	shalt  }
0x63: {  	_ =	shalt  }
0x64: {  	_ =	shalt  }
0x65: {  	_ =	shalt  }
0x66: {  	_ =	shalt  }
0x67: {  	_ =	shalt  }
0x68: {  	_ =	shalt  }
0x69: {  	_ =	shalt  }
0x6a: {  	_ =	shalt  }
0x6b: {  	_ =	shalt  }
0x6c: {  	_ =	shalt  }
0x6d: {  	_ =	shalt  }
0x6e: {  	_ =	shalt  }
0x6f: {  	_ =	shalt  }
0x70: {  	_ =	shalt  }
0x71: {  	_ =	shalt  }
0x72: {  	_ =	shalt  }
0x73: {  	_ =	shalt  }
0x74: {  	_ =	shalt  }
0x75: {  	_ =	shalt  }
0x76: {  	_ =	shalt  }
0x77: {  	_ =	shalt  }
0x78: {  	_ =	shalt  }
0x79: {  	_ =	shalt  }
0x7a: {  	_ =	shalt  }
0x7b: {  	_ =	shalt  }
0x7c: {  	_ =	shalt  }
0x7d: {  	_ =	shalt  }
0x7e: {  	_ =	shalt  }
0x7f: {  	_ =	shalt  }
0x80: {  	_ =	shalt  }
0x81: {  	_ =	shalt  }
0x82: {  	_ =	shalt  }
0x83: {  	_ =	shalt  }
0x84: {  	_ =	shalt  }
0x85: {  	_ =	shalt  }
0x86: {  	_ =	shalt  }
0x87: {  	_ =	shalt  }
.Lfunc_end0:
.L_simem_size_0:
called_computation_lowered:
.L_overlay_start_0:
0x88: {  	s2 =	sld [smem:$0x3FD9]  }
0x89: {  	s3 =	sld [smem:$0x3FFE];
	_ =	sdelay $0x1  }
0x8a: {  	s1 =	srdreg.scid  }
0x8b: {  	s0 =	sand.u32 $0x1, s1  }
0x8c: {  	s17 =	sshll.u32 s0, $0xA;
	s2 =	sadd.s32 s3, s2  }
0x8d: {  	s2 =	sadd.s32 s2, s17  }
0x8e: {  	[smem:$0x3FBC] =	sst s2  }
0x8f: {  	_ = 	snop  }
0x90: {  	s2 =	sld [smem:$0x3FC7];
	(tm) =	ssettm $0x1  }
0x91: {  	s18 =	sld [smem:$0x3FFB];
	_ =	sdelay $0x3  }
0x92: {  	_ =	strace s18  }
0x93: {  	s3 =	sld [smem:$0x3FFC];
	_ =	sdelay $0x3  }
0x94: {  	_ =	strace s3  }
0x95: {  	s3 =	sld [smem:$0x3FFD];
	_ =	sdelay $0x3  }
0x96: {  	_ =	strace s3  }
0x97: {  	_ =	strace $0x8FFFFFFF  }
0x98: {  	s19 =	sld [smem:$0x3FDB];
	_ =	sdelay $0x1  }
0x99: {  	s4 =	simm.s32 $_scs_section_size  }
0x9a: {  	s5 =	simm.s32 $_size__tile_overlayer_lowered;
	s6 =	simm.s32 $_tile_overlayer_lowered  }
0x9b: {  	s22 =	simm.s32 $0x1BFF;
	s21 =	sshll.u32 s6, $0x1;
	s3 =	sadd.s32 s4, s19  }
0x9c: {  	s7 =	simm.s32 $0x0;
	s20 =	sshll.u32 s5, $0x1;
	s5 =	sadd.s32 s21, s3  }
0x9d: {  	[timem:s7], [sflag:s22] =	dma.local [hbm:s5], s20  }
0x9e: {  	_ =	swait.ge [sflag:s22], s20  }
0x9f: {  	s4 =	ssub.s32 $0x0, s20;
	[sflag:s22] =	ssyncset.done $0x0  }
0xa0: {  	[sflag:s22] =	ssyncadd.s32 s4;
	_ =	sdelay $0x1  }
0xa1: {  	s23 =	simm.s32 $0x1B8B  }
0xa2: {  	_ =	swait.ge [sflag:s23], $0x1  }
0xa3: {  	[sflag:s23] =	ssyncset.done $0x0  }
0xa4: {  	s25 =	simm.s32 $0x1B8E;
	s24 =	sld [smem:$0x3FFE];
	[sflag:s23] =	ssyncadd.s32 $0xFFFFFFFF  }
0xa5: {  	s26 =	simm.s32 $execute0_lowered;
	[smem:$0x3FD2] =	sst s25  }
0xa6: {  	s5 =	sshll.u32 s26, $0x1;
	_ =	strace $0x80000046;
	[dreg:$0x1] =	wrdreg $0xFFFFFFFF  }
0xa7: {  	s28 =	simm.s32 $_size_execute0_lowered;
	s3 =	sadd.s32 s3, s5;
	[dreg:$0x0] =	wrdreg $0x0  }
0xa8: {  	s5 =	sshll.u32 s28, $0x1;
	[dreg:$0x2] =	wrdreg s3  }
0xa9: {  	[dreg:$0x3] =	wrdreg s5  }
0xaa: {  	[dreg:$0x4] =	wrdreg $0xC0  }
0xab: {  	_ =	task [dreg:s7], $0x5FFFF  }
0xac: {  	[dreg:$0x1] =	wrdreg $0xFFFFFFFF  }
0xad: {  	[dreg:$0x0] =	wrdreg $0x60  }
0xae: {  	[dreg:$0x2] =	wrdreg s24  }
0xaf: {  	[dreg:$0x3] =	wrdreg s2  }
0xb0: {  	[dreg:$0x4] =	wrdreg $0x0  }
0xb1: {  	[dreg:$0x5] =	wrdreg $0x9  }
0xb2: {  	_ =	task.clear_ibuf [dreg:s7], $0x6FFFF;
	_ =	strace $0x90000046  }
0xb3: {  	s29 =	simm.s32 $0x9;
	_ =	strace $0x80000048  }
0xb4: {  	_ =	swait.ge [sflag:s29], $0x1  }
0xb5: {  	[sflag:s29] =	ssyncadd.s32 $0xFFFFFFFF  }
0xb6: {  	_ =	strace $0x90000048  }
0xb7: {  	_ =	sfence  }
0xb8: {  	s30 =	sld [smem:$0x0];
	_ =	sdelay $0x2  }
0xb9: {  	s31 =	sshll.u32 s1, $0xD;
	s1 =	sshrl.u32 s1, $0x2  }
0xba: {  	s3 =	sand.u32 $0x4000, s31;
	s1 =	sadd.s32 s1, s30  }
0xbb: {  	s0 =	sor.u32 s3, s0;
	s1 =	sshll.u32 s1, $0x11  }
0xbc: {  	s0 =	sor.u32 s1, s0  }
0xbd: {  	s0 =	sadd.s32 $0x8F2B, s0  }
0xbe: {  	[sflag:s0] =	ssyncadd.remote.s32 $0x1  }
0xbf: {  	_ =	sfence.sel $0xFFFF  }
0xc0: {  	[dreg:$0x0] =	wrdreg $0xFFFFFFFF;
	(pc) =	sbr.abs _section_cstart, $3  }
0xc1: {  	[dreg:$0x1] =	wrdreg $0xFFFFFFFF  }
0xc2: {  	_ =	task.clear_ibuf [dreg:s7], $0x2FFFF;
	_ =	strace $0x9FFFFFFF  }
0xc3: {  	(tm) =	ssettm $0x7FFFFFFF  }
tec
execute0_lowered:
.L_overlay_start_1:
0x0: {  	(tag) =	ssettag $0x1  }
0x1: {  	s4 =	rddreg [dreg:$0x0]  }
0x2: {  	s0 =	srdreg.scid;
	s7 =	rddreg [dreg:$0x1]  }
0x3: {  	s13 =	stileid.u32;
	s1 =	rddreg [dreg:$0x2]  }
0x4: {  	s2 =	simm.s32 $0x0;
	s18 =	simm.s32 $0x0;
	s6 =	smul.u32 $0x2710, s13  }
0x5: {  	s5 =	sand.u32 $0x1, s0;
	s0 =	rddreg [dreg:$0x3];
	s10 =	smul.u32 $0x13800, s13  }
0x6: {  	[smem:$0x7FF] =	sst s2;
	s11 =	sadd.s32 $0x32E00, s4;
	s12 =	smul.u32 $0x4E000, s13  }
0x7: {  	s17 =	sadd.s32 $0x138000, s1;
	p0 =	sne.s32 s13, $0x0;
	s3 =	smul.u32 $0x27100, s5  }
0x8: {  	s15 =	sshll.u32 s13, $0x6;
	s13 =	simm.s32 $0x13900;
	s26 =	smul.u32 $0x138800, s5  }
0x9: {  	_ =	strace $0x80000047;
	s28 =	ssub.s32 $0x2, s5;
	s15 =	sor.u32 $0x1C01, s15  }
0xa: {  	s17 =	sshrl.u32 @!p0 s17, $0x3;
	s5 =	sshrl.u32 s28, $0x1;
	s31 =	sshrl.u32 s12, $0x2  }
0xb: {  	s12 =	simm.s32 $0x13880;
	s3 =	sadd.s32 s6, s3;
	s10 =	sadd.s32 s10, s26  }
0xc: {  	s14 =	ssub.s32 s28, s5;
	s30 =	sshrl.u32 s26, $0x3;
	s16 =	sadd.s32 s31, s1  }
0xd: {  	v0 =	vlaneseq.u32;
	s8 =	sshrl.u32 s3, $0x3;
	s3 =	sadd.s32 $0xBC00, s4;
	s29 =	sshrl.u32 s10, $0x3  }
0xe: {  	v0 =	vmul.u32 $0x80, v0;
	s5 =	sadd.s32 s11, s30;
	s6 =	smax.u32 s14, $0x1;
	s10 =	simm.s32 $0x1  }
0xf: {  	s14 =	simm.s32 $0x50;
	s16 =	sshrl.u32 s16, $0x3;
	s9 =	sadd.s32 s8, s4  }
0x10: {  	v1 =	vimm.f32 $1.000000000e+00;
	v6 =	vimm.f32 $0.0e+00;
	v2 =	vor.u32 $0x800, v0;
	s4 =	sadd.s32 s11, s29;
	s5 =	sadd.s32 $0x27000, s5;
	s7 =	sadd.s32 s8, s7  }
0x11: {  	v3 =	vor.u32 $0x1000, v0;
	v4 =	vor.u32 $0x1800, v0;
	v5 =	vor.u32 $0x2000, v0;
	s11 =	sshrl.u32 @!p0 s1, $0x3;
	s8 =	sadd.s32 $0x1E00, s9;
	s9 =	simm.s32 $0x13980  }
.LBB2_1:
0x12: {  	[tilespmem:s9], [sflag:$0x1] =	stream.linear.gather [hbm4b:s3+s2], $0x2800, $0x38;
	[tilespmem:$0x16180] =	vst v63  }
0x13: {  	_ =	swait.ge [sflag:s10], $0x2800  }
0x14: {  	[sflag:s10] =	ssyncset.done $0x0  }
0x15: {  	s19 =	simm.s32 @!p0 $0x1C01;
	[sflag:s10] =	ssyncadd.s32 $0xFFFFD800  }
0x16: {  	[spmem:s11], [sflag:s19] =	dma.local @!p0 [hbm:s3], $0x27100  }
0x17: {  	s19 =	simm.s32 @!p0 $0x1  }
0x18: {  	_ =	swait.ge @!p0 [sflag:s19], $0x27100  }
0x19: {  	[sflag:s19] =	ssyncset.done @!p0 $0x0  }
0x1a: {  	[sflag:s19] =	ssyncadd.s32 @!p0 $0xFFFD8F00  }
0x1b: {  	s19 =	simm.s32 $0x0;
	[bflag:$0x0] =	sbarrier.arrive $0xFFFF  }
.LBB2_2:
0x1c: {  	s20 =	sadd.s32 s19, s8  }
0x1d: {  	[tilespmem:s12], [sflag:$0x1] =	stream.linear.gather [hbm4b:s20+s2], $0x50, $0x38;
	[tilespmem:$0x16180] =	vst v63  }
0x1e: {  	_ =	swait.ge [sflag:s10], $0x50  }
0x1f: {  	[sflag:s10] =	ssyncset.done $0x0  }
0x20: {  	s31 =	sadd.s32 s19, s7;
	[sflag:s10] =	ssyncadd.s32 $0xFFFFFFB0  }
0x21: {  	[tilespmem:s13], [sflag:$0x1] =	stream.linear.gather [hbm4b:s31+s2], $0x50, $0x38;
	[tilespmem:$0x16180] =	vst v63  }
0x22: {  	_ =	swait.ge [sflag:s10], $0x50  }
0x23: {  	[sflag:s10] =	ssyncset.done $0x0  }
0x24: {  	[sflag:s10] =	ssyncadd.s32 $0xFFFFFFB0  }
0x25: {  	v7 =	vld [tilespmem:$0x13900];
	_ =	sdelay $0x4  }
0x26: {  	v7 =	vshll.u32 v7, $0x4  }
0x27: {  	v7 =	vadd.s32 v0, v7;
	_ =	sdelay $0x4  }
0x28: {  	[tilespmem:v7+s9+$0x0] =	vst.idx.msk $0xffff, v1  }
0x29: {  	v7 =	vld [tilespmem:$0x13910];
	_ =	sdelay $0x4  }
0x2a: {  	v7 =	vshll.u32 v7, $0x4  }
0x2b: {  	v7 =	vadd.s32 v2, v7;
	_ =	sdelay $0x4  }
0x2c: {  	[tilespmem:v7+s9+$0x0] =	vst.idx.msk $0xffff, v1  }
0x2d: {  	v7 =	vld [tilespmem:$0x13920];
	_ =	sdelay $0x4  }
0x2e: {  	v7 =	vshll.u32 v7, $0x4  }
0x2f: {  	v7 =	vadd.s32 v3, v7;
	_ =	sdelay $0x4  }
0x30: {  	[tilespmem:v7+s9+$0x0] =	vst.idx.msk $0xffff, v1  }
0x31: {  	v7 =	vld [tilespmem:$0x13930];
	_ =	sdelay $0x4  }
0x32: {  	v7 =	vshll.u32 v7, $0x4  }
0x33: {  	v7 =	vadd.s32 v4, v7;
	_ =	sdelay $0x4  }
0x34: {  	[tilespmem:v7+s9+$0x0] =	vst.idx.msk $0xffff, v1  }
0x35: {  	v7 =	vld [tilespmem:$0x13940];
	_ =	sdelay $0x4  }
0x36: {  	v7 =	vshll.u32 v7, $0x4  }
0x37: {  	v7 =	vadd.s32 v5, v7;
	_ =	sdelay $0x4  }
0x38: {  	[tilespmem:v7+s9+$0x0] =	vst.idx.msk $0xffff, v1  }
0x39: {  	[spmem:s1] =	stream.indirect.scatter.add.f32 [tilespmem:s9], [sflag:$0x1], $0x80, s12, s14, $0xb8;
	[tilespmem:$0x16180] =	vst v63  }
0x3a: {  	_ =	swait.ge [sflag:s10], $0x2800  }
0x3b: {  	[sflag:s10] =	ssyncset.done $0x0  }
0x3c: {  	[sflag:s10] =	ssyncadd.s32 $0xFFFFD800  }
0x3d: {  	v7 =	vld [tilespmem:$0x13900];
	_ =	sdelay $0x4  }
0x3e: {  	v7 =	vshll.u32 v7, $0x4  }
0x3f: {  	v7 =	vadd.s32 v0, v7;
	_ =	sdelay $0x4  }
0x40: {  	[tilespmem:v7+s9+$0x0] =	vst.idx.msk $0xffff, v6  }
0x41: {  	v7 =	vld [tilespmem:$0x13910];
	_ =	sdelay $0x4  }
0x42: {  	v7 =	vshll.u32 v7, $0x4  }
0x43: {  	v7 =	vadd.s32 v2, v7;
	_ =	sdelay $0x4  }
0x44: {  	[tilespmem:v7+s9+$0x0] =	vst.idx.msk $0xffff, v6  }
0x45: {  	v7 =	vld [tilespmem:$0x13920];
	_ =	sdelay $0x4  }
0x46: {  	v7 =	vshll.u32 v7, $0x4  }
0x47: {  	v7 =	vadd.s32 v3, v7;
	_ =	sdelay $0x4  }
0x48: {  	[tilespmem:v7+s9+$0x0] =	vst.idx.msk $0xffff, v6  }
0x49: {  	v7 =	vld [tilespmem:$0x13930];
	_ =	sdelay $0x4  }
0x4a: {  	v7 =	vshll.u32 v7, $0x4  }
0x4b: {  	v7 =	vadd.s32 v4, v7;
	_ =	sdelay $0x4  }
0x4c: {  	[tilespmem:v7+s9+$0x0] =	vst.idx.msk $0xffff, v6  }
0x4d: {  	v7 =	vld [tilespmem:$0x13940];
	_ =	sdelay $0x4  }
0x4e: {  	v7 =	vshll.u32 v7, $0x4  }
0x4f: {  	p1 =	sne.s32 s19, $0x4D8;
	v7 =	vadd.s32 v5, v7  }
.Ltmp0:
0x50: {  	_ = 	snop;
	(pc) =	sbr.rel @p1 .LBB2_2-.Ltmp0, $2  }
0x51: {  	_ =	sdelay $0x2  }
0x52: {  	s19 =	sadd.s32 $0xA, s19;
	[tilespmem:v7+s9+$0x0] =	vst.idx.msk $0xffff, v6  }
0x53: {  	[bflag:$0x0] =	sbarrier.arrive $0xFFFF  }
0x54: {  	[hbm:s4], [sflag:s15] =	dma.local [spmem:s16], $0x2700  }
0x55: {  	s18 =	sadd.s32 $0x1, s18;
	_ =	swait.ge [sflag:s10], $0x2700  }
0x56: {  	p1 =	sne.s32 s18, s6;
	[sflag:s10] =	ssyncset.done $0x0  }
.Ltmp1:
0x57: {  	s19 =	simm.s32 @!p0 $0x1;
	[sflag:s10] =	ssyncadd.s32 $0xFFFFD900;
	(pc) =	sbr.rel @p1 .LBB2_1-.Ltmp1, $4  }
0x58: {  	[hbm:s5], [sflag:s15] =	dma.local @!p0 [spmem:s17], $0x100  }
0x59: {  	_ =	swait.ge @!p0 [sflag:s19], $0x100  }
0x5a: {  	[sflag:s19] =	ssyncset.done @!p0 $0x0  }
0x5b: {  	[sflag:s19] =	ssyncadd.s32 @!p0 $0xFFFFFF00  }
0x5c: {  	_ =	sfence.sel $0x180000  }
0x5d: {  	[bflag:$0x0] =	sbarrier.arrive $0xFFFF  }
0x5e: {  	_ =	strace $0x90000047  }
0x5f: {  	s0 =	sadd.s32 @!p0 $0x100000, s0;
	[bflag:$0x2] =	sbarrier.arrive $0xFFFF  }
0x60: {  	[sflag:s0] =	ssyncadd.tile.s32 @!p0 $0x1;
	_ =	shalt  }
.Lfunc_end2:
_tile_overlayer_lowered:
.L_overlay_start_2:
0x61: {  	(tag) =	ssettag $0x2  }
0x62: {  	s0 =	rddreg [dreg:$0x0];
	s2 =	stileid.u32  }
0x63: {  	s1 =	rddreg [dreg:$0x1];
	p0 =	sne.s32 s2, $0x0  }
0x64: {  	s3 =	rddreg [dreg:$0x2];
	[bflag:$0x3] =	sbarrier.arrive $0xFFFF;
	s2 =	simm.s32 @!p0 $0x1C01  }
0x65: {  	[timem:s3], [sflag:s2] =	dma.local @!p0 [hbm:s0], s1  }
0x66: {  	s0 =	simm.s32 @!p0 $0x1  }
0x67: {  	_ =	swait.ge @!p0 [sflag:s0], s1  }
0x68: {  	s1 =	ssub.s32 @!p0 $0x0, s1;
	[sflag:s0] =	ssyncset.done @!p0 $0x0  }
0x69: {  	[sflag:s0] =	ssyncadd.s32 @!p0 s1  }
0x6a: {  	[bflag:$0x3] =	sbarrier.arrive $0xFFFF  }
0x6b: {  	_ =	shalt  }

</sc_bundles>
